<compile_context>
chip_gen: v7x
topology: tpu7x:2x2x1
jax: 0.10.2.dev20260603
libtpu: 0.0.44.dev20260713+nightly
codegen_flags: <defaults>
</compile_context>

<pallas_src>
import functools

import jax
import jax.numpy as jnp
from jax import lax
from jax.experimental import pallas as pl
from jax.experimental.pallas import tpu as pltpu
from jax.experimental.pallas import tpu_sc as plsc

_B, _C, _N, _K = 4, 128, 10000, 16

_NW = 32
_NODES_PER_TILE = _B * _N // _NW
_CHUNK = 10
_GROWS = 80
_ROWS = _CHUNK * _K
_NCHUNKS = _NODES_PER_TILE // _CHUNK
_LANES = 16
_CV = _C // _LANES


def _sc_pool_body(xt_hbm, idx_hbm, out_hbm, idx_v, r0, r1, o0, o1, gsem, ssem):
    wid = lax.axis_index("s") * 2 + lax.axis_index("c")
    node_base = wid * _NODES_PER_TILE
    pltpu.sync_copy(idx_hbm.at[pl.ds(node_base * _K, _NODES_PER_TILE * _K)],
                    idx_v)

    rbufs = (r0, r1)
    obufs = (o0, o1)

    def issue_gather(c, rbuf):
        for h in range(_ROWS // _GROWS):
            pltpu.async_copy(
                xt_hbm.at[idx_v.at[pl.ds(c * _ROWS + h * _GROWS, _GROWS)]],
                rbuf.at[pl.ds(h * _GROWS, _GROWS)], gsem)

    def wait_gather(rbuf):
        for h in range(_ROWS // _GROWS):
            pltpu.make_async_copy(xt_hbm.at[idx_v.at[pl.ds(0, _GROWS)]],
                                  rbuf.at[pl.ds(h * _GROWS, _GROWS)],
                                  gsem).wait()

    def drain_store(obuf):
        pltpu.make_async_copy(obuf, out_hbm.at[pl.ds(0, _CHUNK)], ssem).wait()

    issue_gather(0, r0)

    def step(s, carry):
        for bsel in range(2):
            c = s * 2 + bsel
            rbuf = rbufs[bsel]
            obuf = obufs[bsel]

            @pl.when(c < _NCHUNKS)
            def _():
                @pl.when(c + 1 < _NCHUNKS)
                def _():
                    issue_gather(c + 1, rbufs[1 - bsel])

                wait_gather(rbuf)

                @pl.when(c >= 2)
                def _():
                    drain_store(obuf)

                for g in range(_CHUNK):
                    base_row = g * _K
                    for ci in range(_CV):
                        sl = pl.ds(ci * _LANES, _LANES)
                        obuf[g, sl] = rbuf[base_row, sl]

                pltpu.async_copy(
                    obuf, out_hbm.at[pl.ds(node_base + c * _CHUNK, _CHUNK)],
                    ssem)
        return carry

    lax.fori_loop(0, (_NCHUNKS + 1) // 2, step, 0)
    drain_store(o1)
    drain_store(o0)


def _sc_pool(xt, idxg):
    mesh = plsc.VectorSubcoreMesh(core_axis_name="c", subcore_axis_name="s")
    f = functools.partial(
        pl.kernel,
        mesh=mesh,
        out_type=jax.ShapeDtypeStruct((_B * _N, _C), jnp.float32),
        scratch_types=[
            pltpu.VMEM((_NODES_PER_TILE * _K,), jnp.int32),
            pltpu.VMEM((_ROWS, _C), jnp.float32),
            pltpu.VMEM((_ROWS, _C), jnp.float32),
            pltpu.VMEM((_CHUNK, _C), jnp.float32),
            pltpu.VMEM((_CHUNK, _C), jnp.float32),
            pltpu.SemaphoreType.DMA,
            pltpu.SemaphoreType.DMA,
        ],
        compiler_params=pltpu.CompilerParams(use_tc_tiling_on_sc=False),
    )(_sc_pool_body)
    return f(xt, idxg)


def _tc_mlp_body(p_ref, w1_ref, b1_ref, w2_ref, b2_ref, o_ref):
    p = p_ref[0]
    h = lax.dot_general(w1_ref[...], p, (((1,), (1,)), ((), ())),
                        preferred_element_type=jnp.float32,
                        precision=lax.Precision.HIGHEST)
    h = jnp.maximum(h + b1_ref[...], 0.0)
    o = lax.dot_general(w2_ref[...], h, (((1,), (0,)), ((), ())),
                        preferred_element_type=jnp.float32,
                        precision=lax.Precision.HIGHEST)
    o_ref[0] = o + b2_ref[...]


def _tc_mlp(pooled, W1, b1c, W2, b2c):
    return pl.pallas_call(
        _tc_mlp_body,
        grid=(_B,),
        in_specs=[
            pl.BlockSpec((1, _N, _C), lambda b: (b, 0, 0)),
            pl.BlockSpec((_C, _C), lambda b: (0, 0)),
            pl.BlockSpec((_C, 1), lambda b: (0, 0)),
            pl.BlockSpec((_C, _C), lambda b: (0, 0)),
            pl.BlockSpec((_C, 1), lambda b: (0, 0)),
        ],
        out_specs=pl.BlockSpec((1, _C, _N), lambda b: (b, 0, 0)),
        out_shape=jax.ShapeDtypeStruct((_B, _C, _N), jnp.float32),
    )(pooled, W1, b1c, W2, b2c)


def kernel(x, idx, W1, b1, W2, b2):
    assert x.shape == (_B, _C, _N) and idx.shape == (_B, _N, _K)
    xt = jnp.reshape(jnp.transpose(x, (0, 2, 1)), (_B * _N, _C))
    offs = (jnp.arange(_B, dtype=jnp.int32) * _N)[:, None, None]
    idxg = jnp.reshape(idx.astype(jnp.int32) + offs, (_B * _N * _K,))
    pooled = _sc_pool(xt, idxg)
    pooled = jnp.reshape(pooled, (_B, _N, _C))
    return _tc_mlp(pooled, W1, jnp.reshape(b1, (_C, 1)),
                   W2, jnp.reshape(b2, (_C, 1)))

# --- scband reference (transcript-rebuilt; emitter-appended) ---
"""Pipeline reference for scband-graph-layer-10934986735970 (READ-ONLY COPY).

The authoritative reference and input builder live on the scoring server;
editing this copy changes nothing except your own understanding.
"""

import jax, jax.numpy as jnp
import numpy as np

B, C_IN, C_OUT, N, K = 4, 128, 128, 10000, 16


def setup_inputs(seed: int = 0) -> dict:
    key = jax.random.key(seed)
    k1, k2, k3, k4, k5, k6 = jax.random.split(key, 6)
    x = jax.random.normal(k1, (B, C_IN, N), dtype=jnp.float32)
    idx = jax.random.randint(k2, (B, N, K), 0, N, dtype=jnp.int64)
    s1 = 1.0 / np.sqrt(C_IN)
    W1 = jax.random.uniform(k3, (C_IN, C_IN), dtype=jnp.float32, minval=-s1, maxval=s1)
    b1 = jax.random.uniform(k4, (C_IN,), dtype=jnp.float32, minval=-s1, maxval=s1)
    W2 = jax.random.uniform(k5, (C_OUT, C_IN), dtype=jnp.float32, minval=-s1, maxval=s1)
    b2 = jax.random.uniform(k6, (C_OUT,), dtype=jnp.float32, minval=-s1, maxval=s1)
    return {"x": x, "idx": idx, "W1": W1, "b1": b1, "W2": W2, "b2": b2}


def local_maxpool(x, idx):
    # x: (B, C, N), idx: (B, N, k)
    x_t = jnp.transpose(x, (0, 2, 1))  # (B, N, C)
    nbrs = jax.vmap(lambda xt, ids: xt[ids])(x_t, idx)  # (B, N, k, C) gather
    pooled = jnp.max(nbrs, axis=2)  # (B, N, C)
    return jnp.transpose(pooled, (0, 2, 1))  # (B, C, N)


def reference(x, idx, W1, b1, W2, b2):
    pooled = local_maxpool(x, idx)  # (B, C_in, N)
    # Conv1d with kernel_size=1 == per-point linear over channels
    h = jnp.einsum('oi,bin->bon', W1, pooled) + b1[None, :, None]
    h = jax.nn.relu(h)
    out = jnp.einsum('oi,bin->bon', W2, h) + b2[None, :, None]
    return out

if __name__ == "__main__":
    import jax
    _d = setup_inputs()
    print(jax.jit(kernel)(*tuple(_d.values())))

</pallas_src>

<mosaic_0001>
#map = affine_map<(d0, d1) -> (0, 0)>
#map1 = affine_map<(d0, d1) -> (0)>
module attributes {stable_mosaic.version = 14 : i64} {
  func.func @_sc_pool_body(%arg0: i32, %arg1: i32, %arg2: memref<40000x128xf32, #tpu.memory_space<hbm>>, %arg3: memref<640000xi32, #tpu.memory_space<hbm>>, %arg4: memref<40000x128xf32, #tpu.memory_space<hbm>>, %arg5: memref<20000xi32, #tpu.memory_space<vmem>>, %arg6: memref<160x128xf32, #tpu.memory_space<vmem>>, %arg7: memref<160x128xf32, #tpu.memory_space<vmem>>, %arg8: memref<10x128xf32, #tpu.memory_space<vmem>>, %arg9: memref<10x128xf32, #tpu.memory_space<vmem>>, %arg10: memref<!tpu.dma_semaphore, #tpu.memory_space<semaphore_mem>>, %arg11: memref<!tpu.dma_semaphore, #tpu.memory_space<semaphore_mem>>) attributes {dimension_semantics = [#tpu.dimension_semantics<core_parallel>, #tpu.dimension_semantics<subcore_parallel>], iteration_bounds = array<i64: 2, 16>, scalar_prefetch = 0 : i64, scratch_operands = 7 : i64, tpu.core_type = #tpu.core_type<sc_vector_subcore>, window_params = [{transform_indices = #map}, {transform_indices = #map1}, {transform_indices = #map}]} {
    %mul3A = arith.constant 2 : i32
    %mul3A_0 = arith.muli %arg1, %mul3A : i32
    %add3A = arith.addi %mul3A_0, %arg0 : i32
    %mul3A_1 = arith.constant 1250 : i32
    %mul3A_2 = arith.muli %add3A, %mul3A_1 : i32
    %mul3A_3 = arith.constant 16 : i32
    %mul3A_4 = arith.muli %mul3A_2, %mul3A_3 : i32
    "tpu.region"() ({
      %run_scoped3A = tpu.sem_alloc : memref<!tpu.dma_semaphore, #tpu.memory_space<semaphore_mem>>
      %dma_start3A_36 = tpu.memref_slice %arg3[%mul3A_4] : memref<640000xi32, #tpu.memory_space<hbm>> -> memref<20000xi32, #tpu.memory_space<hbm>>
      %dma_start3A_37 = tpu.memref_slice %arg3[%mul3A_4] : memref<640000xi32, #tpu.memory_space<hbm>> -> memref<20000xi32, #tpu.memory_space<hbm>>
      tpu.enqueue_dma source(%dma_start3A_37 : memref<20000xi32, #tpu.memory_space<hbm>>) target(%arg5 : memref<20000xi32, #tpu.memory_space<vmem>>) target_semaphore(%run_scoped3A : memref<!tpu.dma_semaphore, #tpu.memory_space<semaphore_mem>>)
      %dma_wait3A_38 = tpu.memref_slice %arg3[%mul3A_4] : memref<640000xi32, #tpu.memory_space<hbm>> -> memref<20000xi32, #tpu.memory_space<hbm>>
      %dma_wait3A_39 = tpu.memref_slice %arg3[%mul3A_4] : memref<640000xi32, #tpu.memory_space<hbm>> -> memref<20000xi32, #tpu.memory_space<hbm>>
      tpu.wait_dma2 semaphore(%run_scoped3A : memref<!tpu.dma_semaphore, #tpu.memory_space<semaphore_mem>>) src(%dma_wait3A_39 : memref<20000xi32, #tpu.memory_space<hbm>>) dst(%arg5 : memref<20000xi32, #tpu.memory_space<vmem>>)
      tpu.yield
    }) : () -> ()
    %dma_start3A = arith.constant 0 : i32
    %dma_start3A_5 = arith.constant 0 : i32
    %dma_start3A_6 = tpu.memref_slice %arg6[%dma_start3A, %dma_start3A_5] : memref<160x128xf32, #tpu.memory_space<vmem>> -> memref<80x128xf32, #tpu.memory_space<vmem>>
    %dma_start3A_7 = arith.constant 0 : i32
    %dma_start3A_8 = tpu.memref_slice %arg5[%dma_start3A_7] : memref<20000xi32, #tpu.memory_space<vmem>> -> memref<80xi32, #tpu.memory_space<vmem>>
    %dma_start3A_9 = arith.constant 0 : i32
    %dma_start3A_10 = arith.constant 0 : i32
    %dma_start3A_11 = tpu.memref_slice %arg2[%dma_start3A_9, %dma_start3A_10] : memref<40000x128xf32, #tpu.memory_space<hbm>> -> memref<40000x128xf32, #tpu.memory_space<hbm>>
    tpu.enqueue_indirect_dma source(%dma_start3A_11 : memref<40000x128xf32, #tpu.memory_space<hbm>>) target(%dma_start3A_6 : memref<80x128xf32, #tpu.memory_space<vmem>>) offsets(%dma_start3A_8 : memref<80xi32, #tpu.memory_space<vmem>>) semaphore(%arg10 : memref<!tpu.dma_semaphore, #tpu.memory_space<semaphore_mem>>)
    %dma_start3A_12 = arith.constant 80 : i32
    %dma_start3A_13 = arith.constant 0 : i32
    %dma_start3A_14 = tpu.memref_slice %arg6[%dma_start3A_12, %dma_start3A_13] : memref<160x128xf32, #tpu.memory_space<vmem>> -> memref<80x128xf32, #tpu.memory_space<vmem>>
    %dma_start3A_15 = arith.constant 80 : i32
    %dma_start3A_16 = tpu.memref_slice %arg5[%dma_start3A_15] : memref<20000xi32, #tpu.memory_space<vmem>> -> memref<80xi32, #tpu.memory_space<vmem>>
    %dma_start3A_17 = arith.constant 0 : i32
    %dma_start3A_18 = arith.constant 0 : i32
    %dma_start3A_19 = tpu.memref_slice %arg2[%dma_start3A_17, %dma_start3A_18] : memref<40000x128xf32, #tpu.memory_space<hbm>> -> memref<40000x128xf32, #tpu.memory_space<hbm>>
    tpu.enqueue_indirect_dma source(%dma_start3A_19 : memref<40000x128xf32, #tpu.memory_space<hbm>>) target(%dma_start3A_14 : memref<80x128xf32, #tpu.memory_space<vmem>>) offsets(%dma_start3A_16 : memref<80xi32, #tpu.memory_space<vmem>>) semaphore(%arg10 : memref<!tpu.dma_semaphore, #tpu.memory_space<semaphore_mem>>)
    %scan3A = arith.constant 0 : i32
    %scan3A_20 = arith.constant 0 : i32
    %scan3A_21 = arith.constant 63 : i32
    %scan3A_22 = arith.addi %scan3A_20, %scan3A_21 : i32
    %scan3A_23 = arith.constant 1 : i32
    scf.for %scan3A_36 = %scan3A_20 to %scan3A_22 step %scan3A_23  : i32 {
      %mul3A_37 = arith.constant 2 : i32
      %mul3A_38 = arith.muli %scan3A_36, %mul3A_37 : i32
      %add3A_39 = arith.constant 0 : i32
      %add3A_40 = arith.addi %mul3A_38, %add3A_39 : i32
      %lt3A = arith.constant 125 : i32
      %lt3A_41 = arith.cmpi slt, %add3A_40, %lt3A : i32
      %convert_element_type3A = arith.extui %lt3A_41 : i1 to i32
      %cond3A = arith.constant 0 : i32
      %cond3A_42 = arith.cmpi ne, %convert_element_type3A, %cond3A : i32
      scf.if %cond3A_42 {
        %add3A_52 = arith.constant 1 : i32
        %add3A_53 = arith.addi %add3A_40, %add3A_52 : i32
        %lt3A_54 = arith.constant 125 : i32
        %lt3A_55 = arith.cmpi slt, %add3A_53, %lt3A_54 : i32
        %convert_element_type3A_56 = arith.extui %lt3A_55 : i1 to i32
        %cond3A_57 = arith.constant 0 : i32
        %cond3A_58 = arith.cmpi ne, %convert_element_type3A_56, %cond3A_57 : i32
        scf.if %cond3A_58 {
          %add3A_964 = arith.constant 1 : i32
          %add3A_965 = arith.addi %add3A_40, %add3A_964 : i32
          %mul3A_966 = arith.constant 160 : i32
          %mul3A_967 = arith.muli %add3A_965, %mul3A_966 : i32
          %add3A_968 = arith.constant 0 : i32
          %add3A_969 = arith.addi %mul3A_967, %add3A_968 : i32
          %dma_start3A_970 = arith.constant 0 : i32
          %dma_start3A_971 = arith.constant 0 : i32
          %dma_start3A_972 = tpu.memref_slice %arg7[%dma_start3A_970, %dma_start3A_971] : memref<160x128xf32, #tpu.memory_space<vmem>> -> memref<80x128xf32, #tpu.memory_space<vmem>>
          %dma_start3A_973 = tpu.memref_slice %arg5[%add3A_969] : memref<20000xi32, #tpu.memory_space<vmem>> -> memref<80xi32, #tpu.memory_space<vmem>>
          %dma_start3A_974 = arith.constant 0 : i32
          %dma_start3A_975 = arith.constant 0 : i32
          %dma_start3A_976 = tpu.memref_slice %arg2[%dma_start3A_974, %dma_start3A_975] : memref<40000x128xf32, #tpu.memory_space<hbm>> -> memref<40000x128xf32, #tpu.memory_space<hbm>>
          tpu.enqueue_indirect_dma source(%dma_start3A_976 : memref<40000x128xf32, #tpu.memory_space<hbm>>) target(%dma_start3A_972 : memref<80x128xf32, #tpu.memory_space<vmem>>) offsets(%dma_start3A_973 : memref<80xi32, #tpu.memory_space<vmem>>) semaphore(%arg10 : memref<!tpu.dma_semaphore, #tpu.memory_space<semaphore_mem>>)
          %mul3A_977 = arith.constant 160 : i32
          %mul3A_978 = arith.muli %add3A_965, %mul3A_977 : i32
          %add3A_979 = arith.constant 80 : i32
          %add3A_980 = arith.addi %mul3A_978, %add3A_979 : i32
          %dma_start3A_981 = arith.constant 80 : i32
          %dma_start3A_982 = arith.constant 0 : i32
          %dma_start3A_983 = tpu.memref_slice %arg7[%dma_start3A_981, %dma_start3A_982] : memref<160x128xf32, #tpu.memory_space<vmem>> -> memref<80x128xf32, #tpu.memory_space<vmem>>
          %dma_start3A_984 = tpu.memref_slice %arg5[%add3A_980] : memref<20000xi32, #tpu.memory_space<vmem>> -> memref<80xi32, #tpu.memory_space<vmem>>
          %dma_start3A_985 = arith.constant 0 : i32
          %dma_start3A_986 = arith.constant 0 : i32
          %dma_start3A_987 = tpu.memref_slice %arg2[%dma_start3A_985, %dma_start3A_986] : memref<40000x128xf32, #tpu.memory_space<hbm>> -> memref<40000x128xf32, #tpu.memory_space<hbm>>
          tpu.enqueue_indirect_dma source(%dma_start3A_987 : memref<40000x128xf32, #tpu.memory_space<hbm>>) target(%dma_start3A_983 : memref<80x128xf32, #tpu.memory_space<vmem>>) offsets(%dma_start3A_984 : memref<80xi32, #tpu.memory_space<vmem>>) semaphore(%arg10 : memref<!tpu.dma_semaphore, #tpu.memory_space<semaphore_mem>>)
        } else {
        }
        %dma_wait3A_59 = arith.constant 0 : i32
        %dma_wait3A_60 = arith.constant 0 : i32
        %dma_wait3A_61 = tpu.memref_slice %arg6[%dma_wait3A_59, %dma_wait3A_60] : memref<160x128xf32, #tpu.memory_space<vmem>> -> memref<80x128xf32, #tpu.memory_space<vmem>>
        %dma_wait3A_62 = arith.constant 0 : i32
        %dma_wait3A_63 = tpu.memref_slice %arg5[%dma_wait3A_62] : memref<20000xi32, #tpu.memory_space<vmem>> -> memref<80xi32, #tpu.memory_space<vmem>>
        %dma_wait3A_64 = arith.constant 0 : i32
        %dma_wait3A_65 = arith.constant 0 : i32
        %dma_wait3A_66 = tpu.memref_slice %arg2[%dma_wait3A_64, %dma_wait3A_65] : memref<40000x128xf32, #tpu.memory_space<hbm>> -> memref<40000x128xf32, #tpu.memory_space<hbm>>
        tpu.wait_indirect_dma semaphore(%arg10 : memref<!tpu.dma_semaphore, #tpu.memory_space<semaphore_mem>>) src(%dma_wait3A_66 : memref<40000x128xf32, #tpu.memory_space<hbm>>) dst(%dma_wait3A_61 : memref<80x128xf32, #tpu.memory_space<vmem>>)
        %dma_wait3A_67 = arith.constant 80 : i32
        %dma_wait3A_68 = arith.constant 0 : i32
        %dma_wait3A_69 = tpu.memref_slice %arg6[%dma_wait3A_67, %dma_wait3A_68] : memref<160x128xf32, #tpu.memory_space<vmem>> -> memref<80x128xf32, #tpu.memory_space<vmem>>
        %dma_wait3A_70 = arith.constant 0 : i32
        %dma_wait3A_71 = tpu.memref_slice %arg5[%dma_wait3A_70] : memref<20000xi32, #tpu.memory_space<vmem>> -> memref<80xi32, #tpu.memory_space<vmem>>
        %dma_wait3A_72 = arith.constant 0 : i32
        %dma_wait3A_73 = arith.constant 0 : i32
        %dma_wait3A_74 = tpu.memref_slice %arg2[%dma_wait3A_72, %dma_wait3A_73] : memref<40000x128xf32, #tpu.memory_space<hbm>> -> memref<40000x128xf32, #tpu.memory_space<hbm>>
        tpu.wait_indirect_dma semaphore(%arg10 : memref<!tpu.dma_semaphore, #tpu.memory_space<semaphore_mem>>) src(%dma_wait3A_74 : memref<40000x128xf32, #tpu.memory_space<hbm>>) dst(%dma_wait3A_69 : memref<80x128xf32, #tpu.memory_space<vmem>>)
        %ge3A = arith.constant 2 : i32
        %ge3A_75 = arith.cmpi sge, %add3A_40, %ge3A : i32
        %convert_element_type3A_76 = arith.extui %ge3A_75 : i1 to i32
        %cond3A_77 = arith.constant 0 : i32
        %cond3A_78 = arith.cmpi ne, %convert_element_type3A_76, %cond3A_77 : i32
        scf.if %cond3A_78 {
          %dma_wait3A_964 = arith.constant 0 : i32
          %dma_wait3A_965 = arith.constant 0 : i32
          %dma_wait3A_966 = tpu.memref_slice %arg4[%dma_wait3A_964, %dma_wait3A_965] : memref<40000x128xf32, #tpu.memory_space<hbm>> -> memref<10x128xf32, #tpu.memory_space<hbm>>
          %dma_wait3A_967 = arith.constant 0 : i32
          %dma_wait3A_968 = arith.constant 0 : i32
          %dma_wait3A_969 = tpu.memref_slice %arg4[%dma_wait3A_967, %dma_wait3A_968] : memref<40000x128xf32, #tpu.memory_space<hbm>> -> memref<10x128xf32, #tpu.memory_space<hbm>>
          tpu.wait_dma2 semaphore(%arg11 : memref<!tpu.dma_semaphore, #tpu.memory_space<semaphore_mem>>) src(%arg8 : memref<10x128xf32, #tpu.memory_space<vmem>>) dst(%dma_wait3A_969 : memref<10x128xf32, #tpu.memory_space<hbm>>)
        } else {
        }
        %get3A = arith.constant 0 : i32
        %get3A_79 = arith.index_cast %get3A : i32 to index
        %get3A_80 = arith.constant 0 : index
        %get3A_81 = tpu.vector_load %arg6[%get3A_79, %get3A_80] {strides = array<i32>} : memref<160x128xf32, #tpu.memory_space<vmem>>, vector<1x16xf32>,
        %get3A_82 = vector.shape_cast %get3A_81 : vector<1x16xf32> to vector<16xf32>
        %swap3A = arith.constant 0 : i32
        %swap3A_83 = arith.index_cast %swap3A : i32 to index
        %swap3A_84 = arith.constant 0 : index
        %swap3A_85 = tpu.vector_load %arg8[%swap3A_83, %swap3A_84] {strides = array<i32>} : memref<10x128xf32, #tpu.memory_space<vmem>>, vector<1x16xf32>,
        %swap3A_86 = vector.shape_cast %swap3A_85 : vector<1x16xf32> to vector<16xf32>
        %swap3A_87 = vector.shape_cast %get3A_82 : vector<16xf32> to vector<1x16xf32>
        tpu.vector_store %arg8[%swap3A_83, %swap3A_84], %swap3A_87 {strides = array<i32>} : memref<10x128xf32, #tpu.memory_space<vmem>>, vector<1x16xf32>,
        %get3A_88 = arith.constant 0 : i32
        %get3A_89 = arith.index_cast %get3A_88 : i32 to index
        %get3A_90 = arith.constant 16 : index
        %get3A_91 = tpu.vector_load %arg6[%get3A_89, %get3A_90] {strides = array<i32>} : memref<160x128xf32, #tpu.memory_space<vmem>>, vector<1x16xf32>,
        %get3A_92 = vector.shape_cast %get3A_91 : vector<1x16xf32> to vector<16xf32>
        %swap3A_93 = arith.constant 0 : i32
        %swap3A_94 = arith.index_cast %swap3A_93 : i32 to index
        %swap3A_95 = arith.constant 16 : index
        %swap3A_96 = tpu.vector_load %arg8[%swap3A_94, %swap3A_95] {strides = array<i32>} : memref<10x128xf32, #tpu.memory_space<vmem>>, vector<1x16xf32>,
        %swap3A_97 = vector.shape_cast %swap3A_96 : vector<1x16xf32> to vector<16xf32>
        %swap3A_98 = vector.shape_cast %get3A_92 : vector<16xf32> to vector<1x16xf32>
        tpu.vector_store %arg8[%swap3A_94, %swap3A_95], %swap3A_98 {strides = array<i32>} : memref<10x128xf32, #tpu.memory_space<vmem>>, vector<1x16xf32>,
        %get3A_99 = arith.constant 0 : i32
        %get3A_100 = arith.index_cast %get3A_99 : i32 to index
        %get3A_101 = arith.constant 32 : index
        %get3A_102 = tpu.vector_load %arg6[%get3A_100, %get3A_101] {strides = array<i32>} : memref<160x128xf32, #tpu.memory_space<vmem>>, vector<1x16xf32>,
        %get3A_103 = vector.shape_cast %get3A_102 : vector<1x16xf32> to vector<16xf32>
        %swap3A_104 = arith.constant 0 : i32
        %swap3A_105 = arith.index_cast %swap3A_104 : i32 to index
        %swap3A_106 = arith.constant 32 : index
        %swap3A_107 = tpu.vector_load %arg8[%swap3A_105, %swap3A_106] {strides = array<i32>} : memref<10x128xf32, #tpu.memory_space<vmem>>, vector<1x16xf32>,
        %swap3A_108 = vector.shape_cast %swap3A_107 : vector<1x16xf32> to vector<16xf32>
        %swap3A_109 = vector.shape_cast %get3A_103 : vector<16xf32> to vector<1x16xf32>
        tpu.vector_store %arg8[%swap3A_105, %swap3A_106], %swap3A_109 {strides = array<i32>} : memref<10x128xf32, #tpu.memory_space<vmem>>, vector<1x16xf32>,
        %get3A_110 = arith.constant 0 : i32
        %get3A_111 = arith.index_cast %get3A_110 : i32 to index
        %get3A_112 = arith.constant 48 : index
        %get3A_113 = tpu.vector_load %arg6[%get3A_111, %get3A_112] {strides = array<i32>} : memref<160x128xf32, #tpu.memory_space<vmem>>, vector<1x16xf32>,
        %get3A_114 = vector.shape_cast %get3A_113 : vector<1x16xf32> to vector<16xf32>
        %swap3A_115 = arith.constant 0 : i32
        %swap3A_116 = arith.index_cast %swap3A_115 : i32 to index
        %swap3A_117 = arith.constant 48 : index
        %swap3A_118 = tpu.vector_load %arg8[%swap3A_116, %swap3A_117] {strides = array<i32>} : memref<10x128xf32, #tpu.memory_space<vmem>>, vector<1x16xf32>,
        %swap3A_119 = vector.shape_cast %swap3A_118 : vector<1x16xf32> to vector<16xf32>
        %swap3A_120 = vector.shape_cast %get3A_114 : vector<16xf32> to vector<1x16xf32>
        tpu.vector_store %arg8[%swap3A_116, %swap3A_117], %swap3A_120 {strides = array<i32>} : memref<10x128xf32, #tpu.memory_space<vmem>>, vector<1x16xf32>,
        %get3A_121 = arith.constant 0 : i32
        %get3A_122 = arith.index_cast %get3A_121 : i32 to index
        %get3A_123 = arith.constant 64 : index
        %get3A_124 = tpu.vector_load %arg6[%get3A_122, %get3A_123] {strides = array<i32>} : memref<160x128xf32, #tpu.memory_space<vmem>>, vector<1x16xf32>,
        %get3A_125 = vector.shape_cast %get3A_124 : vector<1x16xf32> to vector<16xf32>
        %swap3A_126 = arith.constant 0 : i32
        %swap3A_127 = arith.index_cast %swap3A_126 : i32 to index
        %swap3A_128 = arith.constant 64 : index
        %swap3A_129 = tpu.vector_load %arg8[%swap3A_127, %swap3A_128] {strides = array<i32>} : memref<10x128xf32, #tpu.memory_space<vmem>>, vector<1x16xf32>,
        %swap3A_130 = vector.shape_cast %swap3A_129 : vector<1x16xf32> to vector<16xf32>
        %swap3A_131 = vector.shape_cast %get3A_125 : vector<16xf32> to vector<1x16xf32>
        tpu.vector_store %arg8[%swap3A_127, %swap3A_128], %swap3A_131 {strides = array<i32>} : memref<10x128xf32, #tpu.memory_space<vmem>>, vector<1x16xf32>,
        %get3A_132 = arith.constant 0 : i32
        %get3A_133 = arith.index_cast %get3A_132 : i32 to index
        %get3A_134 = arith.constant 80 : index
        %get3A_135 = tpu.vector_load %arg6[%get3A_133, %get3A_134] {strides = array<i32>} : memref<160x128xf32, #tpu.memory_space<vmem>>, vector<1x16xf32>,
        %get3A_136 = vector.shape_cast %get3A_135 : vector<1x16xf32> to vector<16xf32>
        %swap3A_137 = arith.constant 0 : i32
        %swap3A_138 = arith.index_cast %swap3A_137 : i32 to index
        %swap3A_139 = arith.constant 80 : index
        %swap3A_140 = tpu.vector_load %arg8[%swap3A_138, %swap3A_139] {strides = array<i32>} : memref<10x128xf32, #tpu.memory_space<vmem>>, vector<1x16xf32>,
        %swap3A_141 = vector.shape_cast %swap3A_140 : vector<1x16xf32> to vector<16xf32>
        %swap3A_142 = vector.shape_cast %get3A_136 : vector<16xf32> to vector<1x16xf32>
        tpu.vector_store %arg8[%swap3A_138, %swap3A_139], %swap3A_142 {strides = array<i32>} : memref<10x128xf32, #tpu.memory_space<vmem>>, vector<1x16xf32>,
        %get3A_143 = arith.constant 0 : i32
        %get3A_144 = arith.index_cast %get3A_143 : i32 to index
        %get3A_145 = arith.constant 96 : index
        %get3A_146 = tpu.vector_load %arg6[%get3A_144, %get3A_145] {strides = array<i32>} : memref<160x128xf32, #tpu.memory_space<vmem>>, vector<1x16xf32>,
        %get3A_147 = vector.shape_cast %get3A_146 : vector<1x16xf32> to vector<16xf32>
        %swap3A_148 = arith.constant 0 : i32
        %swap3A_149 = arith.index_cast %swap3A_148 : i32 to index
        %swap3A_150 = arith.constant 96 : index
        %swap3A_151 = tpu.vector_load %arg8[%swap3A_149, %swap3A_150] {strides = array<i32>} : memref<10x128xf32, #tpu.memory_space<vmem>>, vector<1x16xf32>,
        %swap3A_152 = vector.shape_cast %swap3A_151 : vector<1x16xf32> to vector<16xf32>
        %swap3A_153 = vector.shape_cast %get3A_147 : vector<16xf32> to vector<1x16xf32>
        tpu.vector_store %arg8[%swap3A_149, %swap3A_150], %swap3A_153 {strides = array<i32>} : memref<10x128xf32, #tpu.memory_space<vmem>>, vector<1x16xf32>,
        %get3A_154 = arith.constant 0 : i32
        %get3A_155 = arith.index_cast %get3A_154 : i32 to index
        %get3A_156 = arith.constant 112 : index
        %get3A_157 = tpu.vector_load %arg6[%get3A_155, %get3A_156] {strides = array<i32>} : memref<160x128xf32, #tpu.memory_space<vmem>>, vector<1x16xf32>,
        %get3A_158 = vector.shape_cast %get3A_157 : vector<1x16xf32> to vector<16xf32>
        %swap3A_159 = arith.constant 0 : i32
        %swap3A_160 = arith.index_cast %swap3A_159 : i32 to index
        %swap3A_161 = arith.constant 112 : index
        %swap3A_162 = tpu.vector_load %arg8[%swap3A_160, %swap3A_161] {strides = array<i32>} : memref<10x128xf32, #tpu.memory_space<vmem>>, vector<1x16xf32>,
        %swap3A_163 = vector.shape_cast %swap3A_162 : vector<1x16xf32> to vector<16xf32>
        %swap3A_164 = vector.shape_cast %get3A_158 : vector<16xf32> to vector<1x16xf32>
        tpu.vector_store %arg8[%swap3A_160, %swap3A_161], %swap3A_164 {strides = array<i32>} : memref<10x128xf32, #tpu.memory_space<vmem>>, vector<1x16xf32>,
        %get3A_165 = arith.constant 16 : i32
        %get3A_166 = arith.index_cast %get3A_165 : i32 to index
        %get3A_167 = arith.constant 0 : index
        %get3A_168 = tpu.vector_load %arg6[%get3A_166, %get3A_167] {strides = array<i32>} : memref<160x128xf32, #tpu.memory_space<vmem>>, vector<1x16xf32>,
        %get3A_169 = vector.shape_cast %get3A_168 : vector<1x16xf32> to vector<16xf32>
        %swap3A_170 = arith.constant 1 : i32
        %swap3A_171 = arith.index_cast %swap3A_170 : i32 to index
        %swap3A_172 = arith.constant 0 : index
        %swap3A_173 = tpu.vector_load %arg8[%swap3A_171, %swap3A_172] {strides = array<i32>} : memref<10x128xf32, #tpu.memory_space<vmem>>, vector<1x16xf32>,
        %swap3A_174 = vector.shape_cast %swap3A_173 : vector<1x16xf32> to vector<16xf32>
        %swap3A_175 = vector.shape_cast %get3A_169 : vector<16xf32> to vector<1x16xf32>
        tpu.vector_store %arg8[%swap3A_171, %swap3A_172], %swap3A_175 {strides = array<i32>} : memref<10x128xf32, #tpu.memory_space<vmem>>, vector<1x16xf32>,
        %get3A_176 = arith.constant 16 : i32
        %get3A_177 = arith.index_cast %get3A_176 : i32 to index
        %get3A_178 = arith.constant 16 : index
        %get3A_179 = tpu.vector_load %arg6[%get3A_177, %get3A_178] {strides = array<i32>} : memref<160x128xf32, #tpu.memory_space<vmem>>, vector<1x16xf32>,
        %get3A_180 = vector.shape_cast %get3A_179 : vector<1x16xf32> to vector<16xf32>
        %swap3A_181 = arith.constant 1 : i32
        %swap3A_182 = arith.index_cast %swap3A_181 : i32 to index
        %swap3A_183 = arith.constant 16 : index
        %swap3A_184 = tpu.vector_load %arg8[%swap3A_182, %swap3A_183] {strides = array<i32>} : memref<10x128xf32, #tpu.memory_space<vmem>>, vector<1x16xf32>,
        %swap3A_185 = vector.shape_cast %swap3A_184 : vector<1x16xf32> to vector<16xf32>
        %swap3A_186 = vector.shape_cast %get3A_180 : vector<16xf32> to vector<1x16xf32>
        tpu.vector_store %arg8[%swap3A_182, %swap3A_183], %swap3A_186 {strides = array<i32>} : memref<10x128xf32, #tpu.memory_space<vmem>>, vector<1x16xf32>,
        %get3A_187 = arith.constant 16 : i32
        %get3A_188 = arith.index_cast %get3A_187 : i32 to index
        %get3A_189 = arith.constant 32 : index
        %get3A_190 = tpu.vector_load %arg6[%get3A_188, %get3A_189] {strides = array<i32>} : memref<160x128xf32, #tpu.memory_space<vmem>>, vector<1x16xf32>,
        %get3A_191 = vector.shape_cast %get3A_190 : vector<1x16xf32> to vector<16xf32>
        %swap3A_192 = arith.constant 1 : i32
        %swap3A_193 = arith.index_cast %swap3A_192 : i32 to index
        %swap3A_194 = arith.constant 32 : index
        %swap3A_195 = tpu.vector_load %arg8[%swap3A_193, %swap3A_194] {strides = array<i32>} : memref<10x128xf32, #tpu.memory_space<vmem>>, vector<1x16xf32>,
        %swap3A_196 = vector.shape_cast %swap3A_195 : vector<1x16xf32> to vector<16xf32>
        %swap3A_197 = vector.shape_cast %get3A_191 : vector<16xf32> to vector<1x16xf32>
        tpu.vector_store %arg8[%swap3A_193, %swap3A_194], %swap3A_197 {strides = array<i32>} : memref<10x128xf32, #tpu.memory_space<vmem>>, vector<1x16xf32>,
        %get3A_198 = arith.constant 16 : i32
        %get3A_199 = arith.index_cast %get3A_198 : i32 to index
        %get3A_200 = arith.constant 48 : index
        %get3A_201 = tpu.vector_load %arg6[%get3A_199, %get3A_200] {strides = array<i32>} : memref<160x128xf32, #tpu.memory_space<vmem>>, vector<1x16xf32>,
        %get3A_202 = vector.shape_cast %get3A_201 : vector<1x16xf32> to vector<16xf32>
        %swap3A_203 = arith.constant 1 : i32
        %swap3A_204 = arith.index_cast %swap3A_203 : i32 to index
        %swap3A_205 = arith.constant 48 : index
        %swap3A_206 = tpu.vector_load %arg8[%swap3A_204, %swap3A_205] {strides = array<i32>} : memref<10x128xf32, #tpu.memory_space<vmem>>, vector<1x16xf32>,
        %swap3A_207 = vector.shape_cast %swap3A_206 : vector<1x16xf32> to vector<16xf32>
        %swap3A_208 = vector.shape_cast %get3A_202 : vector<16xf32> to vector<1x16xf32>
        tpu.vector_store %arg8[%swap3A_204, %swap3A_205], %swap3A_208 {strides = array<i32>} : memref<10x128xf32, #tpu.memory_space<vmem>>, vector<1x16xf32>,
        %get3A_209 = arith.constant 16 : i32
        %get3A_210 = arith.index_cast %get3A_209 : i32 to index
        %get3A_211 = arith.constant 64 : index
        %get3A_212 = tpu.vector_load %arg6[%get3A_210, %get3A_211] {strides = array<i32>} : memref<160x128xf32, #tpu.memory_space<vmem>>, vector<1x16xf32>,
        %get3A_213 = vector.shape_cast %get3A_212 : vector<1x16xf32> to vector<16xf32>
        %swap3A_214 = arith.constant 1 : i32
        %swap3A_215 = arith.index_cast %swap3A_214 : i32 to index
        %swap3A_216 = arith.constant 64 : index
        %swap3A_217 = tpu.vector_load %arg8[%swap3A_215, %swap3A_216] {strides = array<i32>} : memref<10x128xf32, #tpu.memory_space<vmem>>, vector<1x16xf32>,
        %swap3A_218 = vector.shape_cast %swap3A_217 : vector<1x16xf32> to vector<16xf32>
        %swap3A_219 = vector.shape_cast %get3A_213 : vector<16xf32> to vector<1x16xf32>
        tpu.vector_store %arg8[%swap3A_215, %swap3A_216], %swap3A_219 {strides = array<i32>} : memref<10x128xf32, #tpu.memory_space<vmem>>, vector<1x16xf32>,
        %get3A_220 = arith.constant 16 : i32
        %get3A_221 = arith.index_cast %get3A_220 : i32 to index
        %get3A_222 = arith.constant 80 : index
        %get3A_223 = tpu.vector_load %arg6[%get3A_221, %get3A_222] {strides = array<i32>} : memref<160x128xf32, #tpu.memory_space<vmem>>, vector<1x16xf32>,
        %get3A_224 = vector.shape_cast %get3A_223 : vector<1x16xf32> to vector<16xf32>
        %swap3A_225 = arith.constant 1 : i32
        %swap3A_226 = arith.index_cast %swap3A_225 : i32 to index
        %swap3A_227 = arith.constant 80 : index
        %swap3A_228 = tpu.vector_load %arg8[%swap3A_226, %swap3A_227] {strides = array<i32>} : memref<10x128xf32, #tpu.memory_space<vmem>>, vector<1x16xf32>,
        %swap3A_229 = vector.shape_cast %swap3A_228 : vector<1x16xf32> to vector<16xf32>
        %swap3A_230 = vector.shape_cast %get3A_224 : vector<16xf32> to vector<1x16xf32>
        tpu.vector_store %arg8[%swap3A_226, %swap3A_227], %swap3A_230 {strides = array<i32>} : memref<10x128xf32, #tpu.memory_space<vmem>>, vector<1x16xf32>,
        %get3A_231 = arith.constant 16 : i32
        %get3A_232 = arith.index_cast %get3A_231 : i32 to index
        %get3A_233 = arith.constant 96 : index
        %get3A_234 = tpu.vector_load %arg6[%get3A_232, %get3A_233] {strides = array<i32>} : memref<160x128xf32, #tpu.memory_space<vmem>>, vector<1x16xf32>,
        %get3A_235 = vector.shape_cast %get3A_234 : vector<1x16xf32> to vector<16xf32>
        %swap3A_236 = arith.constant 1 : i32
        %swap3A_237 = arith.index_cast %swap3A_236 : i32 to index
        %swap3A_238 = arith.constant 96 : index
        %swap3A_239 = tpu.vector_load %arg8[%swap3A_237, %swap3A_238] {strides = array<i32>} : memref<10x128xf32, #tpu.memory_space<vmem>>, vector<1x16xf32>,
        %swap3A_240 = vector.shape_cast %swap3A_239 : vector<1x16xf32> to vector<16xf32>
        %swap3A_241 = vector.shape_cast %get3A_235 : vector<16xf32> to vector<1x16xf32>
        tpu.vector_store %arg8[%swap3A_237, %swap3A_238], %swap3A_241 {strides = array<i32>} : memref<10x128xf32, #tpu.memory_space<vmem>>, vector<1x16xf32>,
        %get3A_242 = arith.constant 16 : i32
        %get3A_243 = arith.index_cast %get3A_242 : i32 to index
        %get3A_244 = arith.constant 112 : index
        %get3A_245 = tpu.vector_load %arg6[%get3A_243, %get3A_244] {strides = array<i32>} : memref<160x128xf32, #tpu.memory_space<vmem>>, vector<1x16xf32>,
        %get3A_246 = vector.shape_cast %get3A_245 : vector<1x16xf32> to vector<16xf32>
        %swap3A_247 = arith.constant 1 : i32
        %swap3A_248 = arith.index_cast %swap3A_247 : i32 to index
        %swap3A_249 = arith.constant 112 : index
        %swap3A_250 = tpu.vector_load %arg8[%swap3A_248, %swap3A_249] {strides = array<i32>} : memref<10x128xf32, #tpu.memory_space<vmem>>, vector<1x16xf32>,
        %swap3A_251 = vector.shape_cast %swap3A_250 : vector<1x16xf32> to vector<16xf32>
        %swap3A_252 = vector.shape_cast %get3A_246 : vector<16xf32> to vector<1x16xf32>
        tpu.vector_store %arg8[%swap3A_248, %swap3A_249], %swap3A_252 {strides = array<i32>} : memref<10x128xf32, #tpu.memory_space<vmem>>, vector<1x16xf32>,
        %get3A_253 = arith.constant 32 : i32
        %get3A_254 = arith.index_cast %get3A_253 : i32 to index
        %get3A_255 = arith.constant 0 : index
        %get3A_256 = tpu.vector_load %arg6[%get3A_254, %get3A_255] {strides = array<i32>} : memref<160x128xf32, #tpu.memory_space<vmem>>, vector<1x16xf32>,
        %get3A_257 = vector.shape_cast %get3A_256 : vector<1x16xf32> to vector<16xf32>
        %swap3A_258 = arith.constant 2 : i32
        %swap3A_259 = arith.index_cast %swap3A_258 : i32 to index
        %swap3A_260 = arith.constant 0 : index
        %swap3A_261 = tpu.vector_load %arg8[%swap3A_259, %swap3A_260] {strides = array<i32>} : memref<10x128xf32, #tpu.memory_space<vmem>>, vector<1x16xf32>,
        %swap3A_262 = vector.shape_cast %swap3A_261 : vector<1x16xf32> to vector<16xf32>
        %swap3A_263 = vector.shape_cast %get3A_257 : vector<16xf32> to vector<1x16xf32>
        tpu.vector_store %arg8[%swap3A_259, %swap3A_260], %swap3A_263 {strides = array<i32>} : memref<10x128xf32, #tpu.memory_space<vmem>>, vector<1x16xf32>,
        %get3A_264 = arith.constant 32 : i32
        %get3A_265 = arith.index_cast %get3A_264 : i32 to index
        %get3A_266 = arith.constant 16 : index
        %get3A_267 = tpu.vector_load %arg6[%get3A_265, %get3A_266] {strides = array<i32>} : memref<160x128xf32, #tpu.memory_space<vmem>>, vector<1x16xf32>,
        %get3A_268 = vector.shape_cast %get3A_267 : vector<1x16xf32> to vector<16xf32>
        %swap3A_269 = arith.constant 2 : i32
        %swap3A_270 = arith.index_cast %swap3A_269 : i32 to index
        %swap3A_271 = arith.constant 16 : index
        %swap3A_272 = tpu.vector_load %arg8[%swap3A_270, %swap3A_271] {strides = array<i32>} : memref<10x128xf32, #tpu.memory_space<vmem>>, vector<1x16xf32>,
        %swap3A_273 = vector.shape_cast %swap3A_272 : vector<1x16xf32> to vector<16xf32>
        %swap3A_274 = vector.shape_cast %get3A_268 : vector<16xf32> to vector<1x16xf32>
        tpu.vector_store %arg8[%swap3A_270, %swap3A_271], %swap3A_274 {strides = array<i32>} : memref<10x128xf32, #tpu.memory_space<vmem>>, vector<1x16xf32>,
        %get3A_275 = arith.constant 32 : i32
        %get3A_276 = arith.index_cast %get3A_275 : i32 to index
        %get3A_277 = arith.constant 32 : index
        %get3A_278 = tpu.vector_load %arg6[%get3A_276, %get3A_277] {strides = array<i32>} : memref<160x128xf32, #tpu.memory_space<vmem>>, vector<1x16xf32>,
        %get3A_279 = vector.shape_cast %get3A_278 : vector<1x16xf32> to vector<16xf32>
        %swap3A_280 = arith.constant 2 : i32
        %swap3A_281 = arith.index_cast %swap3A_280 : i32 to index
        %swap3A_282 = arith.constant 32 : index
        %swap3A_283 = tpu.vector_load %arg8[%swap3A_281, %swap3A_282] {strides = array<i32>} : memref<10x128xf32, #tpu.memory_space<vmem>>, vector<1x16xf32>,
        %swap3A_284 = vector.shape_cast %swap3A_283 : vector<1x16xf32> to vector<16xf32>
        %swap3A_285 = vector.shape_cast %get3A_279 : vector<16xf32> to vector<1x16xf32>
        tpu.vector_store %arg8[%swap3A_281, %swap3A_282], %swap3A_285 {strides = array<i32>} : memref<10x128xf32, #tpu.memory_space<vmem>>, vector<1x16xf32>,
        %get3A_286 = arith.constant 32 : i32
        %get3A_287 = arith.index_cast %get3A_286 : i32 to index
        %get3A_288 = arith.constant 48 : index
        %get3A_289 = tpu.vector_load %arg6[%get3A_287, %get3A_288] {strides = array<i32>} : memref<160x128xf32, #tpu.memory_space<vmem>>, vector<1x16xf32>,
        %get3A_290 = vector.shape_cast %get3A_289 : vector<1x16xf32> to vector<16xf32>
        %swap3A_291 = arith.constant 2 : i32
        %swap3A_292 = arith.index_cast %swap3A_291 : i32 to index
        %swap3A_293 = arith.constant 48 : index
        %swap3A_294 = tpu.vector_load %arg8[%swap3A_292, %swap3A_293] {strides = array<i32>} : memref<10x128xf32, #tpu.memory_space<vmem>>, vector<1x16xf32>,
        %swap3A_295 = vector.shape_cast %swap3A_294 : vector<1x16xf32> to vector<16xf32>
        %swap3A_296 = vector.shape_cast %get3A_290 : vector<16xf32> to vector<1x16xf32>
        tpu.vector_store %arg8[%swap3A_292, %swap3A_293], %swap3A_296 {strides = array<i32>} : memref<10x128xf32, #tpu.memory_space<vmem>>, vector<1x16xf32>,
        %get3A_297 = arith.constant 32 : i32
        %get3A_298 = arith.index_cast %get3A_297 : i32 to index
        %get3A_299 = arith.constant 64 : index
        %get3A_300 = tpu.vector_load %arg6[%get3A_298, %get3A_299] {strides = array<i32>} : memref<160x128xf32, #tpu.memory_space<vmem>>, vector<1x16xf32>,
        %get3A_301 = vector.shape_cast %get3A_300 : vector<1x16xf32> to vector<16xf32>
        %swap3A_302 = arith.constant 2 : i32
        %swap3A_303 = arith.index_cast %swap3A_302 : i32 to index
        %swap3A_304 = arith.constant 64 : index
        %swap3A_305 = tpu.vector_load %arg8[%swap3A_303, %swap3A_304] {strides = array<i32>} : memref<10x128xf32, #tpu.memory_space<vmem>>, vector<1x16xf32>,
        %swap3A_306 = vector.shape_cast %swap3A_305 : vector<1x16xf32> to vector<16xf32>
        %swap3A_307 = vector.shape_cast %get3A_301 : vector<16xf32> to vector<1x16xf32>
        tpu.vector_store %arg8[%swap3A_303, %swap3A_304], %swap3A_307 {strides = array<i32>} : memref<10x128xf32, #tpu.memory_space<vmem>>, vector<1x16xf32>,
        %get3A_308 = arith.constant 32 : i32
        %get3A_309 = arith.index_cast %get3A_308 : i32 to index
        %get3A_310 = arith.constant 80 : index
        %get3A_311 = tpu.vector_load %arg6[%get3A_309, %get3A_310] {strides = array<i32>} : memref<160x128xf32, #tpu.memory_space<vmem>>, vector<1x16xf32>,
        %get3A_312 = vector.shape_cast %get3A_311 : vector<1x16xf32> to vector<16xf32>
        %swap3A_313 = arith.constant 2 : i32
        %swap3A_314 = arith.index_cast %swap3A_313 : i32 to index
        %swap3A_315 = arith.constant 80 : index
        %swap3A_316 = tpu.vector_load %arg8[%swap3A_314, %swap3A_315] {strides = array<i32>} : memref<10x128xf32, #tpu.memory_space<vmem>>, vector<1x16xf32>,
        %swap3A_317 = vector.shape_cast %swap3A_316 : vector<1x16xf32> to vector<16xf32>
        %swap3A_318 = vector.shape_cast %get3A_312 : vector<16xf32> to vector<1x16xf32>
        tpu.vector_store %arg8[%swap3A_314, %swap3A_315], %swap3A_318 {strides = array<i32>} : memref<10x128xf32, #tpu.memory_space<vmem>>, vector<1x16xf32>,
        %get3A_319 = arith.constant 32 : i32
        %get3A_320 = arith.index_cast %get3A_319 : i32 to index
        %get3A_321 = arith.constant 96 : index
        %get3A_322 = tpu.vector_load %arg6[%get3A_320, %get3A_321] {strides = array<i32>} : memref<160x128xf32, #tpu.memory_space<vmem>>, vector<1x16xf32>,
        %get3A_323 = vector.shape_cast %get3A_322 : vector<1x16xf32> to vector<16xf32>
        %swap3A_324 = arith.constant 2 : i32
        %swap3A_325 = arith.index_cast %swap3A_324 : i32 to index
        %swap3A_326 = arith.constant 96 : index
        %swap3A_327 = tpu.vector_load %arg8[%swap3A_325, %swap3A_326] {strides = array<i32>} : memref<10x128xf32, #tpu.memory_space<vmem>>, vector<1x16xf32>,
        %swap3A_328 = vector.shape_cast %swap3A_327 : vector<1x16xf32> to vector<16xf32>
        %swap3A_329 = vector.shape_cast %get3A_323 : vector<16xf32> to vector<1x16xf32>
        tpu.vector_store %arg8[%swap3A_325, %swap3A_326], %swap3A_329 {strides = array<i32>} : memref<10x128xf32, #tpu.memory_space<vmem>>, vector<1x16xf32>,
        %get3A_330 = arith.constant 32 : i32
        %get3A_331 = arith.index_cast %get3A_330 : i32 to index
        %get3A_332 = arith.constant 112 : index
        %get3A_333 = tpu.vector_load %arg6[%get3A_331, %get3A_332] {strides = array<i32>} : memref<160x128xf32, #tpu.memory_space<vmem>>, vector<1x16xf32>,
        %get3A_334 = vector.shape_cast %get3A_333 : vector<1x16xf32> to vector<16xf32>
        %swap3A_335 = arith.constant 2 : i32
        %swap3A_336 = arith.index_cast %swap3A_335 : i32 to index
        %swap3A_337 = arith.constant 112 : index
        %swap3A_338 = tpu.vector_load %arg8[%swap3A_336, %swap3A_337] {strides = array<i32>} : memref<10x128xf32, #tpu.memory_space<vmem>>, vector<1x16xf32>,
        %swap3A_339 = vector.shape_cast %swap3A_338 : vector<1x16xf32> to vector<16xf32>
        %swap3A_340 = vector.shape_cast %get3A_334 : vector<16xf32> to vector<1x16xf32>
        tpu.vector_store %arg8[%swap3A_336, %swap3A_337], %swap3A_340 {strides = array<i32>} : memref<10x128xf32, #tpu.memory_space<vmem>>, vector<1x16xf32>,
        %get3A_341 = arith.constant 48 : i32
        %get3A_342 = arith.index_cast %get3A_341 : i32 to index
        %get3A_343 = arith.constant 0 : index
        %get3A_344 = tpu.vector_load %arg6[%get3A_342, %get3A_343] {strides = array<i32>} : memref<160x128xf32, #tpu.memory_space<vmem>>, vector<1x16xf32>,
        %get3A_345 = vector.shape_cast %get3A_344 : vector<1x16xf32> to vector<16xf32>
        %swap3A_346 = arith.constant 3 : i32
        %swap3A_347 = arith.index_cast %swap3A_346 : i32 to index
        %swap3A_348 = arith.constant 0 : index
        %swap3A_349 = tpu.vector_load %arg8[%swap3A_347, %swap3A_348] {strides = array<i32>} : memref<10x128xf32, #tpu.memory_space<vmem>>, vector<1x16xf32>,
        %swap3A_350 = vector.shape_cast %swap3A_349 : vector<1x16xf32> to vector<16xf32>
        %swap3A_351 = vector.shape_cast %get3A_345 : vector<16xf32> to vector<1x16xf32>
        tpu.vector_store %arg8[%swap3A_347, %swap3A_348], %swap3A_351 {strides = array<i32>} : memref<10x128xf32, #tpu.memory_space<vmem>>, vector<1x16xf32>,
        %get3A_352 = arith.constant 48 : i32
        %get3A_353 = arith.index_cast %get3A_352 : i32 to index
        %get3A_354 = arith.constant 16 : index
        %get3A_355 = tpu.vector_load %arg6[%get3A_353, %get3A_354] {strides = array<i32>} : memref<160x128xf32, #tpu.memory_space<vmem>>, vector<1x16xf32>,
        %get3A_356 = vector.shape_cast %get3A_355 : vector<1x16xf32> to vector<16xf32>
        %swap3A_357 = arith.constant 3 : i32
        %swap3A_358 = arith.index_cast %swap3A_357 : i32 to index
        %swap3A_359 = arith.constant 16 : index
        %swap3A_360 = tpu.vector_load %arg8[%swap3A_358, %swap3A_359] {strides = array<i32>} : memref<10x128xf32, #tpu.memory_space<vmem>>, vector<1x16xf32>,
        %swap3A_361 = vector.shape_cast %swap3A_360 : vector<1x16xf32> to vector<16xf32>
        %swap3A_362 = vector.shape_cast %get3A_356 : vector<16xf32> to vector<1x16xf32>
        tpu.vector_store %arg8[%swap3A_358, %swap3A_359], %swap3A_362 {strides = array<i32>} : memref<10x128xf32, #tpu.memory_space<vmem>>, vector<1x16xf32>,
        %get3A_363 = arith.constant 48 : i32
        %get3A_364 = arith.index_cast %get3A_363 : i32 to index
        %get3A_365 = arith.constant 32 : index
        %get3A_366 = tpu.vector_load %arg6[%get3A_364, %get3A_365] {strides = array<i32>} : memref<160x128xf32, #tpu.memory_space<vmem>>, vector<1x16xf32>,
        %get3A_367 = vector.shape_cast %get3A_366 : vector<1x16xf32> to vector<16xf32>
        %swap3A_368 = arith.constant 3 : i32
        %swap3A_369 = arith.index_cast %swap3A_368 : i32 to index
        %swap3A_370 = arith.constant 32 : index
        %swap3A_371 = tpu.vector_load %arg8[%swap3A_369, %swap3A_370] {strides = array<i32>} : memref<10x128xf32, #tpu.memory_space<vmem>>, vector<1x16xf32>,
        %swap3A_372 = vector.shape_cast %swap3A_371 : vector<1x16xf32> to vector<16xf32>
        %swap3A_373 = vector.shape_cast %get3A_367 : vector<16xf32> to vector<1x16xf32>
        tpu.vector_store %arg8[%swap3A_369, %swap3A_370], %swap3A_373 {strides = array<i32>} : memref<10x128xf32, #tpu.memory_space<vmem>>, vector<1x16xf32>,
        %get3A_374 = arith.constant 48 : i32
        %get3A_375 = arith.index_cast %get3A_374 : i32 to index
        %get3A_376 = arith.constant 48 : index
        %get3A_377 = tpu.vector_load %arg6[%get3A_375, %get3A_376] {strides = array<i32>} : memref<160x128xf32, #tpu.memory_space<vmem>>, vector<1x16xf32>,
        %get3A_378 = vector.shape_cast %get3A_377 : vector<1x16xf32> to vector<16xf32>
        %swap3A_379 = arith.constant 3 : i32
        %swap3A_380 = arith.index_cast %swap3A_379 : i32 to index
        %swap3A_381 = arith.constant 48 : index
        %swap3A_382 = tpu.vector_load %arg8[%swap3A_380, %swap3A_381] {strides = array<i32>} : memref<10x128xf32, #tpu.memory_space<vmem>>, vector<1x16xf32>,
        %swap3A_383 = vector.shape_cast %swap3A_382 : vector<1x16xf32> to vector<16xf32>
        %swap3A_384 = vector.shape_cast %get3A_378 : vector<16xf32> to vector<1x16xf32>
        tpu.vector_store %arg8[%swap3A_380, %swap3A_381], %swap3A_384 {strides = array<i32>} : memref<10x128xf32, #tpu.memory_space<vmem>>, vector<1x16xf32>,
        %get3A_385 = arith.constant 48 : i32
        %get3A_386 = arith.index_cast %get3A_385 : i32 to index
        %get3A_387 = arith.constant 64 : index
        %get3A_388 = tpu.vector_load %arg6[%get3A_386, %get3A_387] {strides = array<i32>} : memref<160x128xf32, #tpu.memory_space<vmem>>, vector<1x16xf32>,
        %get3A_389 = vector.shape_cast %get3A_388 : vector<1x16xf32> to vector<16xf32>
        %swap3A_390 = arith.constant 3 : i32
        %swap3A_391 = arith.index_cast %swap3A_390 : i32 to index
        %swap3A_392 = arith.constant 64 : index
        %swap3A_393 = tpu.vector_load %arg8[%swap3A_391, %swap3A_392] {strides = array<i32>} : memref<10x128xf32, #tpu.memory_space<vmem>>, vector<1x16xf32>,
        %swap3A_394 = vector.shape_cast %swap3A_393 : vector<1x16xf32> to vector<16xf32>
        %swap3A_395 = vector.shape_cast %get3A_389 : vector<16xf32> to vector<1x16xf32>
        tpu.vector_store %arg8[%swap3A_391, %swap3A_392], %swap3A_395 {strides = array<i32>} : memref<10x128xf32, #tpu.memory_space<vmem>>, vector<1x16xf32>,
        %get3A_396 = arith.constant 48 : i32
        %get3A_397 = arith.index_cast %get3A_396 : i32 to index
        %get3A_398 = arith.constant 80 : index
        %get3A_399 = tpu.vector_load %arg6[%get3A_397, %get3A_398] {strides = array<i32>} : memref<160x128xf32, #tpu.memory_space<vmem>>, vector<1x16xf32>,
        %get3A_400 = vector.shape_cast %get3A_399 : vector<1x16xf32> to vector<16xf32>
        %swap3A_401 = arith.constant 3 : i32
        %swap3A_402 = arith.index_cast %swap3A_401 : i32 to index
        %swap3A_403 = arith.constant 80 : index
        %swap3A_404 = tpu.vector_load %arg8[%swap3A_402, %swap3A_403] {strides = array<i32>} : memref<10x128xf32, #tpu.memory_space<vmem>>, vector<1x16xf32>,
        %swap3A_405 = vector.shape_cast %swap3A_404 : vector<1x16xf32> to vector<16xf32>
        %swap3A_406 = vector.shape_cast %get3A_400 : vector<16xf32> to vector<1x16xf32>
        tpu.vector_store %arg8[%swap3A_402, %swap3A_403], %swap3A_406 {strides = array<i32>} : memref<10x128xf32, #tpu.memory_space<vmem>>, vector<1x16xf32>,
        %get3A_407 = arith.constant 48 : i32
        %get3A_408 = arith.index_cast %get3A_407 : i32 to index
        %get3A_409 = arith.constant 96 : index
        %get3A_410 = tpu.vector_load %arg6[%get3A_408, %get3A_409] {strides = array<i32>} : memref<160x128xf32, #tpu.memory_space<vmem>>, vector<1x16xf32>,
        %get3A_411 = vector.shape_cast %get3A_410 : vector<1x16xf32> to vector<16xf32>
        %swap3A_412 = arith.constant 3 : i32
        %swap3A_413 = arith.index_cast %swap3A_412 : i32 to index
        %swap3A_414 = arith.constant 96 : index
        %swap3A_415 = tpu.vector_load %arg8[%swap3A_413, %swap3A_414] {strides = array<i32>} : memref<10x128xf32, #tpu.memory_space<vmem>>, vector<1x16xf32>,
        %swap3A_416 = vector.shape_cast %swap3A_415 : vector<1x16xf32> to vector<16xf32>
        %swap3A_417 = vector.shape_cast %get3A_411 : vector<16xf32> to vector<1x16xf32>
        tpu.vector_store %arg8[%swap3A_413, %swap3A_414], %swap3A_417 {strides = array<i32>} : memref<10x128xf32, #tpu.memory_space<vmem>>, vector<1x16xf32>,
        %get3A_418 = arith.constant 48 : i32
        %get3A_419 = arith.index_cast %get3A_418 : i32 to index
        %get3A_420 = arith.constant 112 : index
        %get3A_421 = tpu.vector_load %arg6[%get3A_419, %get3A_420] {strides = array<i32>} : memref<160x128xf32, #tpu.memory_space<vmem>>, vector<1x16xf32>,
        %get3A_422 = vector.shape_cast %get3A_421 : vector<1x16xf32> to vector<16xf32>
        %swap3A_423 = arith.constant 3 : i32
        %swap3A_424 = arith.index_cast %swap3A_423 : i32 to index
        %swap3A_425 = arith.constant 112 : index
        %swap3A_426 = tpu.vector_load %arg8[%swap3A_424, %swap3A_425] {strides = array<i32>} : memref<10x128xf32, #tpu.memory_space<vmem>>, vector<1x16xf32>,
        %swap3A_427 = vector.shape_cast %swap3A_426 : vector<1x16xf32> to vector<16xf32>
        %swap3A_428 = vector.shape_cast %get3A_422 : vector<16xf32> to vector<1x16xf32>
        tpu.vector_store %arg8[%swap3A_424, %swap3A_425], %swap3A_428 {strides = array<i32>} : memref<10x128xf32, #tpu.memory_space<vmem>>, vector<1x16xf32>,
        %get3A_429 = arith.constant 64 : i32
        %get3A_430 = arith.index_cast %get3A_429 : i32 to index
        %get3A_431 = arith.constant 0 : index
        %get3A_432 = tpu.vector_load %arg6[%get3A_430, %get3A_431] {strides = array<i32>} : memref<160x128xf32, #tpu.memory_space<vmem>>, vector<1x16xf32>,
        %get3A_433 = vector.shape_cast %get3A_432 : vector<1x16xf32> to vector<16xf32>
        %swap3A_434 = arith.constant 4 : i32
        %swap3A_435 = arith.index_cast %swap3A_434 : i32 to index
        %swap3A_436 = arith.constant 0 : index
        %swap3A_437 = tpu.vector_load %arg8[%swap3A_435, %swap3A_436] {strides = array<i32>} : memref<10x128xf32, #tpu.memory_space<vmem>>, vector<1x16xf32>,
        %swap3A_438 = vector.shape_cast %swap3A_437 : vector<1x16xf32> to vector<16xf32>
        %swap3A_439 = vector.shape_cast %get3A_433 : vector<16xf32> to vector<1x16xf32>
        tpu.vector_store %arg8[%swap3A_435, %swap3A_436], %swap3A_439 {strides = array<i32>} : memref<10x128xf32, #tpu.memory_space<vmem>>, vector<1x16xf32>,
        %get3A_440 = arith.constant 64 : i32
        %get3A_441 = arith.index_cast %get3A_440 : i32 to index
        %get3A_442 = arith.constant 16 : index
        %get3A_443 = tpu.vector_load %arg6[%get3A_441, %get3A_442] {strides = array<i32>} : memref<160x128xf32, #tpu.memory_space<vmem>>, vector<1x16xf32>,
        %get3A_444 = vector.shape_cast %get3A_443 : vector<1x16xf32> to vector<16xf32>
        %swap3A_445 = arith.constant 4 : i32
        %swap3A_446 = arith.index_cast %swap3A_445 : i32 to index
        %swap3A_447 = arith.constant 16 : index
        %swap3A_448 = tpu.vector_load %arg8[%swap3A_446, %swap3A_447] {strides = array<i32>} : memref<10x128xf32, #tpu.memory_space<vmem>>, vector<1x16xf32>,
        %swap3A_449 = vector.shape_cast %swap3A_448 : vector<1x16xf32> to vector<16xf32>
        %swap3A_450 = vector.shape_cast %get3A_444 : vector<16xf32> to vector<1x16xf32>
        tpu.vector_store %arg8[%swap3A_446, %swap3A_447], %swap3A_450 {strides = array<i32>} : memref<10x128xf32, #tpu.memory_space<vmem>>, vector<1x16xf32>,
        %get3A_451 = arith.constant 64 : i32
        %get3A_452 = arith.index_cast %get3A_451 : i32 to index
        %get3A_453 = arith.constant 32 : index
        %get3A_454 = tpu.vector_load %arg6[%get3A_452, %get3A_453] {strides = array<i32>} : memref<160x128xf32, #tpu.memory_space<vmem>>, vector<1x16xf32>,
        %get3A_455 = vector.shape_cast %get3A_454 : vector<1x16xf32> to vector<16xf32>
        %swap3A_456 = arith.constant 4 : i32
        %swap3A_457 = arith.index_cast %swap3A_456 : i32 to index
        %swap3A_458 = arith.constant 32 : index
        %swap3A_459 = tpu.vector_load %arg8[%swap3A_457, %swap3A_458] {strides = array<i32>} : memref<10x128xf32, #tpu.memory_space<vmem>>, vector<1x16xf32>,
        %swap3A_460 = vector.shape_cast %swap3A_459 : vector<1x16xf32> to vector<16xf32>
        %swap3A_461 = vector.shape_cast %get3A_455 : vector<16xf32> to vector<1x16xf32>
        tpu.vector_store %arg8[%swap3A_457, %swap3A_458], %swap3A_461 {strides = array<i32>} : memref<10x128xf32, #tpu.memory_space<vmem>>, vector<1x16xf32>,
        %get3A_462 = arith.constant 64 : i32
        %get3A_463 = arith.index_cast %get3A_462 : i32 to index
        %get3A_464 = arith.constant 48 : index
        %get3A_465 = tpu.vector_load %arg6[%get3A_463, %get3A_464] {strides = array<i32>} : memref<160x128xf32, #tpu.memory_space<vmem>>, vector<1x16xf32>,
        %get3A_466 = vector.shape_cast %get3A_465 : vector<1x16xf32> to vector<16xf32>
        %swap3A_467 = arith.constant 4 : i32
        %swap3A_468 = arith.index_cast %swap3A_467 : i32 to index
        %swap3A_469 = arith.constant 48 : index
        %swap3A_470 = tpu.vector_load %arg8[%swap3A_468, %swap3A_469] {strides = array<i32>} : memref<10x128xf32, #tpu.memory_space<vmem>>, vector<1x16xf32>,
        %swap3A_471 = vector.shape_cast %swap3A_470 : vector<1x16xf32> to vector<16xf32>
        %swap3A_472 = vector.shape_cast %get3A_466 : vector<16xf32> to vector<1x16xf32>
        tpu.vector_store %arg8[%swap3A_468, %swap3A_469], %swap3A_472 {strides = array<i32>} : memref<10x128xf32, #tpu.memory_space<vmem>>, vector<1x16xf32>,
        %get3A_473 = arith.constant 64 : i32
        %get3A_474 = arith.index_cast %get3A_473 : i32 to index
        %get3A_475 = arith.constant 64 : index
        %get3A_476 = tpu.vector_load %arg6[%get3A_474, %get3A_475] {strides = array<i32>} : memref<160x128xf32, #tpu.memory_space<vmem>>, vector<1x16xf32>,
        %get3A_477 = vector.shape_cast %get3A_476 : vector<1x16xf32> to vector<16xf32>
        %swap3A_478 = arith.constant 4 : i32
        %swap3A_479 = arith.index_cast %swap3A_478 : i32 to index
        %swap3A_480 = arith.constant 64 : index
        %swap3A_481 = tpu.vector_load %arg8[%swap3A_479, %swap3A_480] {strides = array<i32>} : memref<10x128xf32, #tpu.memory_space<vmem>>, vector<1x16xf32>,
        %swap3A_482 = vector.shape_cast %swap3A_481 : vector<1x16xf32> to vector<16xf32>
        %swap3A_483 = vector.shape_cast %get3A_477 : vector<16xf32> to vector<1x16xf32>
        tpu.vector_store %arg8[%swap3A_479, %swap3A_480], %swap3A_483 {strides = array<i32>} : memref<10x128xf32, #tpu.memory_space<vmem>>, vector<1x16xf32>,
        %get3A_484 = arith.constant 64 : i32
        %get3A_485 = arith.index_cast %get3A_484 : i32 to index
        %get3A_486 = arith.constant 80 : index
        %get3A_487 = tpu.vector_load %arg6[%get3A_485, %get3A_486] {strides = array<i32>} : memref<160x128xf32, #tpu.memory_space<vmem>>, vector<1x16xf32>,
        %get3A_488 = vector.shape_cast %get3A_487 : vector<1x16xf32> to vector<16xf32>
        %swap3A_489 = arith.constant 4 : i32
        %swap3A_490 = arith.index_cast %swap3A_489 : i32 to index
        %swap3A_491 = arith.constant 80 : index
        %swap3A_492 = tpu.vector_load %arg8[%swap3A_490, %swap3A_491] {strides = array<i32>} : memref<10x128xf32, #tpu.memory_space<vmem>>, vector<1x16xf32>,
        %swap3A_493 = vector.shape_cast %swap3A_492 : vector<1x16xf32> to vector<16xf32>
        %swap3A_494 = vector.shape_cast %get3A_488 : vector<16xf32> to vector<1x16xf32>
        tpu.vector_store %arg8[%swap3A_490, %swap3A_491], %swap3A_494 {strides = array<i32>} : memref<10x128xf32, #tpu.memory_space<vmem>>, vector<1x16xf32>,
        %get3A_495 = arith.constant 64 : i32
        %get3A_496 = arith.index_cast %get3A_495 : i32 to index
        %get3A_497 = arith.constant 96 : index
        %get3A_498 = tpu.vector_load %arg6[%get3A_496, %get3A_497] {strides = array<i32>} : memref<160x128xf32, #tpu.memory_space<vmem>>, vector<1x16xf32>,
        %get3A_499 = vector.shape_cast %get3A_498 : vector<1x16xf32> to vector<16xf32>
        %swap3A_500 = arith.constant 4 : i32
        %swap3A_501 = arith.index_cast %swap3A_500 : i32 to index
        %swap3A_502 = arith.constant 96 : index
        %swap3A_503 = tpu.vector_load %arg8[%swap3A_501, %swap3A_502] {strides = array<i32>} : memref<10x128xf32, #tpu.memory_space<vmem>>, vector<1x16xf32>,
        %swap3A_504 = vector.shape_cast %swap3A_503 : vector<1x16xf32> to vector<16xf32>
        %swap3A_505 = vector.shape_cast %get3A_499 : vector<16xf32> to vector<1x16xf32>
        tpu.vector_store %arg8[%swap3A_501, %swap3A_502], %swap3A_505 {strides = array<i32>} : memref<10x128xf32, #tpu.memory_space<vmem>>, vector<1x16xf32>,
        %get3A_506 = arith.constant 64 : i32
        %get3A_507 = arith.index_cast %get3A_506 : i32 to index
        %get3A_508 = arith.constant 112 : index
        %get3A_509 = tpu.vector_load %arg6[%get3A_507, %get3A_508] {strides = array<i32>} : memref<160x128xf32, #tpu.memory_space<vmem>>, vector<1x16xf32>,
        %get3A_510 = vector.shape_cast %get3A_509 : vector<1x16xf32> to vector<16xf32>
        %swap3A_511 = arith.constant 4 : i32
        %swap3A_512 = arith.index_cast %swap3A_511 : i32 to index
        %swap3A_513 = arith.constant 112 : index
        %swap3A_514 = tpu.vector_load %arg8[%swap3A_512, %swap3A_513] {strides = array<i32>} : memref<10x128xf32, #tpu.memory_space<vmem>>, vector<1x16xf32>,
        %swap3A_515 = vector.shape_cast %swap3A_514 : vector<1x16xf32> to vector<16xf32>
        %swap3A_516 = vector.shape_cast %get3A_510 : vector<16xf32> to vector<1x16xf32>
        tpu.vector_store %arg8[%swap3A_512, %swap3A_513], %swap3A_516 {strides = array<i32>} : memref<10x128xf32, #tpu.memory_space<vmem>>, vector<1x16xf32>,
        %get3A_517 = arith.constant 80 : i32
        %get3A_518 = arith.index_cast %get3A_517 : i32 to index
        %get3A_519 = arith.constant 0 : index
        %get3A_520 = tpu.vector_load %arg6[%get3A_518, %get3A_519] {strides = array<i32>} : memref<160x128xf32, #tpu.memory_space<vmem>>, vector<1x16xf32>,
        %get3A_521 = vector.shape_cast %get3A_520 : vector<1x16xf32> to vector<16xf32>
        %swap3A_522 = arith.constant 5 : i32
        %swap3A_523 = arith.index_cast %swap3A_522 : i32 to index
        %swap3A_524 = arith.constant 0 : index
        %swap3A_525 = tpu.vector_load %arg8[%swap3A_523, %swap3A_524] {strides = array<i32>} : memref<10x128xf32, #tpu.memory_space<vmem>>, vector<1x16xf32>,
        %swap3A_526 = vector.shape_cast %swap3A_525 : vector<1x16xf32> to vector<16xf32>
        %swap3A_527 = vector.shape_cast %get3A_521 : vector<16xf32> to vector<1x16xf32>
        tpu.vector_store %arg8[%swap3A_523, %swap3A_524], %swap3A_527 {strides = array<i32>} : memref<10x128xf32, #tpu.memory_space<vmem>>, vector<1x16xf32>,
        %get3A_528 = arith.constant 80 : i32
        %get3A_529 = arith.index_cast %get3A_528 : i32 to index
        %get3A_530 = arith.constant 16 : index
        %get3A_531 = tpu.vector_load %arg6[%get3A_529, %get3A_530] {strides = array<i32>} : memref<160x128xf32, #tpu.memory_space<vmem>>, vector<1x16xf32>,
        %get3A_532 = vector.shape_cast %get3A_531 : vector<1x16xf32> to vector<16xf32>
        %swap3A_533 = arith.constant 5 : i32
        %swap3A_534 = arith.index_cast %swap3A_533 : i32 to index
        %swap3A_535 = arith.constant 16 : index
        %swap3A_536 = tpu.vector_load %arg8[%swap3A_534, %swap3A_535] {strides = array<i32>} : memref<10x128xf32, #tpu.memory_space<vmem>>, vector<1x16xf32>,
        %swap3A_537 = vector.shape_cast %swap3A_536 : vector<1x16xf32> to vector<16xf32>
        %swap3A_538 = vector.shape_cast %get3A_532 : vector<16xf32> to vector<1x16xf32>
        tpu.vector_store %arg8[%swap3A_534, %swap3A_535], %swap3A_538 {strides = array<i32>} : memref<10x128xf32, #tpu.memory_space<vmem>>, vector<1x16xf32>,
        %get3A_539 = arith.constant 80 : i32
        %get3A_540 = arith.index_cast %get3A_539 : i32 to index
        %get3A_541 = arith.constant 32 : index
        %get3A_542 = tpu.vector_load %arg6[%get3A_540, %get3A_541] {strides = array<i32>} : memref<160x128xf32, #tpu.memory_space<vmem>>, vector<1x16xf32>,
        %get3A_543 = vector.shape_cast %get3A_542 : vector<1x16xf32> to vector<16xf32>
        %swap3A_544 = arith.constant 5 : i32
        %swap3A_545 = arith.index_cast %swap3A_544 : i32 to index
        %swap3A_546 = arith.constant 32 : index
        %swap3A_547 = tpu.vector_load %arg8[%swap3A_545, %swap3A_546] {strides = array<i32>} : memref<10x128xf32, #tpu.memory_space<vmem>>, vector<1x16xf32>,
        %swap3A_548 = vector.shape_cast %swap3A_547 : vector<1x16xf32> to vector<16xf32>
        %swap3A_549 = vector.shape_cast %get3A_543 : vector<16xf32> to vector<1x16xf32>
        tpu.vector_store %arg8[%swap3A_545, %swap3A_546], %swap3A_549 {strides = array<i32>} : memref<10x128xf32, #tpu.memory_space<vmem>>, vector<1x16xf32>,
        %get3A_550 = arith.constant 80 : i32
        %get3A_551 = arith.index_cast %get3A_550 : i32 to index
        %get3A_552 = arith.constant 48 : index
        %get3A_553 = tpu.vector_load %arg6[%get3A_551, %get3A_552] {strides = array<i32>} : memref<160x128xf32, #tpu.memory_space<vmem>>, vector<1x16xf32>,
        %get3A_554 = vector.shape_cast %get3A_553 : vector<1x16xf32> to vector<16xf32>
        %swap3A_555 = arith.constant 5 : i32
        %swap3A_556 = arith.index_cast %swap3A_555 : i32 to index
        %swap3A_557 = arith.constant 48 : index
        %swap3A_558 = tpu.vector_load %arg8[%swap3A_556, %swap3A_557] {strides = array<i32>} : memref<10x128xf32, #tpu.memory_space<vmem>>, vector<1x16xf32>,
        %swap3A_559 = vector.shape_cast %swap3A_558 : vector<1x16xf32> to vector<16xf32>
        %swap3A_560 = vector.shape_cast %get3A_554 : vector<16xf32> to vector<1x16xf32>
        tpu.vector_store %arg8[%swap3A_556, %swap3A_557], %swap3A_560 {strides = array<i32>} : memref<10x128xf32, #tpu.memory_space<vmem>>, vector<1x16xf32>,
        %get3A_561 = arith.constant 80 : i32
        %get3A_562 = arith.index_cast %get3A_561 : i32 to index
        %get3A_563 = arith.constant 64 : index
        %get3A_564 = tpu.vector_load %arg6[%get3A_562, %get3A_563] {strides = array<i32>} : memref<160x128xf32, #tpu.memory_space<vmem>>, vector<1x16xf32>,
        %get3A_565 = vector.shape_cast %get3A_564 : vector<1x16xf32> to vector<16xf32>
        %swap3A_566 = arith.constant 5 : i32
        %swap3A_567 = arith.index_cast %swap3A_566 : i32 to index
        %swap3A_568 = arith.constant 64 : index
        %swap3A_569 = tpu.vector_load %arg8[%swap3A_567, %swap3A_568] {strides = array<i32>} : memref<10x128xf32, #tpu.memory_space<vmem>>, vector<1x16xf32>,
        %swap3A_570 = vector.shape_cast %swap3A_569 : vector<1x16xf32> to vector<16xf32>
        %swap3A_571 = vector.shape_cast %get3A_565 : vector<16xf32> to vector<1x16xf32>
        tpu.vector_store %arg8[%swap3A_567, %swap3A_568], %swap3A_571 {strides = array<i32>} : memref<10x128xf32, #tpu.memory_space<vmem>>, vector<1x16xf32>,
        %get3A_572 = arith.constant 80 : i32
        %get3A_573 = arith.index_cast %get3A_572 : i32 to index
        %get3A_574 = arith.constant 80 : index
        %get3A_575 = tpu.vector_load %arg6[%get3A_573, %get3A_574] {strides = array<i32>} : memref<160x128xf32, #tpu.memory_space<vmem>>, vector<1x16xf32>,
        %get3A_576 = vector.shape_cast %get3A_575 : vector<1x16xf32> to vector<16xf32>
        %swap3A_577 = arith.constant 5 : i32
        %swap3A_578 = arith.index_cast %swap3A_577 : i32 to index
        %swap3A_579 = arith.constant 80 : index
        %swap3A_580 = tpu.vector_load %arg8[%swap3A_578, %swap3A_579] {strides = array<i32>} : memref<10x128xf32, #tpu.memory_space<vmem>>, vector<1x16xf32>,
        %swap3A_581 = vector.shape_cast %swap3A_580 : vector<1x16xf32> to vector<16xf32>
        %swap3A_582 = vector.shape_cast %get3A_576 : vector<16xf32> to vector<1x16xf32>
        tpu.vector_store %arg8[%swap3A_578, %swap3A_579], %swap3A_582 {strides = array<i32>} : memref<10x128xf32, #tpu.memory_space<vmem>>, vector<1x16xf32>,
        %get3A_583 = arith.constant 80 : i32
        %get3A_584 = arith.index_cast %get3A_583 : i32 to index
        %get3A_585 = arith.constant 96 : index
        %get3A_586 = tpu.vector_load %arg6[%get3A_584, %get3A_585] {strides = array<i32>} : memref<160x128xf32, #tpu.memory_space<vmem>>, vector<1x16xf32>,
        %get3A_587 = vector.shape_cast %get3A_586 : vector<1x16xf32> to vector<16xf32>
        %swap3A_588 = arith.constant 5 : i32
        %swap3A_589 = arith.index_cast %swap3A_588 : i32 to index
        %swap3A_590 = arith.constant 96 : index
        %swap3A_591 = tpu.vector_load %arg8[%swap3A_589, %swap3A_590] {strides = array<i32>} : memref<10x128xf32, #tpu.memory_space<vmem>>, vector<1x16xf32>,
        %swap3A_592 = vector.shape_cast %swap3A_591 : vector<1x16xf32> to vector<16xf32>
        %swap3A_593 = vector.shape_cast %get3A_587 : vector<16xf32> to vector<1x16xf32>
        tpu.vector_store %arg8[%swap3A_589, %swap3A_590], %swap3A_593 {strides = array<i32>} : memref<10x128xf32, #tpu.memory_space<vmem>>, vector<1x16xf32>,
        %get3A_594 = arith.constant 80 : i32
        %get3A_595 = arith.index_cast %get3A_594 : i32 to index
        %get3A_596 = arith.constant 112 : index
        %get3A_597 = tpu.vector_load %arg6[%get3A_595, %get3A_596] {strides = array<i32>} : memref<160x128xf32, #tpu.memory_space<vmem>>, vector<1x16xf32>,
        %get3A_598 = vector.shape_cast %get3A_597 : vector<1x16xf32> to vector<16xf32>
        %swap3A_599 = arith.constant 5 : i32
        %swap3A_600 = arith.index_cast %swap3A_599 : i32 to index
        %swap3A_601 = arith.constant 112 : index
        %swap3A_602 = tpu.vector_load %arg8[%swap3A_600, %swap3A_601] {strides = array<i32>} : memref<10x128xf32, #tpu.memory_space<vmem>>, vector<1x16xf32>,
        %swap3A_603 = vector.shape_cast %swap3A_602 : vector<1x16xf32> to vector<16xf32>
        %swap3A_604 = vector.shape_cast %get3A_598 : vector<16xf32> to vector<1x16xf32>
        tpu.vector_store %arg8[%swap3A_600, %swap3A_601], %swap3A_604 {strides = array<i32>} : memref<10x128xf32, #tpu.memory_space<vmem>>, vector<1x16xf32>,
        %get3A_605 = arith.constant 96 : i32
        %get3A_606 = arith.index_cast %get3A_605 : i32 to index
        %get3A_607 = arith.constant 0 : index
        %get3A_608 = tpu.vector_load %arg6[%get3A_606, %get3A_607] {strides = array<i32>} : memref<160x128xf32, #tpu.memory_space<vmem>>, vector<1x16xf32>,
        %get3A_609 = vector.shape_cast %get3A_608 : vector<1x16xf32> to vector<16xf32>
        %swap3A_610 = arith.constant 6 : i32
        %swap3A_611 = arith.index_cast %swap3A_610 : i32 to index
        %swap3A_612 = arith.constant 0 : index
        %swap3A_613 = tpu.vector_load %arg8[%swap3A_611, %swap3A_612] {strides = array<i32>} : memref<10x128xf32, #tpu.memory_space<vmem>>, vector<1x16xf32>,
        %swap3A_614 = vector.shape_cast %swap3A_613 : vector<1x16xf32> to vector<16xf32>
        %swap3A_615 = vector.shape_cast %get3A_609 : vector<16xf32> to vector<1x16xf32>
        tpu.vector_store %arg8[%swap3A_611, %swap3A_612], %swap3A_615 {strides = array<i32>} : memref<10x128xf32, #tpu.memory_space<vmem>>, vector<1x16xf32>,
        %get3A_616 = arith.constant 96 : i32
        %get3A_617 = arith.index_cast %get3A_616 : i32 to index
        %get3A_618 = arith.constant 16 : index
        %get3A_619 = tpu.vector_load %arg6[%get3A_617, %get3A_618] {strides = array<i32>} : memref<160x128xf32, #tpu.memory_space<vmem>>, vector<1x16xf32>,
        %get3A_620 = vector.shape_cast %get3A_619 : vector<1x16xf32> to vector<16xf32>
        %swap3A_621 = arith.constant 6 : i32
        %swap3A_622 = arith.index_cast %swap3A_621 : i32 to index
        %swap3A_623 = arith.constant 16 : index
        %swap3A_624 = tpu.vector_load %arg8[%swap3A_622, %swap3A_623] {strides = array<i32>} : memref<10x128xf32, #tpu.memory_space<vmem>>, vector<1x16xf32>,
        %swap3A_625 = vector.shape_cast %swap3A_624 : vector<1x16xf32> to vector<16xf32>
        %swap3A_626 = vector.shape_cast %get3A_620 : vector<16xf32> to vector<1x16xf32>
        tpu.vector_store %arg8[%swap3A_622, %swap3A_623], %swap3A_626 {strides = array<i32>} : memref<10x128xf32, #tpu.memory_space<vmem>>, vector<1x16xf32>,
        %get3A_627 = arith.constant 96 : i32
        %get3A_628 = arith.index_cast %get3A_627 : i32 to index
        %get3A_629 = arith.constant 32 : index
        %get3A_630 = tpu.vector_load %arg6[%get3A_628, %get3A_629] {strides = array<i32>} : memref<160x128xf32, #tpu.memory_space<vmem>>, vector<1x16xf32>,
        %get3A_631 = vector.shape_cast %get3A_630 : vector<1x16xf32> to vector<16xf32>
        %swap3A_632 = arith.constant 6 : i32
        %swap3A_633 = arith.index_cast %swap3A_632 : i32 to index
        %swap3A_634 = arith.constant 32 : index
        %swap3A_635 = tpu.vector_load %arg8[%swap3A_633, %swap3A_634] {strides = array<i32>} : memref<10x128xf32, #tpu.memory_space<vmem>>, vector<1x16xf32>,
        %swap3A_636 = vector.shape_cast %swap3A_635 : vector<1x16xf32> to vector<16xf32>
        %swap3A_637 = vector.shape_cast %get3A_631 : vector<16xf32> to vector<1x16xf32>
        tpu.vector_store %arg8[%swap3A_633, %swap3A_634], %swap3A_637 {strides = array<i32>} : memref<10x128xf32, #tpu.memory_space<vmem>>, vector<1x16xf32>,
        %get3A_638 = arith.constant 96 : i32
        %get3A_639 = arith.index_cast %get3A_638 : i32 to index
        %get3A_640 = arith.constant 48 : index
        %get3A_641 = tpu.vector_load %arg6[%get3A_639, %get3A_640] {strides = array<i32>} : memref<160x128xf32, #tpu.memory_space<vmem>>, vector<1x16xf32>,
        %get3A_642 = vector.shape_cast %get3A_641 : vector<1x16xf32> to vector<16xf32>
        %swap3A_643 = arith.constant 6 : i32
        %swap3A_644 = arith.index_cast %swap3A_643 : i32 to index
        %swap3A_645 = arith.constant 48 : index
        %swap3A_646 = tpu.vector_load %arg8[%swap3A_644, %swap3A_645] {strides = array<i32>} : memref<10x128xf32, #tpu.memory_space<vmem>>, vector<1x16xf32>,
        %swap3A_647 = vector.shape_cast %swap3A_646 : vector<1x16xf32> to vector<16xf32>
        %swap3A_648 = vector.shape_cast %get3A_642 : vector<16xf32> to vector<1x16xf32>
        tpu.vector_store %arg8[%swap3A_644, %swap3A_645], %swap3A_648 {strides = array<i32>} : memref<10x128xf32, #tpu.memory_space<vmem>>, vector<1x16xf32>,
        %get3A_649 = arith.constant 96 : i32
        %get3A_650 = arith.index_cast %get3A_649 : i32 to index
        %get3A_651 = arith.constant 64 : index
        %get3A_652 = tpu.vector_load %arg6[%get3A_650, %get3A_651] {strides = array<i32>} : memref<160x128xf32, #tpu.memory_space<vmem>>, vector<1x16xf32>,
        %get3A_653 = vector.shape_cast %get3A_652 : vector<1x16xf32> to vector<16xf32>
        %swap3A_654 = arith.constant 6 : i32
        %swap3A_655 = arith.index_cast %swap3A_654 : i32 to index
        %swap3A_656 = arith.constant 64 : index
        %swap3A_657 = tpu.vector_load %arg8[%swap3A_655, %swap3A_656] {strides = array<i32>} : memref<10x128xf32, #tpu.memory_space<vmem>>, vector<1x16xf32>,
        %swap3A_658 = vector.shape_cast %swap3A_657 : vector<1x16xf32> to vector<16xf32>
        %swap3A_659 = vector.shape_cast %get3A_653 : vector<16xf32> to vector<1x16xf32>
        tpu.vector_store %arg8[%swap3A_655, %swap3A_656], %swap3A_659 {strides = array<i32>} : memref<10x128xf32, #tpu.memory_space<vmem>>, vector<1x16xf32>,
        %get3A_660 = arith.constant 96 : i32
        %get3A_661 = arith.index_cast %get3A_660 : i32 to index
        %get3A_662 = arith.constant 80 : index
        %get3A_663 = tpu.vector_load %arg6[%get3A_661, %get3A_662] {strides = array<i32>} : memref<160x128xf32, #tpu.memory_space<vmem>>, vector<1x16xf32>,
        %get3A_664 = vector.shape_cast %get3A_663 : vector<1x16xf32> to vector<16xf32>
        %swap3A_665 = arith.constant 6 : i32
        %swap3A_666 = arith.index_cast %swap3A_665 : i32 to index
        %swap3A_667 = arith.constant 80 : index
        %swap3A_668 = tpu.vector_load %arg8[%swap3A_666, %swap3A_667] {strides = array<i32>} : memref<10x128xf32, #tpu.memory_space<vmem>>, vector<1x16xf32>,
        %swap3A_669 = vector.shape_cast %swap3A_668 : vector<1x16xf32> to vector<16xf32>
        %swap3A_670 = vector.shape_cast %get3A_664 : vector<16xf32> to vector<1x16xf32>
        tpu.vector_store %arg8[%swap3A_666, %swap3A_667], %swap3A_670 {strides = array<i32>} : memref<10x128xf32, #tpu.memory_space<vmem>>, vector<1x16xf32>,
        %get3A_671 = arith.constant 96 : i32
        %get3A_672 = arith.index_cast %get3A_671 : i32 to index
        %get3A_673 = arith.constant 96 : index
        %get3A_674 = tpu.vector_load %arg6[%get3A_672, %get3A_673] {strides = array<i32>} : memref<160x128xf32, #tpu.memory_space<vmem>>, vector<1x16xf32>,
        %get3A_675 = vector.shape_cast %get3A_674 : vector<1x16xf32> to vector<16xf32>
        %swap3A_676 = arith.constant 6 : i32
        %swap3A_677 = arith.index_cast %swap3A_676 : i32 to index
        %swap3A_678 = arith.constant 96 : index
        %swap3A_679 = tpu.vector_load %arg8[%swap3A_677, %swap3A_678] {strides = array<i32>} : memref<10x128xf32, #tpu.memory_space<vmem>>, vector<1x16xf32>,
        %swap3A_680 = vector.shape_cast %swap3A_679 : vector<1x16xf32> to vector<16xf32>
        %swap3A_681 = vector.shape_cast %get3A_675 : vector<16xf32> to vector<1x16xf32>
        tpu.vector_store %arg8[%swap3A_677, %swap3A_678], %swap3A_681 {strides = array<i32>} : memref<10x128xf32, #tpu.memory_space<vmem>>, vector<1x16xf32>,
        %get3A_682 = arith.constant 96 : i32
        %get3A_683 = arith.index_cast %get3A_682 : i32 to index
        %get3A_684 = arith.constant 112 : index
        %get3A_685 = tpu.vector_load %arg6[%get3A_683, %get3A_684] {strides = array<i32>} : memref<160x128xf32, #tpu.memory_space<vmem>>, vector<1x16xf32>,
        %get3A_686 = vector.shape_cast %get3A_685 : vector<1x16xf32> to vector<16xf32>
        %swap3A_687 = arith.constant 6 : i32
        %swap3A_688 = arith.index_cast %swap3A_687 : i32 to index
        %swap3A_689 = arith.constant 112 : index
        %swap3A_690 = tpu.vector_load %arg8[%swap3A_688, %swap3A_689] {strides = array<i32>} : memref<10x128xf32, #tpu.memory_space<vmem>>, vector<1x16xf32>,
        %swap3A_691 = vector.shape_cast %swap3A_690 : vector<1x16xf32> to vector<16xf32>
        %swap3A_692 = vector.shape_cast %get3A_686 : vector<16xf32> to vector<1x16xf32>
        tpu.vector_store %arg8[%swap3A_688, %swap3A_689], %swap3A_692 {strides = array<i32>} : memref<10x128xf32, #tpu.memory_space<vmem>>, vector<1x16xf32>,
        %get3A_693 = arith.constant 112 : i32
        %get3A_694 = arith.index_cast %get3A_693 : i32 to index
        %get3A_695 = arith.constant 0 : index
        %get3A_696 = tpu.vector_load %arg6[%get3A_694, %get3A_695] {strides = array<i32>} : memref<160x128xf32, #tpu.memory_space<vmem>>, vector<1x16xf32>,
        %get3A_697 = vector.shape_cast %get3A_696 : vector<1x16xf32> to vector<16xf32>
        %swap3A_698 = arith.constant 7 : i32
        %swap3A_699 = arith.index_cast %swap3A_698 : i32 to index
        %swap3A_700 = arith.constant 0 : index
        %swap3A_701 = tpu.vector_load %arg8[%swap3A_699, %swap3A_700] {strides = array<i32>} : memref<10x128xf32, #tpu.memory_space<vmem>>, vector<1x16xf32>,
        %swap3A_702 = vector.shape_cast %swap3A_701 : vector<1x16xf32> to vector<16xf32>
        %swap3A_703 = vector.shape_cast %get3A_697 : vector<16xf32> to vector<1x16xf32>
        tpu.vector_store %arg8[%swap3A_699, %swap3A_700], %swap3A_703 {strides = array<i32>} : memref<10x128xf32, #tpu.memory_space<vmem>>, vector<1x16xf32>,
        %get3A_704 = arith.constant 112 : i32
        %get3A_705 = arith.index_cast %get3A_704 : i32 to index
        %get3A_706 = arith.constant 16 : index
        %get3A_707 = tpu.vector_load %arg6[%get3A_705, %get3A_706] {strides = array<i32>} : memref<160x128xf32, #tpu.memory_space<vmem>>, vector<1x16xf32>,
        %get3A_708 = vector.shape_cast %get3A_707 : vector<1x16xf32> to vector<16xf32>
        %swap3A_709 = arith.constant 7 : i32
        %swap3A_710 = arith.index_cast %swap3A_709 : i32 to index
        %swap3A_711 = arith.constant 16 : index
        %swap3A_712 = tpu.vector_load %arg8[%swap3A_710, %swap3A_711] {strides = array<i32>} : memref<10x128xf32, #tpu.memory_space<vmem>>, vector<1x16xf32>,
        %swap3A_713 = vector.shape_cast %swap3A_712 : vector<1x16xf32> to vector<16xf32>
        %swap3A_714 = vector.shape_cast %get3A_708 : vector<16xf32> to vector<1x16xf32>
        tpu.vector_store %arg8[%swap3A_710, %swap3A_711], %swap3A_714 {strides = array<i32>} : memref<10x128xf32, #tpu.memory_space<vmem>>, vector<1x16xf32>,
        %get3A_715 = arith.constant 112 : i32
        %get3A_716 = arith.index_cast %get3A_715 : i32 to index
        %get3A_717 = arith.constant 32 : index
        %get3A_718 = tpu.vector_load %arg6[%get3A_716, %get3A_717] {strides = array<i32>} : memref<160x128xf32, #tpu.memory_space<vmem>>, vector<1x16xf32>,
        %get3A_719 = vector.shape_cast %get3A_718 : vector<1x16xf32> to vector<16xf32>
        %swap3A_720 = arith.constant 7 : i32
        %swap3A_721 = arith.index_cast %swap3A_720 : i32 to index
        %swap3A_722 = arith.constant 32 : index
        %swap3A_723 = tpu.vector_load %arg8[%swap3A_721, %swap3A_722] {strides = array<i32>} : memref<10x128xf32, #tpu.memory_space<vmem>>, vector<1x16xf32>,
        %swap3A_724 = vector.shape_cast %swap3A_723 : vector<1x16xf32> to vector<16xf32>
        %swap3A_725 = vector.shape_cast %get3A_719 : vector<16xf32> to vector<1x16xf32>
        tpu.vector_store %arg8[%swap3A_721, %swap3A_722], %swap3A_725 {strides = array<i32>} : memref<10x128xf32, #tpu.memory_space<vmem>>, vector<1x16xf32>,
        %get3A_726 = arith.constant 112 : i32
        %get3A_727 = arith.index_cast %get3A_726 : i32 to index
        %get3A_728 = arith.constant 48 : index
        %get3A_729 = tpu.vector_load %arg6[%get3A_727, %get3A_728] {strides = array<i32>} : memref<160x128xf32, #tpu.memory_space<vmem>>, vector<1x16xf32>,
        %get3A_730 = vector.shape_cast %get3A_729 : vector<1x16xf32> to vector<16xf32>
        %swap3A_731 = arith.constant 7 : i32
        %swap3A_732 = arith.index_cast %swap3A_731 : i32 to index
        %swap3A_733 = arith.constant 48 : index
        %swap3A_734 = tpu.vector_load %arg8[%swap3A_732, %swap3A_733] {strides = array<i32>} : memref<10x128xf32, #tpu.memory_space<vmem>>, vector<1x16xf32>,
        %swap3A_735 = vector.shape_cast %swap3A_734 : vector<1x16xf32> to vector<16xf32>
        %swap3A_736 = vector.shape_cast %get3A_730 : vector<16xf32> to vector<1x16xf32>
        tpu.vector_store %arg8[%swap3A_732, %swap3A_733], %swap3A_736 {strides = array<i32>} : memref<10x128xf32, #tpu.memory_space<vmem>>, vector<1x16xf32>,
        %get3A_737 = arith.constant 112 : i32
        %get3A_738 = arith.index_cast %get3A_737 : i32 to index
        %get3A_739 = arith.constant 64 : index
        %get3A_740 = tpu.vector_load %arg6[%get3A_738, %get3A_739] {strides = array<i32>} : memref<160x128xf32, #tpu.memory_space<vmem>>, vector<1x16xf32>,
        %get3A_741 = vector.shape_cast %get3A_740 : vector<1x16xf32> to vector<16xf32>
        %swap3A_742 = arith.constant 7 : i32
        %swap3A_743 = arith.index_cast %swap3A_742 : i32 to index
        %swap3A_744 = arith.constant 64 : index
        %swap3A_745 = tpu.vector_load %arg8[%swap3A_743, %swap3A_744] {strides = array<i32>} : memref<10x128xf32, #tpu.memory_space<vmem>>, vector<1x16xf32>,
        %swap3A_746 = vector.shape_cast %swap3A_745 : vector<1x16xf32> to vector<16xf32>
        %swap3A_747 = vector.shape_cast %get3A_741 : vector<16xf32> to vector<1x16xf32>
        tpu.vector_store %arg8[%swap3A_743, %swap3A_744], %swap3A_747 {strides = array<i32>} : memref<10x128xf32, #tpu.memory_space<vmem>>, vector<1x16xf32>,
        %get3A_748 = arith.constant 112 : i32
        %get3A_749 = arith.index_cast %get3A_748 : i32 to index
        %get3A_750 = arith.constant 80 : index
        %get3A_751 = tpu.vector_load %arg6[%get3A_749, %get3A_750] {strides = array<i32>} : memref<160x128xf32, #tpu.memory_space<vmem>>, vector<1x16xf32>,
        %get3A_752 = vector.shape_cast %get3A_751 : vector<1x16xf32> to vector<16xf32>
        %swap3A_753 = arith.constant 7 : i32
        %swap3A_754 = arith.index_cast %swap3A_753 : i32 to index
        %swap3A_755 = arith.constant 80 : index
        %swap3A_756 = tpu.vector_load %arg8[%swap3A_754, %swap3A_755] {strides = array<i32>} : memref<10x128xf32, #tpu.memory_space<vmem>>, vector<1x16xf32>,
        %swap3A_757 = vector.shape_cast %swap3A_756 : vector<1x16xf32> to vector<16xf32>
        %swap3A_758 = vector.shape_cast %get3A_752 : vector<16xf32> to vector<1x16xf32>
        tpu.vector_store %arg8[%swap3A_754, %swap3A_755], %swap3A_758 {strides = array<i32>} : memref<10x128xf32, #tpu.memory_space<vmem>>, vector<1x16xf32>,
        %get3A_759 = arith.constant 112 : i32
        %get3A_760 = arith.index_cast %get3A_759 : i32 to index
        %get3A_761 = arith.constant 96 : index
        %get3A_762 = tpu.vector_load %arg6[%get3A_760, %get3A_761] {strides = array<i32>} : memref<160x128xf32, #tpu.memory_space<vmem>>, vector<1x16xf32>,
        %get3A_763 = vector.shape_cast %get3A_762 : vector<1x16xf32> to vector<16xf32>
        %swap3A_764 = arith.constant 7 : i32
        %swap3A_765 = arith.index_cast %swap3A_764 : i32 to index
        %swap3A_766 = arith.constant 96 : index
        %swap3A_767 = tpu.vector_load %arg8[%swap3A_765, %swap3A_766] {strides = array<i32>} : memref<10x128xf32, #tpu.memory_space<vmem>>, vector<1x16xf32>,
        %swap3A_768 = vector.shape_cast %swap3A_767 : vector<1x16xf32> to vector<16xf32>
        %swap3A_769 = vector.shape_cast %get3A_763 : vector<16xf32> to vector<1x16xf32>
        tpu.vector_store %arg8[%swap3A_765, %swap3A_766], %swap3A_769 {strides = array<i32>} : memref<10x128xf32, #tpu.memory_space<vmem>>, vector<1x16xf32>,
        %get3A_770 = arith.constant 112 : i32
        %get3A_771 = arith.index_cast %get3A_770 : i32 to index
        %get3A_772 = arith.constant 112 : index
        %get3A_773 = tpu.vector_load %arg6[%get3A_771, %get3A_772] {strides = array<i32>} : memref<160x128xf32, #tpu.memory_space<vmem>>, vector<1x16xf32>,
        %get3A_774 = vector.shape_cast %get3A_773 : vector<1x16xf32> to vector<16xf32>
        %swap3A_775 = arith.constant 7 : i32
        %swap3A_776 = arith.index_cast %swap3A_775 : i32 to index
        %swap3A_777 = arith.constant 112 : index
        %swap3A_778 = tpu.vector_load %arg8[%swap3A_776, %swap3A_777] {strides = array<i32>} : memref<10x128xf32, #tpu.memory_space<vmem>>, vector<1x16xf32>,
        %swap3A_779 = vector.shape_cast %swap3A_778 : vector<1x16xf32> to vector<16xf32>
        %swap3A_780 = vector.shape_cast %get3A_774 : vector<16xf32> to vector<1x16xf32>
        tpu.vector_store %arg8[%swap3A_776, %swap3A_777], %swap3A_780 {strides = array<i32>} : memref<10x128xf32, #tpu.memory_space<vmem>>, vector<1x16xf32>,
        %get3A_781 = arith.constant 128 : i32
        %get3A_782 = arith.index_cast %get3A_781 : i32 to index
        %get3A_783 = arith.constant 0 : index
        %get3A_784 = tpu.vector_load %arg6[%get3A_782, %get3A_783] {strides = array<i32>} : memref<160x128xf32, #tpu.memory_space<vmem>>, vector<1x16xf32>,
        %get3A_785 = vector.shape_cast %get3A_784 : vector<1x16xf32> to vector<16xf32>
        %swap3A_786 = arith.constant 8 : i32
        %swap3A_787 = arith.index_cast %swap3A_786 : i32 to index
        %swap3A_788 = arith.constant 0 : index
        %swap3A_789 = tpu.vector_load %arg8[%swap3A_787, %swap3A_788] {strides = array<i32>} : memref<10x128xf32, #tpu.memory_space<vmem>>, vector<1x16xf32>,
        %swap3A_790 = vector.shape_cast %swap3A_789 : vector<1x16xf32> to vector<16xf32>
        %swap3A_791 = vector.shape_cast %get3A_785 : vector<16xf32> to vector<1x16xf32>
        tpu.vector_store %arg8[%swap3A_787, %swap3A_788], %swap3A_791 {strides = array<i32>} : memref<10x128xf32, #tpu.memory_space<vmem>>, vector<1x16xf32>,
        %get3A_792 = arith.constant 128 : i32
        %get3A_793 = arith.index_cast %get3A_792 : i32 to index
        %get3A_794 = arith.constant 16 : index
        %get3A_795 = tpu.vector_load %arg6[%get3A_793, %get3A_794] {strides = array<i32>} : memref<160x128xf32, #tpu.memory_space<vmem>>, vector<1x16xf32>,
        %get3A_796 = vector.shape_cast %get3A_795 : vector<1x16xf32> to vector<16xf32>
        %swap3A_797 = arith.constant 8 : i32
        %swap3A_798 = arith.index_cast %swap3A_797 : i32 to index
        %swap3A_799 = arith.constant 16 : index
        %swap3A_800 = tpu.vector_load %arg8[%swap3A_798, %swap3A_799] {strides = array<i32>} : memref<10x128xf32, #tpu.memory_space<vmem>>, vector<1x16xf32>,
        %swap3A_801 = vector.shape_cast %swap3A_800 : vector<1x16xf32> to vector<16xf32>
        %swap3A_802 = vector.shape_cast %get3A_796 : vector<16xf32> to vector<1x16xf32>
        tpu.vector_store %arg8[%swap3A_798, %swap3A_799], %swap3A_802 {strides = array<i32>} : memref<10x128xf32, #tpu.memory_space<vmem>>, vector<1x16xf32>,
        %get3A_803 = arith.constant 128 : i32
        %get3A_804 = arith.index_cast %get3A_803 : i32 to index
        %get3A_805 = arith.constant 32 : index
        %get3A_806 = tpu.vector_load %arg6[%get3A_804, %get3A_805] {strides = array<i32>} : memref<160x128xf32, #tpu.memory_space<vmem>>, vector<1x16xf32>,
        %get3A_807 = vector.shape_cast %get3A_806 : vector<1x16xf32> to vector<16xf32>
        %swap3A_808 = arith.constant 8 : i32
        %swap3A_809 = arith.index_cast %swap3A_808 : i32 to index
        %swap3A_810 = arith.constant 32 : index
        %swap3A_811 = tpu.vector_load %arg8[%swap3A_809, %swap3A_810] {strides = array<i32>} : memref<10x128xf32, #tpu.memory_space<vmem>>, vector<1x16xf32>,
        %swap3A_812 = vector.shape_cast %swap3A_811 : vector<1x16xf32> to vector<16xf32>
        %swap3A_813 = vector.shape_cast %get3A_807 : vector<16xf32> to vector<1x16xf32>
        tpu.vector_store %arg8[%swap3A_809, %swap3A_810], %swap3A_813 {strides = array<i32>} : memref<10x128xf32, #tpu.memory_space<vmem>>, vector<1x16xf32>,
        %get3A_814 = arith.constant 128 : i32
        %get3A_815 = arith.index_cast %get3A_814 : i32 to index
        %get3A_816 = arith.constant 48 : index
        %get3A_817 = tpu.vector_load %arg6[%get3A_815, %get3A_816] {strides = array<i32>} : memref<160x128xf32, #tpu.memory_space<vmem>>, vector<1x16xf32>,
        %get3A_818 = vector.shape_cast %get3A_817 : vector<1x16xf32> to vector<16xf32>
        %swap3A_819 = arith.constant 8 : i32
        %swap3A_820 = arith.index_cast %swap3A_819 : i32 to index
        %swap3A_821 = arith.constant 48 : index
        %swap3A_822 = tpu.vector_load %arg8[%swap3A_820, %swap3A_821] {strides = array<i32>} : memref<10x128xf32, #tpu.memory_space<vmem>>, vector<1x16xf32>,
        %swap3A_823 = vector.shape_cast %swap3A_822 : vector<1x16xf32> to vector<16xf32>
        %swap3A_824 = vector.shape_cast %get3A_818 : vector<16xf32> to vector<1x16xf32>
        tpu.vector_store %arg8[%swap3A_820, %swap3A_821], %swap3A_824 {strides = array<i32>} : memref<10x128xf32, #tpu.memory_space<vmem>>, vector<1x16xf32>,
        %get3A_825 = arith.constant 128 : i32
        %get3A_826 = arith.index_cast %get3A_825 : i32 to index
        %get3A_827 = arith.constant 64 : index
        %get3A_828 = tpu.vector_load %arg6[%get3A_826, %get3A_827] {strides = array<i32>} : memref<160x128xf32, #tpu.memory_space<vmem>>, vector<1x16xf32>,
        %get3A_829 = vector.shape_cast %get3A_828 : vector<1x16xf32> to vector<16xf32>
        %swap3A_830 = arith.constant 8 : i32
        %swap3A_831 = arith.index_cast %swap3A_830 : i32 to index
        %swap3A_832 = arith.constant 64 : index
        %swap3A_833 = tpu.vector_load %arg8[%swap3A_831, %swap3A_832] {strides = array<i32>} : memref<10x128xf32, #tpu.memory_space<vmem>>, vector<1x16xf32>,
        %swap3A_834 = vector.shape_cast %swap3A_833 : vector<1x16xf32> to vector<16xf32>
        %swap3A_835 = vector.shape_cast %get3A_829 : vector<16xf32> to vector<1x16xf32>
        tpu.vector_store %arg8[%swap3A_831, %swap3A_832], %swap3A_835 {strides = array<i32>} : memref<10x128xf32, #tpu.memory_space<vmem>>, vector<1x16xf32>,
        %get3A_836 = arith.constant 128 : i32
        %get3A_837 = arith.index_cast %get3A_836 : i32 to index
        %get3A_838 = arith.constant 80 : index
        %get3A_839 = tpu.vector_load %arg6[%get3A_837, %get3A_838] {strides = array<i32>} : memref<160x128xf32, #tpu.memory_space<vmem>>, vector<1x16xf32>,
        %get3A_840 = vector.shape_cast %get3A_839 : vector<1x16xf32> to vector<16xf32>
        %swap3A_841 = arith.constant 8 : i32
        %swap3A_842 = arith.index_cast %swap3A_841 : i32 to index
        %swap3A_843 = arith.constant 80 : index
        %swap3A_844 = tpu.vector_load %arg8[%swap3A_842, %swap3A_843] {strides = array<i32>} : memref<10x128xf32, #tpu.memory_space<vmem>>, vector<1x16xf32>,
        %swap3A_845 = vector.shape_cast %swap3A_844 : vector<1x16xf32> to vector<16xf32>
        %swap3A_846 = vector.shape_cast %get3A_840 : vector<16xf32> to vector<1x16xf32>
        tpu.vector_store %arg8[%swap3A_842, %swap3A_843], %swap3A_846 {strides = array<i32>} : memref<10x128xf32, #tpu.memory_space<vmem>>, vector<1x16xf32>,
        %get3A_847 = arith.constant 128 : i32
        %get3A_848 = arith.index_cast %get3A_847 : i32 to index
        %get3A_849 = arith.constant 96 : index
        %get3A_850 = tpu.vector_load %arg6[%get3A_848, %get3A_849] {strides = array<i32>} : memref<160x128xf32, #tpu.memory_space<vmem>>, vector<1x16xf32>,
        %get3A_851 = vector.shape_cast %get3A_850 : vector<1x16xf32> to vector<16xf32>
        %swap3A_852 = arith.constant 8 : i32
        %swap3A_853 = arith.index_cast %swap3A_852 : i32 to index
        %swap3A_854 = arith.constant 96 : index
        %swap3A_855 = tpu.vector_load %arg8[%swap3A_853, %swap3A_854] {strides = array<i32>} : memref<10x128xf32, #tpu.memory_space<vmem>>, vector<1x16xf32>,
        %swap3A_856 = vector.shape_cast %swap3A_855 : vector<1x16xf32> to vector<16xf32>
        %swap3A_857 = vector.shape_cast %get3A_851 : vector<16xf32> to vector<1x16xf32>
        tpu.vector_store %arg8[%swap3A_853, %swap3A_854], %swap3A_857 {strides = array<i32>} : memref<10x128xf32, #tpu.memory_space<vmem>>, vector<1x16xf32>,
        %get3A_858 = arith.constant 128 : i32
        %get3A_859 = arith.index_cast %get3A_858 : i32 to index
        %get3A_860 = arith.constant 112 : index
        %get3A_861 = tpu.vector_load %arg6[%get3A_859, %get3A_860] {strides = array<i32>} : memref<160x128xf32, #tpu.memory_space<vmem>>, vector<1x16xf32>,
        %get3A_862 = vector.shape_cast %get3A_861 : vector<1x16xf32> to vector<16xf32>
        %swap3A_863 = arith.constant 8 : i32
        %swap3A_864 = arith.index_cast %swap3A_863 : i32 to index
        %swap3A_865 = arith.constant 112 : index
        %swap3A_866 = tpu.vector_load %arg8[%swap3A_864, %swap3A_865] {strides = array<i32>} : memref<10x128xf32, #tpu.memory_space<vmem>>, vector<1x16xf32>,
        %swap3A_867 = vector.shape_cast %swap3A_866 : vector<1x16xf32> to vector<16xf32>
        %swap3A_868 = vector.shape_cast %get3A_862 : vector<16xf32> to vector<1x16xf32>
        tpu.vector_store %arg8[%swap3A_864, %swap3A_865], %swap3A_868 {strides = array<i32>} : memref<10x128xf32, #tpu.memory_space<vmem>>, vector<1x16xf32>,
        %get3A_869 = arith.constant 144 : i32
        %get3A_870 = arith.index_cast %get3A_869 : i32 to index
        %get3A_871 = arith.constant 0 : index
        %get3A_872 = tpu.vector_load %arg6[%get3A_870, %get3A_871] {strides = array<i32>} : memref<160x128xf32, #tpu.memory_space<vmem>>, vector<1x16xf32>,
        %get3A_873 = vector.shape_cast %get3A_872 : vector<1x16xf32> to vector<16xf32>
        %swap3A_874 = arith.constant 9 : i32
        %swap3A_875 = arith.index_cast %swap3A_874 : i32 to index
        %swap3A_876 = arith.constant 0 : index
        %swap3A_877 = tpu.vector_load %arg8[%swap3A_875, %swap3A_876] {strides = array<i32>} : memref<10x128xf32, #tpu.memory_space<vmem>>, vector<1x16xf32>,
        %swap3A_878 = vector.shape_cast %swap3A_877 : vector<1x16xf32> to vector<16xf32>
        %swap3A_879 = vector.shape_cast %get3A_873 : vector<16xf32> to vector<1x16xf32>
        tpu.vector_store %arg8[%swap3A_875, %swap3A_876], %swap3A_879 {strides = array<i32>} : memref<10x128xf32, #tpu.memory_space<vmem>>, vector<1x16xf32>,
        %get3A_880 = arith.constant 144 : i32
        %get3A_881 = arith.index_cast %get3A_880 : i32 to index
        %get3A_882 = arith.constant 16 : index
        %get3A_883 = tpu.vector_load %arg6[%get3A_881, %get3A_882] {strides = array<i32>} : memref<160x128xf32, #tpu.memory_space<vmem>>, vector<1x16xf32>,
        %get3A_884 = vector.shape_cast %get3A_883 : vector<1x16xf32> to vector<16xf32>
        %swap3A_885 = arith.constant 9 : i32
        %swap3A_886 = arith.index_cast %swap3A_885 : i32 to index
        %swap3A_887 = arith.constant 16 : index
        %swap3A_888 = tpu.vector_load %arg8[%swap3A_886, %swap3A_887] {strides = array<i32>} : memref<10x128xf32, #tpu.memory_space<vmem>>, vector<1x16xf32>,
        %swap3A_889 = vector.shape_cast %swap3A_888 : vector<1x16xf32> to vector<16xf32>
        %swap3A_890 = vector.shape_cast %get3A_884 : vector<16xf32> to vector<1x16xf32>
        tpu.vector_store %arg8[%swap3A_886, %swap3A_887], %swap3A_890 {strides = array<i32>} : memref<10x128xf32, #tpu.memory_space<vmem>>, vector<1x16xf32>,
        %get3A_891 = arith.constant 144 : i32
        %get3A_892 = arith.index_cast %get3A_891 : i32 to index
        %get3A_893 = arith.constant 32 : index
        %get3A_894 = tpu.vector_load %arg6[%get3A_892, %get3A_893] {strides = array<i32>} : memref<160x128xf32, #tpu.memory_space<vmem>>, vector<1x16xf32>,
        %get3A_895 = vector.shape_cast %get3A_894 : vector<1x16xf32> to vector<16xf32>
        %swap3A_896 = arith.constant 9 : i32
        %swap3A_897 = arith.index_cast %swap3A_896 : i32 to index
        %swap3A_898 = arith.constant 32 : index
        %swap3A_899 = tpu.vector_load %arg8[%swap3A_897, %swap3A_898] {strides = array<i32>} : memref<10x128xf32, #tpu.memory_space<vmem>>, vector<1x16xf32>,
        %swap3A_900 = vector.shape_cast %swap3A_899 : vector<1x16xf32> to vector<16xf32>
        %swap3A_901 = vector.shape_cast %get3A_895 : vector<16xf32> to vector<1x16xf32>
        tpu.vector_store %arg8[%swap3A_897, %swap3A_898], %swap3A_901 {strides = array<i32>} : memref<10x128xf32, #tpu.memory_space<vmem>>, vector<1x16xf32>,
        %get3A_902 = arith.constant 144 : i32
        %get3A_903 = arith.index_cast %get3A_902 : i32 to index
        %get3A_904 = arith.constant 48 : index
        %get3A_905 = tpu.vector_load %arg6[%get3A_903, %get3A_904] {strides = array<i32>} : memref<160x128xf32, #tpu.memory_space<vmem>>, vector<1x16xf32>,
        %get3A_906 = vector.shape_cast %get3A_905 : vector<1x16xf32> to vector<16xf32>
        %swap3A_907 = arith.constant 9 : i32
        %swap3A_908 = arith.index_cast %swap3A_907 : i32 to index
        %swap3A_909 = arith.constant 48 : index
        %swap3A_910 = tpu.vector_load %arg8[%swap3A_908, %swap3A_909] {strides = array<i32>} : memref<10x128xf32, #tpu.memory_space<vmem>>, vector<1x16xf32>,
        %swap3A_911 = vector.shape_cast %swap3A_910 : vector<1x16xf32> to vector<16xf32>
        %swap3A_912 = vector.shape_cast %get3A_906 : vector<16xf32> to vector<1x16xf32>
        tpu.vector_store %arg8[%swap3A_908, %swap3A_909], %swap3A_912 {strides = array<i32>} : memref<10x128xf32, #tpu.memory_space<vmem>>, vector<1x16xf32>,
        %get3A_913 = arith.constant 144 : i32
        %get3A_914 = arith.index_cast %get3A_913 : i32 to index
        %get3A_915 = arith.constant 64 : index
        %get3A_916 = tpu.vector_load %arg6[%get3A_914, %get3A_915] {strides = array<i32>} : memref<160x128xf32, #tpu.memory_space<vmem>>, vector<1x16xf32>,
        %get3A_917 = vector.shape_cast %get3A_916 : vector<1x16xf32> to vector<16xf32>
        %swap3A_918 = arith.constant 9 : i32
        %swap3A_919 = arith.index_cast %swap3A_918 : i32 to index
        %swap3A_920 = arith.constant 64 : index
        %swap3A_921 = tpu.vector_load %arg8[%swap3A_919, %swap3A_920] {strides = array<i32>} : memref<10x128xf32, #tpu.memory_space<vmem>>, vector<1x16xf32>,
        %swap3A_922 = vector.shape_cast %swap3A_921 : vector<1x16xf32> to vector<16xf32>
        %swap3A_923 = vector.shape_cast %get3A_917 : vector<16xf32> to vector<1x16xf32>
        tpu.vector_store %arg8[%swap3A_919, %swap3A_920], %swap3A_923 {strides = array<i32>} : memref<10x128xf32, #tpu.memory_space<vmem>>, vector<1x16xf32>,
        %get3A_924 = arith.constant 144 : i32
        %get3A_925 = arith.index_cast %get3A_924 : i32 to index
        %get3A_926 = arith.constant 80 : index
        %get3A_927 = tpu.vector_load %arg6[%get3A_925, %get3A_926] {strides = array<i32>} : memref<160x128xf32, #tpu.memory_space<vmem>>, vector<1x16xf32>,
        %get3A_928 = vector.shape_cast %get3A_927 : vector<1x16xf32> to vector<16xf32>
        %swap3A_929 = arith.constant 9 : i32
        %swap3A_930 = arith.index_cast %swap3A_929 : i32 to index
        %swap3A_931 = arith.constant 80 : index
        %swap3A_932 = tpu.vector_load %arg8[%swap3A_930, %swap3A_931] {strides = array<i32>} : memref<10x128xf32, #tpu.memory_space<vmem>>, vector<1x16xf32>,
        %swap3A_933 = vector.shape_cast %swap3A_932 : vector<1x16xf32> to vector<16xf32>
        %swap3A_934 = vector.shape_cast %get3A_928 : vector<16xf32> to vector<1x16xf32>
        tpu.vector_store %arg8[%swap3A_930, %swap3A_931], %swap3A_934 {strides = array<i32>} : memref<10x128xf32, #tpu.memory_space<vmem>>, vector<1x16xf32>,
        %get3A_935 = arith.constant 144 : i32
        %get3A_936 = arith.index_cast %get3A_935 : i32 to index
        %get3A_937 = arith.constant 96 : index
        %get3A_938 = tpu.vector_load %arg6[%get3A_936, %get3A_937] {strides = array<i32>} : memref<160x128xf32, #tpu.memory_space<vmem>>, vector<1x16xf32>,
        %get3A_939 = vector.shape_cast %get3A_938 : vector<1x16xf32> to vector<16xf32>
        %swap3A_940 = arith.constant 9 : i32
        %swap3A_941 = arith.index_cast %swap3A_940 : i32 to index
        %swap3A_942 = arith.constant 96 : index
        %swap3A_943 = tpu.vector_load %arg8[%swap3A_941, %swap3A_942] {strides = array<i32>} : memref<10x128xf32, #tpu.memory_space<vmem>>, vector<1x16xf32>,
        %swap3A_944 = vector.shape_cast %swap3A_943 : vector<1x16xf32> to vector<16xf32>
        %swap3A_945 = vector.shape_cast %get3A_939 : vector<16xf32> to vector<1x16xf32>
        tpu.vector_store %arg8[%swap3A_941, %swap3A_942], %swap3A_945 {strides = array<i32>} : memref<10x128xf32, #tpu.memory_space<vmem>>, vector<1x16xf32>,
        %get3A_946 = arith.constant 144 : i32
        %get3A_947 = arith.index_cast %get3A_946 : i32 to index
        %get3A_948 = arith.constant 112 : index
        %get3A_949 = tpu.vector_load %arg6[%get3A_947, %get3A_948] {strides = array<i32>} : memref<160x128xf32, #tpu.memory_space<vmem>>, vector<1x16xf32>,
        %get3A_950 = vector.shape_cast %get3A_949 : vector<1x16xf32> to vector<16xf32>
        %swap3A_951 = arith.constant 9 : i32
        %swap3A_952 = arith.index_cast %swap3A_951 : i32 to index
        %swap3A_953 = arith.constant 112 : index
        %swap3A_954 = tpu.vector_load %arg8[%swap3A_952, %swap3A_953] {strides = array<i32>} : memref<10x128xf32, #tpu.memory_space<vmem>>, vector<1x16xf32>,
        %swap3A_955 = vector.shape_cast %swap3A_954 : vector<1x16xf32> to vector<16xf32>
        %swap3A_956 = vector.shape_cast %get3A_950 : vector<16xf32> to vector<1x16xf32>
        tpu.vector_store %arg8[%swap3A_952, %swap3A_953], %swap3A_956 {strides = array<i32>} : memref<10x128xf32, #tpu.memory_space<vmem>>, vector<1x16xf32>,
        %mul3A_957 = arith.constant 10 : i32
        %mul3A_958 = arith.muli %add3A_40, %mul3A_957 : i32
        %add3A_959 = arith.addi %mul3A_2, %mul3A_958 : i32
        %dma_start3A_960 = arith.constant 0 : i32
        %dma_start3A_961 = tpu.memref_slice %arg4[%add3A_959, %dma_start3A_960] : memref<40000x128xf32, #tpu.memory_space<hbm>> -> memref<10x128xf32, #tpu.memory_space<hbm>>
        %dma_start3A_962 = arith.constant 0 : i32
        %dma_start3A_963 = tpu.memref_slice %arg4[%add3A_959, %dma_start3A_962] : memref<40000x128xf32, #tpu.memory_space<hbm>> -> memref<10x128xf32, #tpu.memory_space<hbm>>
        tpu.enqueue_dma source(%arg8 : memref<10x128xf32, #tpu.memory_space<vmem>>) target(%dma_start3A_963 : memref<10x128xf32, #tpu.memory_space<hbm>>) target_semaphore(%arg11 : memref<!tpu.dma_semaphore, #tpu.memory_space<semaphore_mem>>)
      } else {
      }
      %mul3A_43 = arith.constant 2 : i32
      %mul3A_44 = arith.muli %scan3A_36, %mul3A_43 : i32
      %add3A_45 = arith.constant 1 : i32
      %add3A_46 = arith.addi %mul3A_44, %add3A_45 : i32
      %lt3A_47 = arith.constant 125 : i32
      %lt3A_48 = arith.cmpi slt, %add3A_46, %lt3A_47 : i32
      %convert_element_type3A_49 = arith.extui %lt3A_48 : i1 to i32
      %cond3A_50 = arith.constant 0 : i32
      %cond3A_51 = arith.cmpi ne, %convert_element_type3A_49, %cond3A_50 : i32
      scf.if %cond3A_51 {
        %add3A_52 = arith.constant 1 : i32
        %add3A_53 = arith.addi %add3A_46, %add3A_52 : i32
        %lt3A_54 = arith.constant 125 : i32
        %lt3A_55 = arith.cmpi slt, %add3A_53, %lt3A_54 : i32
        %convert_element_type3A_56 = arith.extui %lt3A_55 : i1 to i32
        %cond3A_57 = arith.constant 0 : i32
        %cond3A_58 = arith.cmpi ne, %convert_element_type3A_56, %cond3A_57 : i32
        scf.if %cond3A_58 {
          %add3A_964 = arith.constant 1 : i32
          %add3A_965 = arith.addi %add3A_46, %add3A_964 : i32
          %mul3A_966 = arith.constant 160 : i32
          %mul3A_967 = arith.muli %add3A_965, %mul3A_966 : i32
          %add3A_968 = arith.constant 0 : i32
          %add3A_969 = arith.addi %mul3A_967, %add3A_968 : i32
          %dma_start3A_970 = arith.constant 0 : i32
          %dma_start3A_971 = arith.constant 0 : i32
          %dma_start3A_972 = tpu.memref_slice %arg6[%dma_start3A_970, %dma_start3A_971] : memref<160x128xf32, #tpu.memory_space<vmem>> -> memref<80x128xf32, #tpu.memory_space<vmem>>
          %dma_start3A_973 = tpu.memref_slice %arg5[%add3A_969] : memref<20000xi32, #tpu.memory_space<vmem>> -> memref<80xi32, #tpu.memory_space<vmem>>
          %dma_start3A_974 = arith.constant 0 : i32
          %dma_start3A_975 = arith.constant 0 : i32
          %dma_start3A_976 = tpu.memref_slice %arg2[%dma_start3A_974, %dma_start3A_975] : memref<40000x128xf32, #tpu.memory_space<hbm>> -> memref<40000x128xf32, #tpu.memory_space<hbm>>
          tpu.enqueue_indirect_dma source(%dma_start3A_976 : memref<40000x128xf32, #tpu.memory_space<hbm>>) target(%dma_start3A_972 : memref<80x128xf32, #tpu.memory_space<vmem>>) offsets(%dma_start3A_973 : memref<80xi32, #tpu.memory_space<vmem>>) semaphore(%arg10 : memref<!tpu.dma_semaphore, #tpu.memory_space<semaphore_mem>>)
          %mul3A_977 = arith.constant 160 : i32
          %mul3A_978 = arith.muli %add3A_965, %mul3A_977 : i32
          %add3A_979 = arith.constant 80 : i32
          %add3A_980 = arith.addi %mul3A_978, %add3A_979 : i32
          %dma_start3A_981 = arith.constant 80 : i32
          %dma_start3A_982 = arith.constant 0 : i32
          %dma_start3A_983 = tpu.memref_slice %arg6[%dma_start3A_981, %dma_start3A_982] : memref<160x128xf32, #tpu.memory_space<vmem>> -> memref<80x128xf32, #tpu.memory_space<vmem>>
          %dma_start3A_984 = tpu.memref_slice %arg5[%add3A_980] : memref<20000xi32, #tpu.memory_space<vmem>> -> memref<80xi32, #tpu.memory_space<vmem>>
          %dma_start3A_985 = arith.constant 0 : i32
          %dma_start3A_986 = arith.constant 0 : i32
          %dma_start3A_987 = tpu.memref_slice %arg2[%dma_start3A_985, %dma_start3A_986] : memref<40000x128xf32, #tpu.memory_space<hbm>> -> memref<40000x128xf32, #tpu.memory_space<hbm>>
          tpu.enqueue_indirect_dma source(%dma_start3A_987 : memref<40000x128xf32, #tpu.memory_space<hbm>>) target(%dma_start3A_983 : memref<80x128xf32, #tpu.memory_space<vmem>>) offsets(%dma_start3A_984 : memref<80xi32, #tpu.memory_space<vmem>>) semaphore(%arg10 : memref<!tpu.dma_semaphore, #tpu.memory_space<semaphore_mem>>)
        } else {
        }
        %dma_wait3A_59 = arith.constant 0 : i32
        %dma_wait3A_60 = arith.constant 0 : i32
        %dma_wait3A_61 = tpu.memref_slice %arg7[%dma_wait3A_59, %dma_wait3A_60] : memref<160x128xf32, #tpu.memory_space<vmem>> -> memref<80x128xf32, #tpu.memory_space<vmem>>
        %dma_wait3A_62 = arith.constant 0 : i32
        %dma_wait3A_63 = tpu.memref_slice %arg5[%dma_wait3A_62] : memref<20000xi32, #tpu.memory_space<vmem>> -> memref<80xi32, #tpu.memory_space<vmem>>
        %dma_wait3A_64 = arith.constant 0 : i32
        %dma_wait3A_65 = arith.constant 0 : i32
        %dma_wait3A_66 = tpu.memref_slice %arg2[%dma_wait3A_64, %dma_wait3A_65] : memref<40000x128xf32, #tpu.memory_space<hbm>> -> memref<40000x128xf32, #tpu.memory_space<hbm>>
        tpu.wait_indirect_dma semaphore(%arg10 : memref<!tpu.dma_semaphore, #tpu.memory_space<semaphore_mem>>) src(%dma_wait3A_66 : memref<40000x128xf32, #tpu.memory_space<hbm>>) dst(%dma_wait3A_61 : memref<80x128xf32, #tpu.memory_space<vmem>>)
        %dma_wait3A_67 = arith.constant 80 : i32
        %dma_wait3A_68 = arith.constant 0 : i32
        %dma_wait3A_69 = tpu.memref_slice %arg7[%dma_wait3A_67, %dma_wait3A_68] : memref<160x128xf32, #tpu.memory_space<vmem>> -> memref<80x128xf32, #tpu.memory_space<vmem>>
        %dma_wait3A_70 = arith.constant 0 : i32
        %dma_wait3A_71 = tpu.memref_slice %arg5[%dma_wait3A_70] : memref<20000xi32, #tpu.memory_space<vmem>> -> memref<80xi32, #tpu.memory_space<vmem>>
        %dma_wait3A_72 = arith.constant 0 : i32
        %dma_wait3A_73 = arith.constant 0 : i32
        %dma_wait3A_74 = tpu.memref_slice %arg2[%dma_wait3A_72, %dma_wait3A_73] : memref<40000x128xf32, #tpu.memory_space<hbm>> -> memref<40000x128xf32, #tpu.memory_space<hbm>>
        tpu.wait_indirect_dma semaphore(%arg10 : memref<!tpu.dma_semaphore, #tpu.memory_space<semaphore_mem>>) src(%dma_wait3A_74 : memref<40000x128xf32, #tpu.memory_space<hbm>>) dst(%dma_wait3A_69 : memref<80x128xf32, #tpu.memory_space<vmem>>)
        %ge3A = arith.constant 2 : i32
        %ge3A_75 = arith.cmpi sge, %add3A_46, %ge3A : i32
        %convert_element_type3A_76 = arith.extui %ge3A_75 : i1 to i32
        %cond3A_77 = arith.constant 0 : i32
        %cond3A_78 = arith.cmpi ne, %convert_element_type3A_76, %cond3A_77 : i32
        scf.if %cond3A_78 {
          %dma_wait3A_964 = arith.constant 0 : i32
          %dma_wait3A_965 = arith.constant 0 : i32
          %dma_wait3A_966 = tpu.memref_slice %arg4[%dma_wait3A_964, %dma_wait3A_965] : memref<40000x128xf32, #tpu.memory_space<hbm>> -> memref<10x128xf32, #tpu.memory_space<hbm>>
          %dma_wait3A_967 = arith.constant 0 : i32
          %dma_wait3A_968 = arith.constant 0 : i32
          %dma_wait3A_969 = tpu.memref_slice %arg4[%dma_wait3A_967, %dma_wait3A_968] : memref<40000x128xf32, #tpu.memory_space<hbm>> -> memref<10x128xf32, #tpu.memory_space<hbm>>
          tpu.wait_dma2 semaphore(%arg11 : memref<!tpu.dma_semaphore, #tpu.memory_space<semaphore_mem>>) src(%arg9 : memref<10x128xf32, #tpu.memory_space<vmem>>) dst(%dma_wait3A_969 : memref<10x128xf32, #tpu.memory_space<hbm>>)
        } else {
        }
        %get3A = arith.constant 0 : i32
        %get3A_79 = arith.index_cast %get3A : i32 to index
        %get3A_80 = arith.constant 0 : index
        %get3A_81 = tpu.vector_load %arg7[%get3A_79, %get3A_80] {strides = array<i32>} : memref<160x128xf32, #tpu.memory_space<vmem>>, vector<1x16xf32>,
        %get3A_82 = vector.shape_cast %get3A_81 : vector<1x16xf32> to vector<16xf32>
        %swap3A = arith.constant 0 : i32
        %swap3A_83 = arith.index_cast %swap3A : i32 to index
        %swap3A_84 = arith.constant 0 : index
        %swap3A_85 = tpu.vector_load %arg9[%swap3A_83, %swap3A_84] {strides = array<i32>} : memref<10x128xf32, #tpu.memory_space<vmem>>, vector<1x16xf32>,
        %swap3A_86 = vector.shape_cast %swap3A_85 : vector<1x16xf32> to vector<16xf32>
        %swap3A_87 = vector.shape_cast %get3A_82 : vector<16xf32> to vector<1x16xf32>
        tpu.vector_store %arg9[%swap3A_83, %swap3A_84], %swap3A_87 {strides = array<i32>} : memref<10x128xf32, #tpu.memory_space<vmem>>, vector<1x16xf32>,
        %get3A_88 = arith.constant 0 : i32
        %get3A_89 = arith.index_cast %get3A_88 : i32 to index
        %get3A_90 = arith.constant 16 : index
        %get3A_91 = tpu.vector_load %arg7[%get3A_89, %get3A_90] {strides = array<i32>} : memref<160x128xf32, #tpu.memory_space<vmem>>, vector<1x16xf32>,
        %get3A_92 = vector.shape_cast %get3A_91 : vector<1x16xf32> to vector<16xf32>
        %swap3A_93 = arith.constant 0 : i32
        %swap3A_94 = arith.index_cast %swap3A_93 : i32 to index
        %swap3A_95 = arith.constant 16 : index
        %swap3A_96 = tpu.vector_load %arg9[%swap3A_94, %swap3A_95] {strides = array<i32>} : memref<10x128xf32, #tpu.memory_space<vmem>>, vector<1x16xf32>,
        %swap3A_97 = vector.shape_cast %swap3A_96 : vector<1x16xf32> to vector<16xf32>
        %swap3A_98 = vector.shape_cast %get3A_92 : vector<16xf32> to vector<1x16xf32>
        tpu.vector_store %arg9[%swap3A_94, %swap3A_95], %swap3A_98 {strides = array<i32>} : memref<10x128xf32, #tpu.memory_space<vmem>>, vector<1x16xf32>,
        %get3A_99 = arith.constant 0 : i32
        %get3A_100 = arith.index_cast %get3A_99 : i32 to index
        %get3A_101 = arith.constant 32 : index
        %get3A_102 = tpu.vector_load %arg7[%get3A_100, %get3A_101] {strides = array<i32>} : memref<160x128xf32, #tpu.memory_space<vmem>>, vector<1x16xf32>,
        %get3A_103 = vector.shape_cast %get3A_102 : vector<1x16xf32> to vector<16xf32>
        %swap3A_104 = arith.constant 0 : i32
        %swap3A_105 = arith.index_cast %swap3A_104 : i32 to index
        %swap3A_106 = arith.constant 32 : index
        %swap3A_107 = tpu.vector_load %arg9[%swap3A_105, %swap3A_106] {strides = array<i32>} : memref<10x128xf32, #tpu.memory_space<vmem>>, vector<1x16xf32>,
        %swap3A_108 = vector.shape_cast %swap3A_107 : vector<1x16xf32> to vector<16xf32>
        %swap3A_109 = vector.shape_cast %get3A_103 : vector<16xf32> to vector<1x16xf32>
        tpu.vector_store %arg9[%swap3A_105, %swap3A_106], %swap3A_109 {strides = array<i32>} : memref<10x128xf32, #tpu.memory_space<vmem>>, vector<1x16xf32>,
        %get3A_110 = arith.constant 0 : i32
        %get3A_111 = arith.index_cast %get3A_110 : i32 to index
        %get3A_112 = arith.constant 48 : index
        %get3A_113 = tpu.vector_load %arg7[%get3A_111, %get3A_112] {strides = array<i32>} : memref<160x128xf32, #tpu.memory_space<vmem>>, vector<1x16xf32>,
        %get3A_114 = vector.shape_cast %get3A_113 : vector<1x16xf32> to vector<16xf32>
        %swap3A_115 = arith.constant 0 : i32
        %swap3A_116 = arith.index_cast %swap3A_115 : i32 to index
        %swap3A_117 = arith.constant 48 : index
        %swap3A_118 = tpu.vector_load %arg9[%swap3A_116, %swap3A_117] {strides = array<i32>} : memref<10x128xf32, #tpu.memory_space<vmem>>, vector<1x16xf32>,
        %swap3A_119 = vector.shape_cast %swap3A_118 : vector<1x16xf32> to vector<16xf32>
        %swap3A_120 = vector.shape_cast %get3A_114 : vector<16xf32> to vector<1x16xf32>
        tpu.vector_store %arg9[%swap3A_116, %swap3A_117], %swap3A_120 {strides = array<i32>} : memref<10x128xf32, #tpu.memory_space<vmem>>, vector<1x16xf32>,
        %get3A_121 = arith.constant 0 : i32
        %get3A_122 = arith.index_cast %get3A_121 : i32 to index
        %get3A_123 = arith.constant 64 : index
        %get3A_124 = tpu.vector_load %arg7[%get3A_122, %get3A_123] {strides = array<i32>} : memref<160x128xf32, #tpu.memory_space<vmem>>, vector<1x16xf32>,
        %get3A_125 = vector.shape_cast %get3A_124 : vector<1x16xf32> to vector<16xf32>
        %swap3A_126 = arith.constant 0 : i32
        %swap3A_127 = arith.index_cast %swap3A_126 : i32 to index
        %swap3A_128 = arith.constant 64 : index
        %swap3A_129 = tpu.vector_load %arg9[%swap3A_127, %swap3A_128] {strides = array<i32>} : memref<10x128xf32, #tpu.memory_space<vmem>>, vector<1x16xf32>,
        %swap3A_130 = vector.shape_cast %swap3A_129 : vector<1x16xf32> to vector<16xf32>
        %swap3A_131 = vector.shape_cast %get3A_125 : vector<16xf32> to vector<1x16xf32>
        tpu.vector_store %arg9[%swap3A_127, %swap3A_128], %swap3A_131 {strides = array<i32>} : memref<10x128xf32, #tpu.memory_space<vmem>>, vector<1x16xf32>,
        %get3A_132 = arith.constant 0 : i32
        %get3A_133 = arith.index_cast %get3A_132 : i32 to index
        %get3A_134 = arith.constant 80 : index
        %get3A_135 = tpu.vector_load %arg7[%get3A_133, %get3A_134] {strides = array<i32>} : memref<160x128xf32, #tpu.memory_space<vmem>>, vector<1x16xf32>,
        %get3A_136 = vector.shape_cast %get3A_135 : vector<1x16xf32> to vector<16xf32>
        %swap3A_137 = arith.constant 0 : i32
        %swap3A_138 = arith.index_cast %swap3A_137 : i32 to index
        %swap3A_139 = arith.constant 80 : index
        %swap3A_140 = tpu.vector_load %arg9[%swap3A_138, %swap3A_139] {strides = array<i32>} : memref<10x128xf32, #tpu.memory_space<vmem>>, vector<1x16xf32>,
        %swap3A_141 = vector.shape_cast %swap3A_140 : vector<1x16xf32> to vector<16xf32>
        %swap3A_142 = vector.shape_cast %get3A_136 : vector<16xf32> to vector<1x16xf32>
        tpu.vector_store %arg9[%swap3A_138, %swap3A_139], %swap3A_142 {strides = array<i32>} : memref<10x128xf32, #tpu.memory_space<vmem>>, vector<1x16xf32>,
        %get3A_143 = arith.constant 0 : i32
        %get3A_144 = arith.index_cast %get3A_143 : i32 to index
        %get3A_145 = arith.constant 96 : index
        %get3A_146 = tpu.vector_load %arg7[%get3A_144, %get3A_145] {strides = array<i32>} : memref<160x128xf32, #tpu.memory_space<vmem>>, vector<1x16xf32>,
        %get3A_147 = vector.shape_cast %get3A_146 : vector<1x16xf32> to vector<16xf32>
        %swap3A_148 = arith.constant 0 : i32
        %swap3A_149 = arith.index_cast %swap3A_148 : i32 to index
        %swap3A_150 = arith.constant 96 : index
        %swap3A_151 = tpu.vector_load %arg9[%swap3A_149, %swap3A_150] {strides = array<i32>} : memref<10x128xf32, #tpu.memory_space<vmem>>, vector<1x16xf32>,
        %swap3A_152 = vector.shape_cast %swap3A_151 : vector<1x16xf32> to vector<16xf32>
        %swap3A_153 = vector.shape_cast %get3A_147 : vector<16xf32> to vector<1x16xf32>
        tpu.vector_store %arg9[%swap3A_149, %swap3A_150], %swap3A_153 {strides = array<i32>} : memref<10x128xf32, #tpu.memory_space<vmem>>, vector<1x16xf32>,
        %get3A_154 = arith.constant 0 : i32
        %get3A_155 = arith.index_cast %get3A_154 : i32 to index
        %get3A_156 = arith.constant 112 : index
        %get3A_157 = tpu.vector_load %arg7[%get3A_155, %get3A_156] {strides = array<i32>} : memref<160x128xf32, #tpu.memory_space<vmem>>, vector<1x16xf32>,
        %get3A_158 = vector.shape_cast %get3A_157 : vector<1x16xf32> to vector<16xf32>
        %swap3A_159 = arith.constant 0 : i32
        %swap3A_160 = arith.index_cast %swap3A_159 : i32 to index
        %swap3A_161 = arith.constant 112 : index
        %swap3A_162 = tpu.vector_load %arg9[%swap3A_160, %swap3A_161] {strides = array<i32>} : memref<10x128xf32, #tpu.memory_space<vmem>>, vector<1x16xf32>,
        %swap3A_163 = vector.shape_cast %swap3A_162 : vector<1x16xf32> to vector<16xf32>
        %swap3A_164 = vector.shape_cast %get3A_158 : vector<16xf32> to vector<1x16xf32>
        tpu.vector_store %arg9[%swap3A_160, %swap3A_161], %swap3A_164 {strides = array<i32>} : memref<10x128xf32, #tpu.memory_space<vmem>>, vector<1x16xf32>,
        %get3A_165 = arith.constant 16 : i32
        %get3A_166 = arith.index_cast %get3A_165 : i32 to index
        %get3A_167 = arith.constant 0 : index
        %get3A_168 = tpu.vector_load %arg7[%get3A_166, %get3A_167] {strides = array<i32>} : memref<160x128xf32, #tpu.memory_space<vmem>>, vector<1x16xf32>,
        %get3A_169 = vector.shape_cast %get3A_168 : vector<1x16xf32> to vector<16xf32>
        %swap3A_170 = arith.constant 1 : i32
        %swap3A_171 = arith.index_cast %swap3A_170 : i32 to index
        %swap3A_172 = arith.constant 0 : index
        %swap3A_173 = tpu.vector_load %arg9[%swap3A_171, %swap3A_172] {strides = array<i32>} : memref<10x128xf32, #tpu.memory_space<vmem>>, vector<1x16xf32>,
        %swap3A_174 = vector.shape_cast %swap3A_173 : vector<1x16xf32> to vector<16xf32>
        %swap3A_175 = vector.shape_cast %get3A_169 : vector<16xf32> to vector<1x16xf32>
        tpu.vector_store %arg9[%swap3A_171, %swap3A_172], %swap3A_175 {strides = array<i32>} : memref<10x128xf32, #tpu.memory_space<vmem>>, vector<1x16xf32>,
        %get3A_176 = arith.constant 16 : i32
        %get3A_177 = arith.index_cast %get3A_176 : i32 to index
        %get3A_178 = arith.constant 16 : index
        %get3A_179 = tpu.vector_load %arg7[%get3A_177, %get3A_178] {strides = array<i32>} : memref<160x128xf32, #tpu.memory_space<vmem>>, vector<1x16xf32>,
        %get3A_180 = vector.shape_cast %get3A_179 : vector<1x16xf32> to vector<16xf32>
        %swap3A_181 = arith.constant 1 : i32
        %swap3A_182 = arith.index_cast %swap3A_181 : i32 to index
        %swap3A_183 = arith.constant 16 : index
        %swap3A_184 = tpu.vector_load %arg9[%swap3A_182, %swap3A_183] {strides = array<i32>} : memref<10x128xf32, #tpu.memory_space<vmem>>, vector<1x16xf32>,
        %swap3A_185 = vector.shape_cast %swap3A_184 : vector<1x16xf32> to vector<16xf32>
        %swap3A_186 = vector.shape_cast %get3A_180 : vector<16xf32> to vector<1x16xf32>
        tpu.vector_store %arg9[%swap3A_182, %swap3A_183], %swap3A_186 {strides = array<i32>} : memref<10x128xf32, #tpu.memory_space<vmem>>, vector<1x16xf32>,
        %get3A_187 = arith.constant 16 : i32
        %get3A_188 = arith.index_cast %get3A_187 : i32 to index
        %get3A_189 = arith.constant 32 : index
        %get3A_190 = tpu.vector_load %arg7[%get3A_188, %get3A_189] {strides = array<i32>} : memref<160x128xf32, #tpu.memory_space<vmem>>, vector<1x16xf32>,
        %get3A_191 = vector.shape_cast %get3A_190 : vector<1x16xf32> to vector<16xf32>
        %swap3A_192 = arith.constant 1 : i32
        %swap3A_193 = arith.index_cast %swap3A_192 : i32 to index
        %swap3A_194 = arith.constant 32 : index
        %swap3A_195 = tpu.vector_load %arg9[%swap3A_193, %swap3A_194] {strides = array<i32>} : memref<10x128xf32, #tpu.memory_space<vmem>>, vector<1x16xf32>,
        %swap3A_196 = vector.shape_cast %swap3A_195 : vector<1x16xf32> to vector<16xf32>
        %swap3A_197 = vector.shape_cast %get3A_191 : vector<16xf32> to vector<1x16xf32>
        tpu.vector_store %arg9[%swap3A_193, %swap3A_194], %swap3A_197 {strides = array<i32>} : memref<10x128xf32, #tpu.memory_space<vmem>>, vector<1x16xf32>,
        %get3A_198 = arith.constant 16 : i32
        %get3A_199 = arith.index_cast %get3A_198 : i32 to index
        %get3A_200 = arith.constant 48 : index
        %get3A_201 = tpu.vector_load %arg7[%get3A_199, %get3A_200] {strides = array<i32>} : memref<160x128xf32, #tpu.memory_space<vmem>>, vector<1x16xf32>,
        %get3A_202 = vector.shape_cast %get3A_201 : vector<1x16xf32> to vector<16xf32>
        %swap3A_203 = arith.constant 1 : i32
        %swap3A_204 = arith.index_cast %swap3A_203 : i32 to index
        %swap3A_205 = arith.constant 48 : index
        %swap3A_206 = tpu.vector_load %arg9[%swap3A_204, %swap3A_205] {strides = array<i32>} : memref<10x128xf32, #tpu.memory_space<vmem>>, vector<1x16xf32>,
        %swap3A_207 = vector.shape_cast %swap3A_206 : vector<1x16xf32> to vector<16xf32>
        %swap3A_208 = vector.shape_cast %get3A_202 : vector<16xf32> to vector<1x16xf32>
        tpu.vector_store %arg9[%swap3A_204, %swap3A_205], %swap3A_208 {strides = array<i32>} : memref<10x128xf32, #tpu.memory_space<vmem>>, vector<1x16xf32>,
        %get3A_209 = arith.constant 16 : i32
        %get3A_210 = arith.index_cast %get3A_209 : i32 to index
        %get3A_211 = arith.constant 64 : index
        %get3A_212 = tpu.vector_load %arg7[%get3A_210, %get3A_211] {strides = array<i32>} : memref<160x128xf32, #tpu.memory_space<vmem>>, vector<1x16xf32>,
        %get3A_213 = vector.shape_cast %get3A_212 : vector<1x16xf32> to vector<16xf32>
        %swap3A_214 = arith.constant 1 : i32
        %swap3A_215 = arith.index_cast %swap3A_214 : i32 to index
        %swap3A_216 = arith.constant 64 : index
        %swap3A_217 = tpu.vector_load %arg9[%swap3A_215, %swap3A_216] {strides = array<i32>} : memref<10x128xf32, #tpu.memory_space<vmem>>, vector<1x16xf32>,
        %swap3A_218 = vector.shape_cast %swap3A_217 : vector<1x16xf32> to vector<16xf32>
        %swap3A_219 = vector.shape_cast %get3A_213 : vector<16xf32> to vector<1x16xf32>
        tpu.vector_store %arg9[%swap3A_215, %swap3A_216], %swap3A_219 {strides = array<i32>} : memref<10x128xf32, #tpu.memory_space<vmem>>, vector<1x16xf32>,
        %get3A_220 = arith.constant 16 : i32
        %get3A_221 = arith.index_cast %get3A_220 : i32 to index
        %get3A_222 = arith.constant 80 : index
        %get3A_223 = tpu.vector_load %arg7[%get3A_221, %get3A_222] {strides = array<i32>} : memref<160x128xf32, #tpu.memory_space<vmem>>, vector<1x16xf32>,
        %get3A_224 = vector.shape_cast %get3A_223 : vector<1x16xf32> to vector<16xf32>
        %swap3A_225 = arith.constant 1 : i32
        %swap3A_226 = arith.index_cast %swap3A_225 : i32 to index
        %swap3A_227 = arith.constant 80 : index
        %swap3A_228 = tpu.vector_load %arg9[%swap3A_226, %swap3A_227] {strides = array<i32>} : memref<10x128xf32, #tpu.memory_space<vmem>>, vector<1x16xf32>,
        %swap3A_229 = vector.shape_cast %swap3A_228 : vector<1x16xf32> to vector<16xf32>
        %swap3A_230 = vector.shape_cast %get3A_224 : vector<16xf32> to vector<1x16xf32>
        tpu.vector_store %arg9[%swap3A_226, %swap3A_227], %swap3A_230 {strides = array<i32>} : memref<10x128xf32, #tpu.memory_space<vmem>>, vector<1x16xf32>,
        %get3A_231 = arith.constant 16 : i32
        %get3A_232 = arith.index_cast %get3A_231 : i32 to index
        %get3A_233 = arith.constant 96 : index
        %get3A_234 = tpu.vector_load %arg7[%get3A_232, %get3A_233] {strides = array<i32>} : memref<160x128xf32, #tpu.memory_space<vmem>>, vector<1x16xf32>,
        %get3A_235 = vector.shape_cast %get3A_234 : vector<1x16xf32> to vector<16xf32>
        %swap3A_236 = arith.constant 1 : i32
        %swap3A_237 = arith.index_cast %swap3A_236 : i32 to index
        %swap3A_238 = arith.constant 96 : index
        %swap3A_239 = tpu.vector_load %arg9[%swap3A_237, %swap3A_238] {strides = array<i32>} : memref<10x128xf32, #tpu.memory_space<vmem>>, vector<1x16xf32>,
        %swap3A_240 = vector.shape_cast %swap3A_239 : vector<1x16xf32> to vector<16xf32>
        %swap3A_241 = vector.shape_cast %get3A_235 : vector<16xf32> to vector<1x16xf32>
        tpu.vector_store %arg9[%swap3A_237, %swap3A_238], %swap3A_241 {strides = array<i32>} : memref<10x128xf32, #tpu.memory_space<vmem>>, vector<1x16xf32>,
        %get3A_242 = arith.constant 16 : i32
        %get3A_243 = arith.index_cast %get3A_242 : i32 to index
        %get3A_244 = arith.constant 112 : index
        %get3A_245 = tpu.vector_load %arg7[%get3A_243, %get3A_244] {strides = array<i32>} : memref<160x128xf32, #tpu.memory_space<vmem>>, vector<1x16xf32>,
        %get3A_246 = vector.shape_cast %get3A_245 : vector<1x16xf32> to vector<16xf32>
        %swap3A_247 = arith.constant 1 : i32
        %swap3A_248 = arith.index_cast %swap3A_247 : i32 to index
        %swap3A_249 = arith.constant 112 : index
        %swap3A_250 = tpu.vector_load %arg9[%swap3A_248, %swap3A_249] {strides = array<i32>} : memref<10x128xf32, #tpu.memory_space<vmem>>, vector<1x16xf32>,
        %swap3A_251 = vector.shape_cast %swap3A_250 : vector<1x16xf32> to vector<16xf32>
        %swap3A_252 = vector.shape_cast %get3A_246 : vector<16xf32> to vector<1x16xf32>
        tpu.vector_store %arg9[%swap3A_248, %swap3A_249], %swap3A_252 {strides = array<i32>} : memref<10x128xf32, #tpu.memory_space<vmem>>, vector<1x16xf32>,
        %get3A_253 = arith.constant 32 : i32
        %get3A_254 = arith.index_cast %get3A_253 : i32 to index
        %get3A_255 = arith.constant 0 : index
        %get3A_256 = tpu.vector_load %arg7[%get3A_254, %get3A_255] {strides = array<i32>} : memref<160x128xf32, #tpu.memory_space<vmem>>, vector<1x16xf32>,
        %get3A_257 = vector.shape_cast %get3A_256 : vector<1x16xf32> to vector<16xf32>
        %swap3A_258 = arith.constant 2 : i32
        %swap3A_259 = arith.index_cast %swap3A_258 : i32 to index
        %swap3A_260 = arith.constant 0 : index
        %swap3A_261 = tpu.vector_load %arg9[%swap3A_259, %swap3A_260] {strides = array<i32>} : memref<10x128xf32, #tpu.memory_space<vmem>>, vector<1x16xf32>,
        %swap3A_262 = vector.shape_cast %swap3A_261 : vector<1x16xf32> to vector<16xf32>
        %swap3A_263 = vector.shape_cast %get3A_257 : vector<16xf32> to vector<1x16xf32>
        tpu.vector_store %arg9[%swap3A_259, %swap3A_260], %swap3A_263 {strides = array<i32>} : memref<10x128xf32, #tpu.memory_space<vmem>>, vector<1x16xf32>,
        %get3A_264 = arith.constant 32 : i32
        %get3A_265 = arith.index_cast %get3A_264 : i32 to index
        %get3A_266 = arith.constant 16 : index
        %get3A_267 = tpu.vector_load %arg7[%get3A_265, %get3A_266] {strides = array<i32>} : memref<160x128xf32, #tpu.memory_space<vmem>>, vector<1x16xf32>,
        %get3A_268 = vector.shape_cast %get3A_267 : vector<1x16xf32> to vector<16xf32>
        %swap3A_269 = arith.constant 2 : i32
        %swap3A_270 = arith.index_cast %swap3A_269 : i32 to index
        %swap3A_271 = arith.constant 16 : index
        %swap3A_272 = tpu.vector_load %arg9[%swap3A_270, %swap3A_271] {strides = array<i32>} : memref<10x128xf32, #tpu.memory_space<vmem>>, vector<1x16xf32>,
        %swap3A_273 = vector.shape_cast %swap3A_272 : vector<1x16xf32> to vector<16xf32>
        %swap3A_274 = vector.shape_cast %get3A_268 : vector<16xf32> to vector<1x16xf32>
        tpu.vector_store %arg9[%swap3A_270, %swap3A_271], %swap3A_274 {strides = array<i32>} : memref<10x128xf32, #tpu.memory_space<vmem>>, vector<1x16xf32>,
        %get3A_275 = arith.constant 32 : i32
        %get3A_276 = arith.index_cast %get3A_275 : i32 to index
        %get3A_277 = arith.constant 32 : index
        %get3A_278 = tpu.vector_load %arg7[%get3A_276, %get3A_277] {strides = array<i32>} : memref<160x128xf32, #tpu.memory_space<vmem>>, vector<1x16xf32>,
        %get3A_279 = vector.shape_cast %get3A_278 : vector<1x16xf32> to vector<16xf32>
        %swap3A_280 = arith.constant 2 : i32
        %swap3A_281 = arith.index_cast %swap3A_280 : i32 to index
        %swap3A_282 = arith.constant 32 : index
        %swap3A_283 = tpu.vector_load %arg9[%swap3A_281, %swap3A_282] {strides = array<i32>} : memref<10x128xf32, #tpu.memory_space<vmem>>, vector<1x16xf32>,
        %swap3A_284 = vector.shape_cast %swap3A_283 : vector<1x16xf32> to vector<16xf32>
        %swap3A_285 = vector.shape_cast %get3A_279 : vector<16xf32> to vector<1x16xf32>
        tpu.vector_store %arg9[%swap3A_281, %swap3A_282], %swap3A_285 {strides = array<i32>} : memref<10x128xf32, #tpu.memory_space<vmem>>, vector<1x16xf32>,
        %get3A_286 = arith.constant 32 : i32
        %get3A_287 = arith.index_cast %get3A_286 : i32 to index
        %get3A_288 = arith.constant 48 : index
        %get3A_289 = tpu.vector_load %arg7[%get3A_287, %get3A_288] {strides = array<i32>} : memref<160x128xf32, #tpu.memory_space<vmem>>, vector<1x16xf32>,
        %get3A_290 = vector.shape_cast %get3A_289 : vector<1x16xf32> to vector<16xf32>
        %swap3A_291 = arith.constant 2 : i32
        %swap3A_292 = arith.index_cast %swap3A_291 : i32 to index
        %swap3A_293 = arith.constant 48 : index
        %swap3A_294 = tpu.vector_load %arg9[%swap3A_292, %swap3A_293] {strides = array<i32>} : memref<10x128xf32, #tpu.memory_space<vmem>>, vector<1x16xf32>,
        %swap3A_295 = vector.shape_cast %swap3A_294 : vector<1x16xf32> to vector<16xf32>
        %swap3A_296 = vector.shape_cast %get3A_290 : vector<16xf32> to vector<1x16xf32>
        tpu.vector_store %arg9[%swap3A_292, %swap3A_293], %swap3A_296 {strides = array<i32>} : memref<10x128xf32, #tpu.memory_space<vmem>>, vector<1x16xf32>,
        %get3A_297 = arith.constant 32 : i32
        %get3A_298 = arith.index_cast %get3A_297 : i32 to index
        %get3A_299 = arith.constant 64 : index
        %get3A_300 = tpu.vector_load %arg7[%get3A_298, %get3A_299] {strides = array<i32>} : memref<160x128xf32, #tpu.memory_space<vmem>>, vector<1x16xf32>,
        %get3A_301 = vector.shape_cast %get3A_300 : vector<1x16xf32> to vector<16xf32>
        %swap3A_302 = arith.constant 2 : i32
        %swap3A_303 = arith.index_cast %swap3A_302 : i32 to index
        %swap3A_304 = arith.constant 64 : index
        %swap3A_305 = tpu.vector_load %arg9[%swap3A_303, %swap3A_304] {strides = array<i32>} : memref<10x128xf32, #tpu.memory_space<vmem>>, vector<1x16xf32>,
        %swap3A_306 = vector.shape_cast %swap3A_305 : vector<1x16xf32> to vector<16xf32>
        %swap3A_307 = vector.shape_cast %get3A_301 : vector<16xf32> to vector<1x16xf32>
        tpu.vector_store %arg9[%swap3A_303, %swap3A_304], %swap3A_307 {strides = array<i32>} : memref<10x128xf32, #tpu.memory_space<vmem>>, vector<1x16xf32>,
        %get3A_308 = arith.constant 32 : i32
        %get3A_309 = arith.index_cast %get3A_308 : i32 to index
        %get3A_310 = arith.constant 80 : index
        %get3A_311 = tpu.vector_load %arg7[%get3A_309, %get3A_310] {strides = array<i32>} : memref<160x128xf32, #tpu.memory_space<vmem>>, vector<1x16xf32>,
        %get3A_312 = vector.shape_cast %get3A_311 : vector<1x16xf32> to vector<16xf32>
        %swap3A_313 = arith.constant 2 : i32
        %swap3A_314 = arith.index_cast %swap3A_313 : i32 to index
        %swap3A_315 = arith.constant 80 : index
        %swap3A_316 = tpu.vector_load %arg9[%swap3A_314, %swap3A_315] {strides = array<i32>} : memref<10x128xf32, #tpu.memory_space<vmem>>, vector<1x16xf32>,
        %swap3A_317 = vector.shape_cast %swap3A_316 : vector<1x16xf32> to vector<16xf32>
        %swap3A_318 = vector.shape_cast %get3A_312 : vector<16xf32> to vector<1x16xf32>
        tpu.vector_store %arg9[%swap3A_314, %swap3A_315], %swap3A_318 {strides = array<i32>} : memref<10x128xf32, #tpu.memory_space<vmem>>, vector<1x16xf32>,
        %get3A_319 = arith.constant 32 : i32
        %get3A_320 = arith.index_cast %get3A_319 : i32 to index
        %get3A_321 = arith.constant 96 : index
        %get3A_322 = tpu.vector_load %arg7[%get3A_320, %get3A_321] {strides = array<i32>} : memref<160x128xf32, #tpu.memory_space<vmem>>, vector<1x16xf32>,
        %get3A_323 = vector.shape_cast %get3A_322 : vector<1x16xf32> to vector<16xf32>
        %swap3A_324 = arith.constant 2 : i32
        %swap3A_325 = arith.index_cast %swap3A_324 : i32 to index
        %swap3A_326 = arith.constant 96 : index
        %swap3A_327 = tpu.vector_load %arg9[%swap3A_325, %swap3A_326] {strides = array<i32>} : memref<10x128xf32, #tpu.memory_space<vmem>>, vector<1x16xf32>,
        %swap3A_328 = vector.shape_cast %swap3A_327 : vector<1x16xf32> to vector<16xf32>
        %swap3A_329 = vector.shape_cast %get3A_323 : vector<16xf32> to vector<1x16xf32>
        tpu.vector_store %arg9[%swap3A_325, %swap3A_326], %swap3A_329 {strides = array<i32>} : memref<10x128xf32, #tpu.memory_space<vmem>>, vector<1x16xf32>,
        %get3A_330 = arith.constant 32 : i32
        %get3A_331 = arith.index_cast %get3A_330 : i32 to index
        %get3A_332 = arith.constant 112 : index
        %get3A_333 = tpu.vector_load %arg7[%get3A_331, %get3A_332] {strides = array<i32>} : memref<160x128xf32, #tpu.memory_space<vmem>>, vector<1x16xf32>,
        %get3A_334 = vector.shape_cast %get3A_333 : vector<1x16xf32> to vector<16xf32>
        %swap3A_335 = arith.constant 2 : i32
        %swap3A_336 = arith.index_cast %swap3A_335 : i32 to index
        %swap3A_337 = arith.constant 112 : index
        %swap3A_338 = tpu.vector_load %arg9[%swap3A_336, %swap3A_337] {strides = array<i32>} : memref<10x128xf32, #tpu.memory_space<vmem>>, vector<1x16xf32>,
        %swap3A_339 = vector.shape_cast %swap3A_338 : vector<1x16xf32> to vector<16xf32>
        %swap3A_340 = vector.shape_cast %get3A_334 : vector<16xf32> to vector<1x16xf32>
        tpu.vector_store %arg9[%swap3A_336, %swap3A_337], %swap3A_340 {strides = array<i32>} : memref<10x128xf32, #tpu.memory_space<vmem>>, vector<1x16xf32>,
        %get3A_341 = arith.constant 48 : i32
        %get3A_342 = arith.index_cast %get3A_341 : i32 to index
        %get3A_343 = arith.constant 0 : index
        %get3A_344 = tpu.vector_load %arg7[%get3A_342, %get3A_343] {strides = array<i32>} : memref<160x128xf32, #tpu.memory_space<vmem>>, vector<1x16xf32>,
        %get3A_345 = vector.shape_cast %get3A_344 : vector<1x16xf32> to vector<16xf32>
        %swap3A_346 = arith.constant 3 : i32
        %swap3A_347 = arith.index_cast %swap3A_346 : i32 to index
        %swap3A_348 = arith.constant 0 : index
        %swap3A_349 = tpu.vector_load %arg9[%swap3A_347, %swap3A_348] {strides = array<i32>} : memref<10x128xf32, #tpu.memory_space<vmem>>, vector<1x16xf32>,
        %swap3A_350 = vector.shape_cast %swap3A_349 : vector<1x16xf32> to vector<16xf32>
        %swap3A_351 = vector.shape_cast %get3A_345 : vector<16xf32> to vector<1x16xf32>
        tpu.vector_store %arg9[%swap3A_347, %swap3A_348], %swap3A_351 {strides = array<i32>} : memref<10x128xf32, #tpu.memory_space<vmem>>, vector<1x16xf32>,
        %get3A_352 = arith.constant 48 : i32
        %get3A_353 = arith.index_cast %get3A_352 : i32 to index
        %get3A_354 = arith.constant 16 : index
        %get3A_355 = tpu.vector_load %arg7[%get3A_353, %get3A_354] {strides = array<i32>} : memref<160x128xf32, #tpu.memory_space<vmem>>, vector<1x16xf32>,
        %get3A_356 = vector.shape_cast %get3A_355 : vector<1x16xf32> to vector<16xf32>
        %swap3A_357 = arith.constant 3 : i32
        %swap3A_358 = arith.index_cast %swap3A_357 : i32 to index
        %swap3A_359 = arith.constant 16 : index
        %swap3A_360 = tpu.vector_load %arg9[%swap3A_358, %swap3A_359] {strides = array<i32>} : memref<10x128xf32, #tpu.memory_space<vmem>>, vector<1x16xf32>,
        %swap3A_361 = vector.shape_cast %swap3A_360 : vector<1x16xf32> to vector<16xf32>
        %swap3A_362 = vector.shape_cast %get3A_356 : vector<16xf32> to vector<1x16xf32>
        tpu.vector_store %arg9[%swap3A_358, %swap3A_359], %swap3A_362 {strides = array<i32>} : memref<10x128xf32, #tpu.memory_space<vmem>>, vector<1x16xf32>,
        %get3A_363 = arith.constant 48 : i32
        %get3A_364 = arith.index_cast %get3A_363 : i32 to index
        %get3A_365 = arith.constant 32 : index
        %get3A_366 = tpu.vector_load %arg7[%get3A_364, %get3A_365] {strides = array<i32>} : memref<160x128xf32, #tpu.memory_space<vmem>>, vector<1x16xf32>,
        %get3A_367 = vector.shape_cast %get3A_366 : vector<1x16xf32> to vector<16xf32>
        %swap3A_368 = arith.constant 3 : i32
        %swap3A_369 = arith.index_cast %swap3A_368 : i32 to index
        %swap3A_370 = arith.constant 32 : index
        %swap3A_371 = tpu.vector_load %arg9[%swap3A_369, %swap3A_370] {strides = array<i32>} : memref<10x128xf32, #tpu.memory_space<vmem>>, vector<1x16xf32>,
        %swap3A_372 = vector.shape_cast %swap3A_371 : vector<1x16xf32> to vector<16xf32>
        %swap3A_373 = vector.shape_cast %get3A_367 : vector<16xf32> to vector<1x16xf32>
        tpu.vector_store %arg9[%swap3A_369, %swap3A_370], %swap3A_373 {strides = array<i32>} : memref<10x128xf32, #tpu.memory_space<vmem>>, vector<1x16xf32>,
        %get3A_374 = arith.constant 48 : i32
        %get3A_375 = arith.index_cast %get3A_374 : i32 to index
        %get3A_376 = arith.constant 48 : index
        %get3A_377 = tpu.vector_load %arg7[%get3A_375, %get3A_376] {strides = array<i32>} : memref<160x128xf32, #tpu.memory_space<vmem>>, vector<1x16xf32>,
        %get3A_378 = vector.shape_cast %get3A_377 : vector<1x16xf32> to vector<16xf32>
        %swap3A_379 = arith.constant 3 : i32
        %swap3A_380 = arith.index_cast %swap3A_379 : i32 to index
        %swap3A_381 = arith.constant 48 : index
        %swap3A_382 = tpu.vector_load %arg9[%swap3A_380, %swap3A_381] {strides = array<i32>} : memref<10x128xf32, #tpu.memory_space<vmem>>, vector<1x16xf32>,
        %swap3A_383 = vector.shape_cast %swap3A_382 : vector<1x16xf32> to vector<16xf32>
        %swap3A_384 = vector.shape_cast %get3A_378 : vector<16xf32> to vector<1x16xf32>
        tpu.vector_store %arg9[%swap3A_380, %swap3A_381], %swap3A_384 {strides = array<i32>} : memref<10x128xf32, #tpu.memory_space<vmem>>, vector<1x16xf32>,
        %get3A_385 = arith.constant 48 : i32
        %get3A_386 = arith.index_cast %get3A_385 : i32 to index
        %get3A_387 = arith.constant 64 : index
        %get3A_388 = tpu.vector_load %arg7[%get3A_386, %get3A_387] {strides = array<i32>} : memref<160x128xf32, #tpu.memory_space<vmem>>, vector<1x16xf32>,
        %get3A_389 = vector.shape_cast %get3A_388 : vector<1x16xf32> to vector<16xf32>
        %swap3A_390 = arith.constant 3 : i32
        %swap3A_391 = arith.index_cast %swap3A_390 : i32 to index
        %swap3A_392 = arith.constant 64 : index
        %swap3A_393 = tpu.vector_load %arg9[%swap3A_391, %swap3A_392] {strides = array<i32>} : memref<10x128xf32, #tpu.memory_space<vmem>>, vector<1x16xf32>,
        %swap3A_394 = vector.shape_cast %swap3A_393 : vector<1x16xf32> to vector<16xf32>
        %swap3A_395 = vector.shape_cast %get3A_389 : vector<16xf32> to vector<1x16xf32>
        tpu.vector_store %arg9[%swap3A_391, %swap3A_392], %swap3A_395 {strides = array<i32>} : memref<10x128xf32, #tpu.memory_space<vmem>>, vector<1x16xf32>,
        %get3A_396 = arith.constant 48 : i32
        %get3A_397 = arith.index_cast %get3A_396 : i32 to index
        %get3A_398 = arith.constant 80 : index
        %get3A_399 = tpu.vector_load %arg7[%get3A_397, %get3A_398] {strides = array<i32>} : memref<160x128xf32, #tpu.memory_space<vmem>>, vector<1x16xf32>,
        %get3A_400 = vector.shape_cast %get3A_399 : vector<1x16xf32> to vector<16xf32>
        %swap3A_401 = arith.constant 3 : i32
        %swap3A_402 = arith.index_cast %swap3A_401 : i32 to index
        %swap3A_403 = arith.constant 80 : index
        %swap3A_404 = tpu.vector_load %arg9[%swap3A_402, %swap3A_403] {strides = array<i32>} : memref<10x128xf32, #tpu.memory_space<vmem>>, vector<1x16xf32>,
        %swap3A_405 = vector.shape_cast %swap3A_404 : vector<1x16xf32> to vector<16xf32>
        %swap3A_406 = vector.shape_cast %get3A_400 : vector<16xf32> to vector<1x16xf32>
        tpu.vector_store %arg9[%swap3A_402, %swap3A_403], %swap3A_406 {strides = array<i32>} : memref<10x128xf32, #tpu.memory_space<vmem>>, vector<1x16xf32>,
        %get3A_407 = arith.constant 48 : i32
        %get3A_408 = arith.index_cast %get3A_407 : i32 to index
        %get3A_409 = arith.constant 96 : index
        %get3A_410 = tpu.vector_load %arg7[%get3A_408, %get3A_409] {strides = array<i32>} : memref<160x128xf32, #tpu.memory_space<vmem>>, vector<1x16xf32>,
        %get3A_411 = vector.shape_cast %get3A_410 : vector<1x16xf32> to vector<16xf32>
        %swap3A_412 = arith.constant 3 : i32
        %swap3A_413 = arith.index_cast %swap3A_412 : i32 to index
        %swap3A_414 = arith.constant 96 : index
        %swap3A_415 = tpu.vector_load %arg9[%swap3A_413, %swap3A_414] {strides = array<i32>} : memref<10x128xf32, #tpu.memory_space<vmem>>, vector<1x16xf32>,
        %swap3A_416 = vector.shape_cast %swap3A_415 : vector<1x16xf32> to vector<16xf32>
        %swap3A_417 = vector.shape_cast %get3A_411 : vector<16xf32> to vector<1x16xf32>
        tpu.vector_store %arg9[%swap3A_413, %swap3A_414], %swap3A_417 {strides = array<i32>} : memref<10x128xf32, #tpu.memory_space<vmem>>, vector<1x16xf32>,
        %get3A_418 = arith.constant 48 : i32
        %get3A_419 = arith.index_cast %get3A_418 : i32 to index
        %get3A_420 = arith.constant 112 : index
        %get3A_421 = tpu.vector_load %arg7[%get3A_419, %get3A_420] {strides = array<i32>} : memref<160x128xf32, #tpu.memory_space<vmem>>, vector<1x16xf32>,
        %get3A_422 = vector.shape_cast %get3A_421 : vector<1x16xf32> to vector<16xf32>
        %swap3A_423 = arith.constant 3 : i32
        %swap3A_424 = arith.index_cast %swap3A_423 : i32 to index
        %swap3A_425 = arith.constant 112 : index
        %swap3A_426 = tpu.vector_load %arg9[%swap3A_424, %swap3A_425] {strides = array<i32>} : memref<10x128xf32, #tpu.memory_space<vmem>>, vector<1x16xf32>,
        %swap3A_427 = vector.shape_cast %swap3A_426 : vector<1x16xf32> to vector<16xf32>
        %swap3A_428 = vector.shape_cast %get3A_422 : vector<16xf32> to vector<1x16xf32>
        tpu.vector_store %arg9[%swap3A_424, %swap3A_425], %swap3A_428 {strides = array<i32>} : memref<10x128xf32, #tpu.memory_space<vmem>>, vector<1x16xf32>,
        %get3A_429 = arith.constant 64 : i32
        %get3A_430 = arith.index_cast %get3A_429 : i32 to index
        %get3A_431 = arith.constant 0 : index
        %get3A_432 = tpu.vector_load %arg7[%get3A_430, %get3A_431] {strides = array<i32>} : memref<160x128xf32, #tpu.memory_space<vmem>>, vector<1x16xf32>,
        %get3A_433 = vector.shape_cast %get3A_432 : vector<1x16xf32> to vector<16xf32>
        %swap3A_434 = arith.constant 4 : i32
        %swap3A_435 = arith.index_cast %swap3A_434 : i32 to index
        %swap3A_436 = arith.constant 0 : index
        %swap3A_437 = tpu.vector_load %arg9[%swap3A_435, %swap3A_436] {strides = array<i32>} : memref<10x128xf32, #tpu.memory_space<vmem>>, vector<1x16xf32>,
        %swap3A_438 = vector.shape_cast %swap3A_437 : vector<1x16xf32> to vector<16xf32>
        %swap3A_439 = vector.shape_cast %get3A_433 : vector<16xf32> to vector<1x16xf32>
        tpu.vector_store %arg9[%swap3A_435, %swap3A_436], %swap3A_439 {strides = array<i32>} : memref<10x128xf32, #tpu.memory_space<vmem>>, vector<1x16xf32>,
        %get3A_440 = arith.constant 64 : i32
        %get3A_441 = arith.index_cast %get3A_440 : i32 to index
        %get3A_442 = arith.constant 16 : index
        %get3A_443 = tpu.vector_load %arg7[%get3A_441, %get3A_442] {strides = array<i32>} : memref<160x128xf32, #tpu.memory_space<vmem>>, vector<1x16xf32>,
        %get3A_444 = vector.shape_cast %get3A_443 : vector<1x16xf32> to vector<16xf32>
        %swap3A_445 = arith.constant 4 : i32
        %swap3A_446 = arith.index_cast %swap3A_445 : i32 to index
        %swap3A_447 = arith.constant 16 : index
        %swap3A_448 = tpu.vector_load %arg9[%swap3A_446, %swap3A_447] {strides = array<i32>} : memref<10x128xf32, #tpu.memory_space<vmem>>, vector<1x16xf32>,
        %swap3A_449 = vector.shape_cast %swap3A_448 : vector<1x16xf32> to vector<16xf32>
        %swap3A_450 = vector.shape_cast %get3A_444 : vector<16xf32> to vector<1x16xf32>
        tpu.vector_store %arg9[%swap3A_446, %swap3A_447], %swap3A_450 {strides = array<i32>} : memref<10x128xf32, #tpu.memory_space<vmem>>, vector<1x16xf32>,
        %get3A_451 = arith.constant 64 : i32
        %get3A_452 = arith.index_cast %get3A_451 : i32 to index
        %get3A_453 = arith.constant 32 : index
        %get3A_454 = tpu.vector_load %arg7[%get3A_452, %get3A_453] {strides = array<i32>} : memref<160x128xf32, #tpu.memory_space<vmem>>, vector<1x16xf32>,
        %get3A_455 = vector.shape_cast %get3A_454 : vector<1x16xf32> to vector<16xf32>
        %swap3A_456 = arith.constant 4 : i32
        %swap3A_457 = arith.index_cast %swap3A_456 : i32 to index
        %swap3A_458 = arith.constant 32 : index
        %swap3A_459 = tpu.vector_load %arg9[%swap3A_457, %swap3A_458] {strides = array<i32>} : memref<10x128xf32, #tpu.memory_space<vmem>>, vector<1x16xf32>,
        %swap3A_460 = vector.shape_cast %swap3A_459 : vector<1x16xf32> to vector<16xf32>
        %swap3A_461 = vector.shape_cast %get3A_455 : vector<16xf32> to vector<1x16xf32>
        tpu.vector_store %arg9[%swap3A_457, %swap3A_458], %swap3A_461 {strides = array<i32>} : memref<10x128xf32, #tpu.memory_space<vmem>>, vector<1x16xf32>,
        %get3A_462 = arith.constant 64 : i32
        %get3A_463 = arith.index_cast %get3A_462 : i32 to index
        %get3A_464 = arith.constant 48 : index
        %get3A_465 = tpu.vector_load %arg7[%get3A_463, %get3A_464] {strides = array<i32>} : memref<160x128xf32, #tpu.memory_space<vmem>>, vector<1x16xf32>,
        %get3A_466 = vector.shape_cast %get3A_465 : vector<1x16xf32> to vector<16xf32>
        %swap3A_467 = arith.constant 4 : i32
        %swap3A_468 = arith.index_cast %swap3A_467 : i32 to index
        %swap3A_469 = arith.constant 48 : index
        %swap3A_470 = tpu.vector_load %arg9[%swap3A_468, %swap3A_469] {strides = array<i32>} : memref<10x128xf32, #tpu.memory_space<vmem>>, vector<1x16xf32>,
        %swap3A_471 = vector.shape_cast %swap3A_470 : vector<1x16xf32> to vector<16xf32>
        %swap3A_472 = vector.shape_cast %get3A_466 : vector<16xf32> to vector<1x16xf32>
        tpu.vector_store %arg9[%swap3A_468, %swap3A_469], %swap3A_472 {strides = array<i32>} : memref<10x128xf32, #tpu.memory_space<vmem>>, vector<1x16xf32>,
        %get3A_473 = arith.constant 64 : i32
        %get3A_474 = arith.index_cast %get3A_473 : i32 to index
        %get3A_475 = arith.constant 64 : index
        %get3A_476 = tpu.vector_load %arg7[%get3A_474, %get3A_475] {strides = array<i32>} : memref<160x128xf32, #tpu.memory_space<vmem>>, vector<1x16xf32>,
        %get3A_477 = vector.shape_cast %get3A_476 : vector<1x16xf32> to vector<16xf32>
        %swap3A_478 = arith.constant 4 : i32
        %swap3A_479 = arith.index_cast %swap3A_478 : i32 to index
        %swap3A_480 = arith.constant 64 : index
        %swap3A_481 = tpu.vector_load %arg9[%swap3A_479, %swap3A_480] {strides = array<i32>} : memref<10x128xf32, #tpu.memory_space<vmem>>, vector<1x16xf32>,
        %swap3A_482 = vector.shape_cast %swap3A_481 : vector<1x16xf32> to vector<16xf32>
        %swap3A_483 = vector.shape_cast %get3A_477 : vector<16xf32> to vector<1x16xf32>
        tpu.vector_store %arg9[%swap3A_479, %swap3A_480], %swap3A_483 {strides = array<i32>} : memref<10x128xf32, #tpu.memory_space<vmem>>, vector<1x16xf32>,
        %get3A_484 = arith.constant 64 : i32
        %get3A_485 = arith.index_cast %get3A_484 : i32 to index
        %get3A_486 = arith.constant 80 : index
        %get3A_487 = tpu.vector_load %arg7[%get3A_485, %get3A_486] {strides = array<i32>} : memref<160x128xf32, #tpu.memory_space<vmem>>, vector<1x16xf32>,
        %get3A_488 = vector.shape_cast %get3A_487 : vector<1x16xf32> to vector<16xf32>
        %swap3A_489 = arith.constant 4 : i32
        %swap3A_490 = arith.index_cast %swap3A_489 : i32 to index
        %swap3A_491 = arith.constant 80 : index
        %swap3A_492 = tpu.vector_load %arg9[%swap3A_490, %swap3A_491] {strides = array<i32>} : memref<10x128xf32, #tpu.memory_space<vmem>>, vector<1x16xf32>,
        %swap3A_493 = vector.shape_cast %swap3A_492 : vector<1x16xf32> to vector<16xf32>
        %swap3A_494 = vector.shape_cast %get3A_488 : vector<16xf32> to vector<1x16xf32>
        tpu.vector_store %arg9[%swap3A_490, %swap3A_491], %swap3A_494 {strides = array<i32>} : memref<10x128xf32, #tpu.memory_space<vmem>>, vector<1x16xf32>,
        %get3A_495 = arith.constant 64 : i32
        %get3A_496 = arith.index_cast %get3A_495 : i32 to index
        %get3A_497 = arith.constant 96 : index
        %get3A_498 = tpu.vector_load %arg7[%get3A_496, %get3A_497] {strides = array<i32>} : memref<160x128xf32, #tpu.memory_space<vmem>>, vector<1x16xf32>,
        %get3A_499 = vector.shape_cast %get3A_498 : vector<1x16xf32> to vector<16xf32>
        %swap3A_500 = arith.constant 4 : i32
        %swap3A_501 = arith.index_cast %swap3A_500 : i32 to index
        %swap3A_502 = arith.constant 96 : index
        %swap3A_503 = tpu.vector_load %arg9[%swap3A_501, %swap3A_502] {strides = array<i32>} : memref<10x128xf32, #tpu.memory_space<vmem>>, vector<1x16xf32>,
        %swap3A_504 = vector.shape_cast %swap3A_503 : vector<1x16xf32> to vector<16xf32>
        %swap3A_505 = vector.shape_cast %get3A_499 : vector<16xf32> to vector<1x16xf32>
        tpu.vector_store %arg9[%swap3A_501, %swap3A_502], %swap3A_505 {strides = array<i32>} : memref<10x128xf32, #tpu.memory_space<vmem>>, vector<1x16xf32>,
        %get3A_506 = arith.constant 64 : i32
        %get3A_507 = arith.index_cast %get3A_506 : i32 to index
        %get3A_508 = arith.constant 112 : index
        %get3A_509 = tpu.vector_load %arg7[%get3A_507, %get3A_508] {strides = array<i32>} : memref<160x128xf32, #tpu.memory_space<vmem>>, vector<1x16xf32>,
        %get3A_510 = vector.shape_cast %get3A_509 : vector<1x16xf32> to vector<16xf32>
        %swap3A_511 = arith.constant 4 : i32
        %swap3A_512 = arith.index_cast %swap3A_511 : i32 to index
        %swap3A_513 = arith.constant 112 : index
        %swap3A_514 = tpu.vector_load %arg9[%swap3A_512, %swap3A_513] {strides = array<i32>} : memref<10x128xf32, #tpu.memory_space<vmem>>, vector<1x16xf32>,
        %swap3A_515 = vector.shape_cast %swap3A_514 : vector<1x16xf32> to vector<16xf32>
        %swap3A_516 = vector.shape_cast %get3A_510 : vector<16xf32> to vector<1x16xf32>
        tpu.vector_store %arg9[%swap3A_512, %swap3A_513], %swap3A_516 {strides = array<i32>} : memref<10x128xf32, #tpu.memory_space<vmem>>, vector<1x16xf32>,
        %get3A_517 = arith.constant 80 : i32
        %get3A_518 = arith.index_cast %get3A_517 : i32 to index
        %get3A_519 = arith.constant 0 : index
        %get3A_520 = tpu.vector_load %arg7[%get3A_518, %get3A_519] {strides = array<i32>} : memref<160x128xf32, #tpu.memory_space<vmem>>, vector<1x16xf32>,
        %get3A_521 = vector.shape_cast %get3A_520 : vector<1x16xf32> to vector<16xf32>
        %swap3A_522 = arith.constant 5 : i32
        %swap3A_523 = arith.index_cast %swap3A_522 : i32 to index
        %swap3A_524 = arith.constant 0 : index
        %swap3A_525 = tpu.vector_load %arg9[%swap3A_523, %swap3A_524] {strides = array<i32>} : memref<10x128xf32, #tpu.memory_space<vmem>>, vector<1x16xf32>,
        %swap3A_526 = vector.shape_cast %swap3A_525 : vector<1x16xf32> to vector<16xf32>
        %swap3A_527 = vector.shape_cast %get3A_521 : vector<16xf32> to vector<1x16xf32>
        tpu.vector_store %arg9[%swap3A_523, %swap3A_524], %swap3A_527 {strides = array<i32>} : memref<10x128xf32, #tpu.memory_space<vmem>>, vector<1x16xf32>,
        %get3A_528 = arith.constant 80 : i32
        %get3A_529 = arith.index_cast %get3A_528 : i32 to index
        %get3A_530 = arith.constant 16 : index
        %get3A_531 = tpu.vector_load %arg7[%get3A_529, %get3A_530] {strides = array<i32>} : memref<160x128xf32, #tpu.memory_space<vmem>>, vector<1x16xf32>,
        %get3A_532 = vector.shape_cast %get3A_531 : vector<1x16xf32> to vector<16xf32>
        %swap3A_533 = arith.constant 5 : i32
        %swap3A_534 = arith.index_cast %swap3A_533 : i32 to index
        %swap3A_535 = arith.constant 16 : index
        %swap3A_536 = tpu.vector_load %arg9[%swap3A_534, %swap3A_535] {strides = array<i32>} : memref<10x128xf32, #tpu.memory_space<vmem>>, vector<1x16xf32>,
        %swap3A_537 = vector.shape_cast %swap3A_536 : vector<1x16xf32> to vector<16xf32>
        %swap3A_538 = vector.shape_cast %get3A_532 : vector<16xf32> to vector<1x16xf32>
        tpu.vector_store %arg9[%swap3A_534, %swap3A_535], %swap3A_538 {strides = array<i32>} : memref<10x128xf32, #tpu.memory_space<vmem>>, vector<1x16xf32>,
        %get3A_539 = arith.constant 80 : i32
        %get3A_540 = arith.index_cast %get3A_539 : i32 to index
        %get3A_541 = arith.constant 32 : index
        %get3A_542 = tpu.vector_load %arg7[%get3A_540, %get3A_541] {strides = array<i32>} : memref<160x128xf32, #tpu.memory_space<vmem>>, vector<1x16xf32>,
        %get3A_543 = vector.shape_cast %get3A_542 : vector<1x16xf32> to vector<16xf32>
        %swap3A_544 = arith.constant 5 : i32
        %swap3A_545 = arith.index_cast %swap3A_544 : i32 to index
        %swap3A_546 = arith.constant 32 : index
        %swap3A_547 = tpu.vector_load %arg9[%swap3A_545, %swap3A_546] {strides = array<i32>} : memref<10x128xf32, #tpu.memory_space<vmem>>, vector<1x16xf32>,
        %swap3A_548 = vector.shape_cast %swap3A_547 : vector<1x16xf32> to vector<16xf32>
        %swap3A_549 = vector.shape_cast %get3A_543 : vector<16xf32> to vector<1x16xf32>
        tpu.vector_store %arg9[%swap3A_545, %swap3A_546], %swap3A_549 {strides = array<i32>} : memref<10x128xf32, #tpu.memory_space<vmem>>, vector<1x16xf32>,
        %get3A_550 = arith.constant 80 : i32
        %get3A_551 = arith.index_cast %get3A_550 : i32 to index
        %get3A_552 = arith.constant 48 : index
        %get3A_553 = tpu.vector_load %arg7[%get3A_551, %get3A_552] {strides = array<i32>} : memref<160x128xf32, #tpu.memory_space<vmem>>, vector<1x16xf32>,
        %get3A_554 = vector.shape_cast %get3A_553 : vector<1x16xf32> to vector<16xf32>
        %swap3A_555 = arith.constant 5 : i32
        %swap3A_556 = arith.index_cast %swap3A_555 : i32 to index
        %swap3A_557 = arith.constant 48 : index
        %swap3A_558 = tpu.vector_load %arg9[%swap3A_556, %swap3A_557] {strides = array<i32>} : memref<10x128xf32, #tpu.memory_space<vmem>>, vector<1x16xf32>,
        %swap3A_559 = vector.shape_cast %swap3A_558 : vector<1x16xf32> to vector<16xf32>
        %swap3A_560 = vector.shape_cast %get3A_554 : vector<16xf32> to vector<1x16xf32>
        tpu.vector_store %arg9[%swap3A_556, %swap3A_557], %swap3A_560 {strides = array<i32>} : memref<10x128xf32, #tpu.memory_space<vmem>>, vector<1x16xf32>,
        %get3A_561 = arith.constant 80 : i32
        %get3A_562 = arith.index_cast %get3A_561 : i32 to index
        %get3A_563 = arith.constant 64 : index
        %get3A_564 = tpu.vector_load %arg7[%get3A_562, %get3A_563] {strides = array<i32>} : memref<160x128xf32, #tpu.memory_space<vmem>>, vector<1x16xf32>,
        %get3A_565 = vector.shape_cast %get3A_564 : vector<1x16xf32> to vector<16xf32>
        %swap3A_566 = arith.constant 5 : i32
        %swap3A_567 = arith.index_cast %swap3A_566 : i32 to index
        %swap3A_568 = arith.constant 64 : index
        %swap3A_569 = tpu.vector_load %arg9[%swap3A_567, %swap3A_568] {strides = array<i32>} : memref<10x128xf32, #tpu.memory_space<vmem>>, vector<1x16xf32>,
        %swap3A_570 = vector.shape_cast %swap3A_569 : vector<1x16xf32> to vector<16xf32>
        %swap3A_571 = vector.shape_cast %get3A_565 : vector<16xf32> to vector<1x16xf32>
        tpu.vector_store %arg9[%swap3A_567, %swap3A_568], %swap3A_571 {strides = array<i32>} : memref<10x128xf32, #tpu.memory_space<vmem>>, vector<1x16xf32>,
        %get3A_572 = arith.constant 80 : i32
        %get3A_573 = arith.index_cast %get3A_572 : i32 to index
        %get3A_574 = arith.constant 80 : index
        %get3A_575 = tpu.vector_load %arg7[%get3A_573, %get3A_574] {strides = array<i32>} : memref<160x128xf32, #tpu.memory_space<vmem>>, vector<1x16xf32>,
        %get3A_576 = vector.shape_cast %get3A_575 : vector<1x16xf32> to vector<16xf32>
        %swap3A_577 = arith.constant 5 : i32
        %swap3A_578 = arith.index_cast %swap3A_577 : i32 to index
        %swap3A_579 = arith.constant 80 : index
        %swap3A_580 = tpu.vector_load %arg9[%swap3A_578, %swap3A_579] {strides = array<i32>} : memref<10x128xf32, #tpu.memory_space<vmem>>, vector<1x16xf32>,
        %swap3A_581 = vector.shape_cast %swap3A_580 : vector<1x16xf32> to vector<16xf32>
        %swap3A_582 = vector.shape_cast %get3A_576 : vector<16xf32> to vector<1x16xf32>
        tpu.vector_store %arg9[%swap3A_578, %swap3A_579], %swap3A_582 {strides = array<i32>} : memref<10x128xf32, #tpu.memory_space<vmem>>, vector<1x16xf32>,
        %get3A_583 = arith.constant 80 : i32
        %get3A_584 = arith.index_cast %get3A_583 : i32 to index
        %get3A_585 = arith.constant 96 : index
        %get3A_586 = tpu.vector_load %arg7[%get3A_584, %get3A_585] {strides = array<i32>} : memref<160x128xf32, #tpu.memory_space<vmem>>, vector<1x16xf32>,
        %get3A_587 = vector.shape_cast %get3A_586 : vector<1x16xf32> to vector<16xf32>
        %swap3A_588 = arith.constant 5 : i32
        %swap3A_589 = arith.index_cast %swap3A_588 : i32 to index
        %swap3A_590 = arith.constant 96 : index
        %swap3A_591 = tpu.vector_load %arg9[%swap3A_589, %swap3A_590] {strides = array<i32>} : memref<10x128xf32, #tpu.memory_space<vmem>>, vector<1x16xf32>,
        %swap3A_592 = vector.shape_cast %swap3A_591 : vector<1x16xf32> to vector<16xf32>
        %swap3A_593 = vector.shape_cast %get3A_587 : vector<16xf32> to vector<1x16xf32>
        tpu.vector_store %arg9[%swap3A_589, %swap3A_590], %swap3A_593 {strides = array<i32>} : memref<10x128xf32, #tpu.memory_space<vmem>>, vector<1x16xf32>,
        %get3A_594 = arith.constant 80 : i32
        %get3A_595 = arith.index_cast %get3A_594 : i32 to index
        %get3A_596 = arith.constant 112 : index
        %get3A_597 = tpu.vector_load %arg7[%get3A_595, %get3A_596] {strides = array<i32>} : memref<160x128xf32, #tpu.memory_space<vmem>>, vector<1x16xf32>,
        %get3A_598 = vector.shape_cast %get3A_597 : vector<1x16xf32> to vector<16xf32>
        %swap3A_599 = arith.constant 5 : i32
        %swap3A_600 = arith.index_cast %swap3A_599 : i32 to index
        %swap3A_601 = arith.constant 112 : index
        %swap3A_602 = tpu.vector_load %arg9[%swap3A_600, %swap3A_601] {strides = array<i32>} : memref<10x128xf32, #tpu.memory_space<vmem>>, vector<1x16xf32>,
        %swap3A_603 = vector.shape_cast %swap3A_602 : vector<1x16xf32> to vector<16xf32>
        %swap3A_604 = vector.shape_cast %get3A_598 : vector<16xf32> to vector<1x16xf32>
        tpu.vector_store %arg9[%swap3A_600, %swap3A_601], %swap3A_604 {strides = array<i32>} : memref<10x128xf32, #tpu.memory_space<vmem>>, vector<1x16xf32>,
        %get3A_605 = arith.constant 96 : i32
        %get3A_606 = arith.index_cast %get3A_605 : i32 to index
        %get3A_607 = arith.constant 0 : index
        %get3A_608 = tpu.vector_load %arg7[%get3A_606, %get3A_607] {strides = array<i32>} : memref<160x128xf32, #tpu.memory_space<vmem>>, vector<1x16xf32>,
        %get3A_609 = vector.shape_cast %get3A_608 : vector<1x16xf32> to vector<16xf32>
        %swap3A_610 = arith.constant 6 : i32
        %swap3A_611 = arith.index_cast %swap3A_610 : i32 to index
        %swap3A_612 = arith.constant 0 : index
        %swap3A_613 = tpu.vector_load %arg9[%swap3A_611, %swap3A_612] {strides = array<i32>} : memref<10x128xf32, #tpu.memory_space<vmem>>, vector<1x16xf32>,
        %swap3A_614 = vector.shape_cast %swap3A_613 : vector<1x16xf32> to vector<16xf32>
        %swap3A_615 = vector.shape_cast %get3A_609 : vector<16xf32> to vector<1x16xf32>
        tpu.vector_store %arg9[%swap3A_611, %swap3A_612], %swap3A_615 {strides = array<i32>} : memref<10x128xf32, #tpu.memory_space<vmem>>, vector<1x16xf32>,
        %get3A_616 = arith.constant 96 : i32
        %get3A_617 = arith.index_cast %get3A_616 : i32 to index
        %get3A_618 = arith.constant 16 : index
        %get3A_619 = tpu.vector_load %arg7[%get3A_617, %get3A_618] {strides = array<i32>} : memref<160x128xf32, #tpu.memory_space<vmem>>, vector<1x16xf32>,
        %get3A_620 = vector.shape_cast %get3A_619 : vector<1x16xf32> to vector<16xf32>
        %swap3A_621 = arith.constant 6 : i32
        %swap3A_622 = arith.index_cast %swap3A_621 : i32 to index
        %swap3A_623 = arith.constant 16 : index
        %swap3A_624 = tpu.vector_load %arg9[%swap3A_622, %swap3A_623] {strides = array<i32>} : memref<10x128xf32, #tpu.memory_space<vmem>>, vector<1x16xf32>,
        %swap3A_625 = vector.shape_cast %swap3A_624 : vector<1x16xf32> to vector<16xf32>
        %swap3A_626 = vector.shape_cast %get3A_620 : vector<16xf32> to vector<1x16xf32>
        tpu.vector_store %arg9[%swap3A_622, %swap3A_623], %swap3A_626 {strides = array<i32>} : memref<10x128xf32, #tpu.memory_space<vmem>>, vector<1x16xf32>,
        %get3A_627 = arith.constant 96 : i32
        %get3A_628 = arith.index_cast %get3A_627 : i32 to index
        %get3A_629 = arith.constant 32 : index
        %get3A_630 = tpu.vector_load %arg7[%get3A_628, %get3A_629] {strides = array<i32>} : memref<160x128xf32, #tpu.memory_space<vmem>>, vector<1x16xf32>,
        %get3A_631 = vector.shape_cast %get3A_630 : vector<1x16xf32> to vector<16xf32>
        %swap3A_632 = arith.constant 6 : i32
        %swap3A_633 = arith.index_cast %swap3A_632 : i32 to index
        %swap3A_634 = arith.constant 32 : index
        %swap3A_635 = tpu.vector_load %arg9[%swap3A_633, %swap3A_634] {strides = array<i32>} : memref<10x128xf32, #tpu.memory_space<vmem>>, vector<1x16xf32>,
        %swap3A_636 = vector.shape_cast %swap3A_635 : vector<1x16xf32> to vector<16xf32>
        %swap3A_637 = vector.shape_cast %get3A_631 : vector<16xf32> to vector<1x16xf32>
        tpu.vector_store %arg9[%swap3A_633, %swap3A_634], %swap3A_637 {strides = array<i32>} : memref<10x128xf32, #tpu.memory_space<vmem>>, vector<1x16xf32>,
        %get3A_638 = arith.constant 96 : i32
        %get3A_639 = arith.index_cast %get3A_638 : i32 to index
        %get3A_640 = arith.constant 48 : index
        %get3A_641 = tpu.vector_load %arg7[%get3A_639, %get3A_640] {strides = array<i32>} : memref<160x128xf32, #tpu.memory_space<vmem>>, vector<1x16xf32>,
        %get3A_642 = vector.shape_cast %get3A_641 : vector<1x16xf32> to vector<16xf32>
        %swap3A_643 = arith.constant 6 : i32
        %swap3A_644 = arith.index_cast %swap3A_643 : i32 to index
        %swap3A_645 = arith.constant 48 : index
        %swap3A_646 = tpu.vector_load %arg9[%swap3A_644, %swap3A_645] {strides = array<i32>} : memref<10x128xf32, #tpu.memory_space<vmem>>, vector<1x16xf32>,
        %swap3A_647 = vector.shape_cast %swap3A_646 : vector<1x16xf32> to vector<16xf32>
        %swap3A_648 = vector.shape_cast %get3A_642 : vector<16xf32> to vector<1x16xf32>
        tpu.vector_store %arg9[%swap3A_644, %swap3A_645], %swap3A_648 {strides = array<i32>} : memref<10x128xf32, #tpu.memory_space<vmem>>, vector<1x16xf32>,
        %get3A_649 = arith.constant 96 : i32
        %get3A_650 = arith.index_cast %get3A_649 : i32 to index
        %get3A_651 = arith.constant 64 : index
        %get3A_652 = tpu.vector_load %arg7[%get3A_650, %get3A_651] {strides = array<i32>} : memref<160x128xf32, #tpu.memory_space<vmem>>, vector<1x16xf32>,
        %get3A_653 = vector.shape_cast %get3A_652 : vector<1x16xf32> to vector<16xf32>
        %swap3A_654 = arith.constant 6 : i32
        %swap3A_655 = arith.index_cast %swap3A_654 : i32 to index
        %swap3A_656 = arith.constant 64 : index
        %swap3A_657 = tpu.vector_load %arg9[%swap3A_655, %swap3A_656] {strides = array<i32>} : memref<10x128xf32, #tpu.memory_space<vmem>>, vector<1x16xf32>,
        %swap3A_658 = vector.shape_cast %swap3A_657 : vector<1x16xf32> to vector<16xf32>
        %swap3A_659 = vector.shape_cast %get3A_653 : vector<16xf32> to vector<1x16xf32>
        tpu.vector_store %arg9[%swap3A_655, %swap3A_656], %swap3A_659 {strides = array<i32>} : memref<10x128xf32, #tpu.memory_space<vmem>>, vector<1x16xf32>,
        %get3A_660 = arith.constant 96 : i32
        %get3A_661 = arith.index_cast %get3A_660 : i32 to index
        %get3A_662 = arith.constant 80 : index
        %get3A_663 = tpu.vector_load %arg7[%get3A_661, %get3A_662] {strides = array<i32>} : memref<160x128xf32, #tpu.memory_space<vmem>>, vector<1x16xf32>,
        %get3A_664 = vector.shape_cast %get3A_663 : vector<1x16xf32> to vector<16xf32>
        %swap3A_665 = arith.constant 6 : i32
        %swap3A_666 = arith.index_cast %swap3A_665 : i32 to index
        %swap3A_667 = arith.constant 80 : index
        %swap3A_668 = tpu.vector_load %arg9[%swap3A_666, %swap3A_667] {strides = array<i32>} : memref<10x128xf32, #tpu.memory_space<vmem>>, vector<1x16xf32>,
        %swap3A_669 = vector.shape_cast %swap3A_668 : vector<1x16xf32> to vector<16xf32>
        %swap3A_670 = vector.shape_cast %get3A_664 : vector<16xf32> to vector<1x16xf32>
        tpu.vector_store %arg9[%swap3A_666, %swap3A_667], %swap3A_670 {strides = array<i32>} : memref<10x128xf32, #tpu.memory_space<vmem>>, vector<1x16xf32>,
        %get3A_671 = arith.constant 96 : i32
        %get3A_672 = arith.index_cast %get3A_671 : i32 to index
        %get3A_673 = arith.constant 96 : index
        %get3A_674 = tpu.vector_load %arg7[%get3A_672, %get3A_673] {strides = array<i32>} : memref<160x128xf32, #tpu.memory_space<vmem>>, vector<1x16xf32>,
        %get3A_675 = vector.shape_cast %get3A_674 : vector<1x16xf32> to vector<16xf32>
        %swap3A_676 = arith.constant 6 : i32
        %swap3A_677 = arith.index_cast %swap3A_676 : i32 to index
        %swap3A_678 = arith.constant 96 : index
        %swap3A_679 = tpu.vector_load %arg9[%swap3A_677, %swap3A_678] {strides = array<i32>} : memref<10x128xf32, #tpu.memory_space<vmem>>, vector<1x16xf32>,
        %swap3A_680 = vector.shape_cast %swap3A_679 : vector<1x16xf32> to vector<16xf32>
        %swap3A_681 = vector.shape_cast %get3A_675 : vector<16xf32> to vector<1x16xf32>
        tpu.vector_store %arg9[%swap3A_677, %swap3A_678], %swap3A_681 {strides = array<i32>} : memref<10x128xf32, #tpu.memory_space<vmem>>, vector<1x16xf32>,
        %get3A_682 = arith.constant 96 : i32
        %get3A_683 = arith.index_cast %get3A_682 : i32 to index
        %get3A_684 = arith.constant 112 : index
        %get3A_685 = tpu.vector_load %arg7[%get3A_683, %get3A_684] {strides = array<i32>} : memref<160x128xf32, #tpu.memory_space<vmem>>, vector<1x16xf32>,
        %get3A_686 = vector.shape_cast %get3A_685 : vector<1x16xf32> to vector<16xf32>
        %swap3A_687 = arith.constant 6 : i32
        %swap3A_688 = arith.index_cast %swap3A_687 : i32 to index
        %swap3A_689 = arith.constant 112 : index
        %swap3A_690 = tpu.vector_load %arg9[%swap3A_688, %swap3A_689] {strides = array<i32>} : memref<10x128xf32, #tpu.memory_space<vmem>>, vector<1x16xf32>,
        %swap3A_691 = vector.shape_cast %swap3A_690 : vector<1x16xf32> to vector<16xf32>
        %swap3A_692 = vector.shape_cast %get3A_686 : vector<16xf32> to vector<1x16xf32>
        tpu.vector_store %arg9[%swap3A_688, %swap3A_689], %swap3A_692 {strides = array<i32>} : memref<10x128xf32, #tpu.memory_space<vmem>>, vector<1x16xf32>,
        %get3A_693 = arith.constant 112 : i32
        %get3A_694 = arith.index_cast %get3A_693 : i32 to index
        %get3A_695 = arith.constant 0 : index
        %get3A_696 = tpu.vector_load %arg7[%get3A_694, %get3A_695] {strides = array<i32>} : memref<160x128xf32, #tpu.memory_space<vmem>>, vector<1x16xf32>,
        %get3A_697 = vector.shape_cast %get3A_696 : vector<1x16xf32> to vector<16xf32>
        %swap3A_698 = arith.constant 7 : i32
        %swap3A_699 = arith.index_cast %swap3A_698 : i32 to index
        %swap3A_700 = arith.constant 0 : index
        %swap3A_701 = tpu.vector_load %arg9[%swap3A_699, %swap3A_700] {strides = array<i32>} : memref<10x128xf32, #tpu.memory_space<vmem>>, vector<1x16xf32>,
        %swap3A_702 = vector.shape_cast %swap3A_701 : vector<1x16xf32> to vector<16xf32>
        %swap3A_703 = vector.shape_cast %get3A_697 : vector<16xf32> to vector<1x16xf32>
        tpu.vector_store %arg9[%swap3A_699, %swap3A_700], %swap3A_703 {strides = array<i32>} : memref<10x128xf32, #tpu.memory_space<vmem>>, vector<1x16xf32>,
        %get3A_704 = arith.constant 112 : i32
        %get3A_705 = arith.index_cast %get3A_704 : i32 to index
        %get3A_706 = arith.constant 16 : index
        %get3A_707 = tpu.vector_load %arg7[%get3A_705, %get3A_706] {strides = array<i32>} : memref<160x128xf32, #tpu.memory_space<vmem>>, vector<1x16xf32>,
        %get3A_708 = vector.shape_cast %get3A_707 : vector<1x16xf32> to vector<16xf32>
        %swap3A_709 = arith.constant 7 : i32
        %swap3A_710 = arith.index_cast %swap3A_709 : i32 to index
        %swap3A_711 = arith.constant 16 : index
        %swap3A_712 = tpu.vector_load %arg9[%swap3A_710, %swap3A_711] {strides = array<i32>} : memref<10x128xf32, #tpu.memory_space<vmem>>, vector<1x16xf32>,
        %swap3A_713 = vector.shape_cast %swap3A_712 : vector<1x16xf32> to vector<16xf32>
        %swap3A_714 = vector.shape_cast %get3A_708 : vector<16xf32> to vector<1x16xf32>
        tpu.vector_store %arg9[%swap3A_710, %swap3A_711], %swap3A_714 {strides = array<i32>} : memref<10x128xf32, #tpu.memory_space<vmem>>, vector<1x16xf32>,
        %get3A_715 = arith.constant 112 : i32
        %get3A_716 = arith.index_cast %get3A_715 : i32 to index
        %get3A_717 = arith.constant 32 : index
        %get3A_718 = tpu.vector_load %arg7[%get3A_716, %get3A_717] {strides = array<i32>} : memref<160x128xf32, #tpu.memory_space<vmem>>, vector<1x16xf32>,
        %get3A_719 = vector.shape_cast %get3A_718 : vector<1x16xf32> to vector<16xf32>
        %swap3A_720 = arith.constant 7 : i32
        %swap3A_721 = arith.index_cast %swap3A_720 : i32 to index
        %swap3A_722 = arith.constant 32 : index
        %swap3A_723 = tpu.vector_load %arg9[%swap3A_721, %swap3A_722] {strides = array<i32>} : memref<10x128xf32, #tpu.memory_space<vmem>>, vector<1x16xf32>,
        %swap3A_724 = vector.shape_cast %swap3A_723 : vector<1x16xf32> to vector<16xf32>
        %swap3A_725 = vector.shape_cast %get3A_719 : vector<16xf32> to vector<1x16xf32>
        tpu.vector_store %arg9[%swap3A_721, %swap3A_722], %swap3A_725 {strides = array<i32>} : memref<10x128xf32, #tpu.memory_space<vmem>>, vector<1x16xf32>,
        %get3A_726 = arith.constant 112 : i32
        %get3A_727 = arith.index_cast %get3A_726 : i32 to index
        %get3A_728 = arith.constant 48 : index
        %get3A_729 = tpu.vector_load %arg7[%get3A_727, %get3A_728] {strides = array<i32>} : memref<160x128xf32, #tpu.memory_space<vmem>>, vector<1x16xf32>,
        %get3A_730 = vector.shape_cast %get3A_729 : vector<1x16xf32> to vector<16xf32>
        %swap3A_731 = arith.constant 7 : i32
        %swap3A_732 = arith.index_cast %swap3A_731 : i32 to index
        %swap3A_733 = arith.constant 48 : index
        %swap3A_734 = tpu.vector_load %arg9[%swap3A_732, %swap3A_733] {strides = array<i32>} : memref<10x128xf32, #tpu.memory_space<vmem>>, vector<1x16xf32>,
        %swap3A_735 = vector.shape_cast %swap3A_734 : vector<1x16xf32> to vector<16xf32>
        %swap3A_736 = vector.shape_cast %get3A_730 : vector<16xf32> to vector<1x16xf32>
        tpu.vector_store %arg9[%swap3A_732, %swap3A_733], %swap3A_736 {strides = array<i32>} : memref<10x128xf32, #tpu.memory_space<vmem>>, vector<1x16xf32>,
        %get3A_737 = arith.constant 112 : i32
        %get3A_738 = arith.index_cast %get3A_737 : i32 to index
        %get3A_739 = arith.constant 64 : index
        %get3A_740 = tpu.vector_load %arg7[%get3A_738, %get3A_739] {strides = array<i32>} : memref<160x128xf32, #tpu.memory_space<vmem>>, vector<1x16xf32>,
        %get3A_741 = vector.shape_cast %get3A_740 : vector<1x16xf32> to vector<16xf32>
        %swap3A_742 = arith.constant 7 : i32
        %swap3A_743 = arith.index_cast %swap3A_742 : i32 to index
        %swap3A_744 = arith.constant 64 : index
        %swap3A_745 = tpu.vector_load %arg9[%swap3A_743, %swap3A_744] {strides = array<i32>} : memref<10x128xf32, #tpu.memory_space<vmem>>, vector<1x16xf32>,
        %swap3A_746 = vector.shape_cast %swap3A_745 : vector<1x16xf32> to vector<16xf32>
        %swap3A_747 = vector.shape_cast %get3A_741 : vector<16xf32> to vector<1x16xf32>
        tpu.vector_store %arg9[%swap3A_743, %swap3A_744], %swap3A_747 {strides = array<i32>} : memref<10x128xf32, #tpu.memory_space<vmem>>, vector<1x16xf32>,
        %get3A_748 = arith.constant 112 : i32
        %get3A_749 = arith.index_cast %get3A_748 : i32 to index
        %get3A_750 = arith.constant 80 : index
        %get3A_751 = tpu.vector_load %arg7[%get3A_749, %get3A_750] {strides = array<i32>} : memref<160x128xf32, #tpu.memory_space<vmem>>, vector<1x16xf32>,
        %get3A_752 = vector.shape_cast %get3A_751 : vector<1x16xf32> to vector<16xf32>
        %swap3A_753 = arith.constant 7 : i32
        %swap3A_754 = arith.index_cast %swap3A_753 : i32 to index
        %swap3A_755 = arith.constant 80 : index
        %swap3A_756 = tpu.vector_load %arg9[%swap3A_754, %swap3A_755] {strides = array<i32>} : memref<10x128xf32, #tpu.memory_space<vmem>>, vector<1x16xf32>,
        %swap3A_757 = vector.shape_cast %swap3A_756 : vector<1x16xf32> to vector<16xf32>
        %swap3A_758 = vector.shape_cast %get3A_752 : vector<16xf32> to vector<1x16xf32>
        tpu.vector_store %arg9[%swap3A_754, %swap3A_755], %swap3A_758 {strides = array<i32>} : memref<10x128xf32, #tpu.memory_space<vmem>>, vector<1x16xf32>,
        %get3A_759 = arith.constant 112 : i32
        %get3A_760 = arith.index_cast %get3A_759 : i32 to index
        %get3A_761 = arith.constant 96 : index
        %get3A_762 = tpu.vector_load %arg7[%get3A_760, %get3A_761] {strides = array<i32>} : memref<160x128xf32, #tpu.memory_space<vmem>>, vector<1x16xf32>,
        %get3A_763 = vector.shape_cast %get3A_762 : vector<1x16xf32> to vector<16xf32>
        %swap3A_764 = arith.constant 7 : i32
        %swap3A_765 = arith.index_cast %swap3A_764 : i32 to index
        %swap3A_766 = arith.constant 96 : index
        %swap3A_767 = tpu.vector_load %arg9[%swap3A_765, %swap3A_766] {strides = array<i32>} : memref<10x128xf32, #tpu.memory_space<vmem>>, vector<1x16xf32>,
        %swap3A_768 = vector.shape_cast %swap3A_767 : vector<1x16xf32> to vector<16xf32>
        %swap3A_769 = vector.shape_cast %get3A_763 : vector<16xf32> to vector<1x16xf32>
        tpu.vector_store %arg9[%swap3A_765, %swap3A_766], %swap3A_769 {strides = array<i32>} : memref<10x128xf32, #tpu.memory_space<vmem>>, vector<1x16xf32>,
        %get3A_770 = arith.constant 112 : i32
        %get3A_771 = arith.index_cast %get3A_770 : i32 to index
        %get3A_772 = arith.constant 112 : index
        %get3A_773 = tpu.vector_load %arg7[%get3A_771, %get3A_772] {strides = array<i32>} : memref<160x128xf32, #tpu.memory_space<vmem>>, vector<1x16xf32>,
        %get3A_774 = vector.shape_cast %get3A_773 : vector<1x16xf32> to vector<16xf32>
        %swap3A_775 = arith.constant 7 : i32
        %swap3A_776 = arith.index_cast %swap3A_775 : i32 to index
        %swap3A_777 = arith.constant 112 : index
        %swap3A_778 = tpu.vector_load %arg9[%swap3A_776, %swap3A_777] {strides = array<i32>} : memref<10x128xf32, #tpu.memory_space<vmem>>, vector<1x16xf32>,
        %swap3A_779 = vector.shape_cast %swap3A_778 : vector<1x16xf32> to vector<16xf32>
        %swap3A_780 = vector.shape_cast %get3A_774 : vector<16xf32> to vector<1x16xf32>
        tpu.vector_store %arg9[%swap3A_776, %swap3A_777], %swap3A_780 {strides = array<i32>} : memref<10x128xf32, #tpu.memory_space<vmem>>, vector<1x16xf32>,
        %get3A_781 = arith.constant 128 : i32
        %get3A_782 = arith.index_cast %get3A_781 : i32 to index
        %get3A_783 = arith.constant 0 : index
        %get3A_784 = tpu.vector_load %arg7[%get3A_782, %get3A_783] {strides = array<i32>} : memref<160x128xf32, #tpu.memory_space<vmem>>, vector<1x16xf32>,
        %get3A_785 = vector.shape_cast %get3A_784 : vector<1x16xf32> to vector<16xf32>
        %swap3A_786 = arith.constant 8 : i32
        %swap3A_787 = arith.index_cast %swap3A_786 : i32 to index
        %swap3A_788 = arith.constant 0 : index
        %swap3A_789 = tpu.vector_load %arg9[%swap3A_787, %swap3A_788] {strides = array<i32>} : memref<10x128xf32, #tpu.memory_space<vmem>>, vector<1x16xf32>,
        %swap3A_790 = vector.shape_cast %swap3A_789 : vector<1x16xf32> to vector<16xf32>
        %swap3A_791 = vector.shape_cast %get3A_785 : vector<16xf32> to vector<1x16xf32>
        tpu.vector_store %arg9[%swap3A_787, %swap3A_788], %swap3A_791 {strides = array<i32>} : memref<10x128xf32, #tpu.memory_space<vmem>>, vector<1x16xf32>,
        %get3A_792 = arith.constant 128 : i32
        %get3A_793 = arith.index_cast %get3A_792 : i32 to index
        %get3A_794 = arith.constant 16 : index
        %get3A_795 = tpu.vector_load %arg7[%get3A_793, %get3A_794] {strides = array<i32>} : memref<160x128xf32, #tpu.memory_space<vmem>>, vector<1x16xf32>,
        %get3A_796 = vector.shape_cast %get3A_795 : vector<1x16xf32> to vector<16xf32>
        %swap3A_797 = arith.constant 8 : i32
        %swap3A_798 = arith.index_cast %swap3A_797 : i32 to index
        %swap3A_799 = arith.constant 16 : index
        %swap3A_800 = tpu.vector_load %arg9[%swap3A_798, %swap3A_799] {strides = array<i32>} : memref<10x128xf32, #tpu.memory_space<vmem>>, vector<1x16xf32>,
        %swap3A_801 = vector.shape_cast %swap3A_800 : vector<1x16xf32> to vector<16xf32>
        %swap3A_802 = vector.shape_cast %get3A_796 : vector<16xf32> to vector<1x16xf32>
        tpu.vector_store %arg9[%swap3A_798, %swap3A_799], %swap3A_802 {strides = array<i32>} : memref<10x128xf32, #tpu.memory_space<vmem>>, vector<1x16xf32>,
        %get3A_803 = arith.constant 128 : i32
        %get3A_804 = arith.index_cast %get3A_803 : i32 to index
        %get3A_805 = arith.constant 32 : index
        %get3A_806 = tpu.vector_load %arg7[%get3A_804, %get3A_805] {strides = array<i32>} : memref<160x128xf32, #tpu.memory_space<vmem>>, vector<1x16xf32>,
        %get3A_807 = vector.shape_cast %get3A_806 : vector<1x16xf32> to vector<16xf32>
        %swap3A_808 = arith.constant 8 : i32
        %swap3A_809 = arith.index_cast %swap3A_808 : i32 to index
        %swap3A_810 = arith.constant 32 : index
        %swap3A_811 = tpu.vector_load %arg9[%swap3A_809, %swap3A_810] {strides = array<i32>} : memref<10x128xf32, #tpu.memory_space<vmem>>, vector<1x16xf32>,
        %swap3A_812 = vector.shape_cast %swap3A_811 : vector<1x16xf32> to vector<16xf32>
        %swap3A_813 = vector.shape_cast %get3A_807 : vector<16xf32> to vector<1x16xf32>
        tpu.vector_store %arg9[%swap3A_809, %swap3A_810], %swap3A_813 {strides = array<i32>} : memref<10x128xf32, #tpu.memory_space<vmem>>, vector<1x16xf32>,
        %get3A_814 = arith.constant 128 : i32
        %get3A_815 = arith.index_cast %get3A_814 : i32 to index
        %get3A_816 = arith.constant 48 : index
        %get3A_817 = tpu.vector_load %arg7[%get3A_815, %get3A_816] {strides = array<i32>} : memref<160x128xf32, #tpu.memory_space<vmem>>, vector<1x16xf32>,
        %get3A_818 = vector.shape_cast %get3A_817 : vector<1x16xf32> to vector<16xf32>
        %swap3A_819 = arith.constant 8 : i32
        %swap3A_820 = arith.index_cast %swap3A_819 : i32 to index
        %swap3A_821 = arith.constant 48 : index
        %swap3A_822 = tpu.vector_load %arg9[%swap3A_820, %swap3A_821] {strides = array<i32>} : memref<10x128xf32, #tpu.memory_space<vmem>>, vector<1x16xf32>,
        %swap3A_823 = vector.shape_cast %swap3A_822 : vector<1x16xf32> to vector<16xf32>
        %swap3A_824 = vector.shape_cast %get3A_818 : vector<16xf32> to vector<1x16xf32>
        tpu.vector_store %arg9[%swap3A_820, %swap3A_821], %swap3A_824 {strides = array<i32>} : memref<10x128xf32, #tpu.memory_space<vmem>>, vector<1x16xf32>,
        %get3A_825 = arith.constant 128 : i32
        %get3A_826 = arith.index_cast %get3A_825 : i32 to index
        %get3A_827 = arith.constant 64 : index
        %get3A_828 = tpu.vector_load %arg7[%get3A_826, %get3A_827] {strides = array<i32>} : memref<160x128xf32, #tpu.memory_space<vmem>>, vector<1x16xf32>,
        %get3A_829 = vector.shape_cast %get3A_828 : vector<1x16xf32> to vector<16xf32>
        %swap3A_830 = arith.constant 8 : i32
        %swap3A_831 = arith.index_cast %swap3A_830 : i32 to index
        %swap3A_832 = arith.constant 64 : index
        %swap3A_833 = tpu.vector_load %arg9[%swap3A_831, %swap3A_832] {strides = array<i32>} : memref<10x128xf32, #tpu.memory_space<vmem>>, vector<1x16xf32>,
        %swap3A_834 = vector.shape_cast %swap3A_833 : vector<1x16xf32> to vector<16xf32>
        %swap3A_835 = vector.shape_cast %get3A_829 : vector<16xf32> to vector<1x16xf32>
        tpu.vector_store %arg9[%swap3A_831, %swap3A_832], %swap3A_835 {strides = array<i32>} : memref<10x128xf32, #tpu.memory_space<vmem>>, vector<1x16xf32>,
        %get3A_836 = arith.constant 128 : i32
        %get3A_837 = arith.index_cast %get3A_836 : i32 to index
        %get3A_838 = arith.constant 80 : index
        %get3A_839 = tpu.vector_load %arg7[%get3A_837, %get3A_838] {strides = array<i32>} : memref<160x128xf32, #tpu.memory_space<vmem>>, vector<1x16xf32>,
        %get3A_840 = vector.shape_cast %get3A_839 : vector<1x16xf32> to vector<16xf32>
        %swap3A_841 = arith.constant 8 : i32
        %swap3A_842 = arith.index_cast %swap3A_841 : i32 to index
        %swap3A_843 = arith.constant 80 : index
        %swap3A_844 = tpu.vector_load %arg9[%swap3A_842, %swap3A_843] {strides = array<i32>} : memref<10x128xf32, #tpu.memory_space<vmem>>, vector<1x16xf32>,
        %swap3A_845 = vector.shape_cast %swap3A_844 : vector<1x16xf32> to vector<16xf32>
        %swap3A_846 = vector.shape_cast %get3A_840 : vector<16xf32> to vector<1x16xf32>
        tpu.vector_store %arg9[%swap3A_842, %swap3A_843], %swap3A_846 {strides = array<i32>} : memref<10x128xf32, #tpu.memory_space<vmem>>, vector<1x16xf32>,
        %get3A_847 = arith.constant 128 : i32
        %get3A_848 = arith.index_cast %get3A_847 : i32 to index
        %get3A_849 = arith.constant 96 : index
        %get3A_850 = tpu.vector_load %arg7[%get3A_848, %get3A_849] {strides = array<i32>} : memref<160x128xf32, #tpu.memory_space<vmem>>, vector<1x16xf32>,
        %get3A_851 = vector.shape_cast %get3A_850 : vector<1x16xf32> to vector<16xf32>
        %swap3A_852 = arith.constant 8 : i32
        %swap3A_853 = arith.index_cast %swap3A_852 : i32 to index
        %swap3A_854 = arith.constant 96 : index
        %swap3A_855 = tpu.vector_load %arg9[%swap3A_853, %swap3A_854] {strides = array<i32>} : memref<10x128xf32, #tpu.memory_space<vmem>>, vector<1x16xf32>,
        %swap3A_856 = vector.shape_cast %swap3A_855 : vector<1x16xf32> to vector<16xf32>
        %swap3A_857 = vector.shape_cast %get3A_851 : vector<16xf32> to vector<1x16xf32>
        tpu.vector_store %arg9[%swap3A_853, %swap3A_854], %swap3A_857 {strides = array<i32>} : memref<10x128xf32, #tpu.memory_space<vmem>>, vector<1x16xf32>,
        %get3A_858 = arith.constant 128 : i32
        %get3A_859 = arith.index_cast %get3A_858 : i32 to index
        %get3A_860 = arith.constant 112 : index
        %get3A_861 = tpu.vector_load %arg7[%get3A_859, %get3A_860] {strides = array<i32>} : memref<160x128xf32, #tpu.memory_space<vmem>>, vector<1x16xf32>,
        %get3A_862 = vector.shape_cast %get3A_861 : vector<1x16xf32> to vector<16xf32>
        %swap3A_863 = arith.constant 8 : i32
        %swap3A_864 = arith.index_cast %swap3A_863 : i32 to index
        %swap3A_865 = arith.constant 112 : index
        %swap3A_866 = tpu.vector_load %arg9[%swap3A_864, %swap3A_865] {strides = array<i32>} : memref<10x128xf32, #tpu.memory_space<vmem>>, vector<1x16xf32>,
        %swap3A_867 = vector.shape_cast %swap3A_866 : vector<1x16xf32> to vector<16xf32>
        %swap3A_868 = vector.shape_cast %get3A_862 : vector<16xf32> to vector<1x16xf32>
        tpu.vector_store %arg9[%swap3A_864, %swap3A_865], %swap3A_868 {strides = array<i32>} : memref<10x128xf32, #tpu.memory_space<vmem>>, vector<1x16xf32>,
        %get3A_869 = arith.constant 144 : i32
        %get3A_870 = arith.index_cast %get3A_869 : i32 to index
        %get3A_871 = arith.constant 0 : index
        %get3A_872 = tpu.vector_load %arg7[%get3A_870, %get3A_871] {strides = array<i32>} : memref<160x128xf32, #tpu.memory_space<vmem>>, vector<1x16xf32>,
        %get3A_873 = vector.shape_cast %get3A_872 : vector<1x16xf32> to vector<16xf32>
        %swap3A_874 = arith.constant 9 : i32
        %swap3A_875 = arith.index_cast %swap3A_874 : i32 to index
        %swap3A_876 = arith.constant 0 : index
        %swap3A_877 = tpu.vector_load %arg9[%swap3A_875, %swap3A_876] {strides = array<i32>} : memref<10x128xf32, #tpu.memory_space<vmem>>, vector<1x16xf32>,
        %swap3A_878 = vector.shape_cast %swap3A_877 : vector<1x16xf32> to vector<16xf32>
        %swap3A_879 = vector.shape_cast %get3A_873 : vector<16xf32> to vector<1x16xf32>
        tpu.vector_store %arg9[%swap3A_875, %swap3A_876], %swap3A_879 {strides = array<i32>} : memref<10x128xf32, #tpu.memory_space<vmem>>, vector<1x16xf32>,
        %get3A_880 = arith.constant 144 : i32
        %get3A_881 = arith.index_cast %get3A_880 : i32 to index
        %get3A_882 = arith.constant 16 : index
        %get3A_883 = tpu.vector_load %arg7[%get3A_881, %get3A_882] {strides = array<i32>} : memref<160x128xf32, #tpu.memory_space<vmem>>, vector<1x16xf32>,
        %get3A_884 = vector.shape_cast %get3A_883 : vector<1x16xf32> to vector<16xf32>
        %swap3A_885 = arith.constant 9 : i32
        %swap3A_886 = arith.index_cast %swap3A_885 : i32 to index
        %swap3A_887 = arith.constant 16 : index
        %swap3A_888 = tpu.vector_load %arg9[%swap3A_886, %swap3A_887] {strides = array<i32>} : memref<10x128xf32, #tpu.memory_space<vmem>>, vector<1x16xf32>,
        %swap3A_889 = vector.shape_cast %swap3A_888 : vector<1x16xf32> to vector<16xf32>
        %swap3A_890 = vector.shape_cast %get3A_884 : vector<16xf32> to vector<1x16xf32>
        tpu.vector_store %arg9[%swap3A_886, %swap3A_887], %swap3A_890 {strides = array<i32>} : memref<10x128xf32, #tpu.memory_space<vmem>>, vector<1x16xf32>,
        %get3A_891 = arith.constant 144 : i32
        %get3A_892 = arith.index_cast %get3A_891 : i32 to index
        %get3A_893 = arith.constant 32 : index
        %get3A_894 = tpu.vector_load %arg7[%get3A_892, %get3A_893] {strides = array<i32>} : memref<160x128xf32, #tpu.memory_space<vmem>>, vector<1x16xf32>,
        %get3A_895 = vector.shape_cast %get3A_894 : vector<1x16xf32> to vector<16xf32>
        %swap3A_896 = arith.constant 9 : i32
        %swap3A_897 = arith.index_cast %swap3A_896 : i32 to index
        %swap3A_898 = arith.constant 32 : index
        %swap3A_899 = tpu.vector_load %arg9[%swap3A_897, %swap3A_898] {strides = array<i32>} : memref<10x128xf32, #tpu.memory_space<vmem>>, vector<1x16xf32>,
        %swap3A_900 = vector.shape_cast %swap3A_899 : vector<1x16xf32> to vector<16xf32>
        %swap3A_901 = vector.shape_cast %get3A_895 : vector<16xf32> to vector<1x16xf32>
        tpu.vector_store %arg9[%swap3A_897, %swap3A_898], %swap3A_901 {strides = array<i32>} : memref<10x128xf32, #tpu.memory_space<vmem>>, vector<1x16xf32>,
        %get3A_902 = arith.constant 144 : i32
        %get3A_903 = arith.index_cast %get3A_902 : i32 to index
        %get3A_904 = arith.constant 48 : index
        %get3A_905 = tpu.vector_load %arg7[%get3A_903, %get3A_904] {strides = array<i32>} : memref<160x128xf32, #tpu.memory_space<vmem>>, vector<1x16xf32>,
        %get3A_906 = vector.shape_cast %get3A_905 : vector<1x16xf32> to vector<16xf32>
        %swap3A_907 = arith.constant 9 : i32
        %swap3A_908 = arith.index_cast %swap3A_907 : i32 to index
        %swap3A_909 = arith.constant 48 : index
        %swap3A_910 = tpu.vector_load %arg9[%swap3A_908, %swap3A_909] {strides = array<i32>} : memref<10x128xf32, #tpu.memory_space<vmem>>, vector<1x16xf32>,
        %swap3A_911 = vector.shape_cast %swap3A_910 : vector<1x16xf32> to vector<16xf32>
        %swap3A_912 = vector.shape_cast %get3A_906 : vector<16xf32> to vector<1x16xf32>
        tpu.vector_store %arg9[%swap3A_908, %swap3A_909], %swap3A_912 {strides = array<i32>} : memref<10x128xf32, #tpu.memory_space<vmem>>, vector<1x16xf32>,
        %get3A_913 = arith.constant 144 : i32
        %get3A_914 = arith.index_cast %get3A_913 : i32 to index
        %get3A_915 = arith.constant 64 : index
        %get3A_916 = tpu.vector_load %arg7[%get3A_914, %get3A_915] {strides = array<i32>} : memref<160x128xf32, #tpu.memory_space<vmem>>, vector<1x16xf32>,
        %get3A_917 = vector.shape_cast %get3A_916 : vector<1x16xf32> to vector<16xf32>
        %swap3A_918 = arith.constant 9 : i32
        %swap3A_919 = arith.index_cast %swap3A_918 : i32 to index
        %swap3A_920 = arith.constant 64 : index
        %swap3A_921 = tpu.vector_load %arg9[%swap3A_919, %swap3A_920] {strides = array<i32>} : memref<10x128xf32, #tpu.memory_space<vmem>>, vector<1x16xf32>,
        %swap3A_922 = vector.shape_cast %swap3A_921 : vector<1x16xf32> to vector<16xf32>
        %swap3A_923 = vector.shape_cast %get3A_917 : vector<16xf32> to vector<1x16xf32>
        tpu.vector_store %arg9[%swap3A_919, %swap3A_920], %swap3A_923 {strides = array<i32>} : memref<10x128xf32, #tpu.memory_space<vmem>>, vector<1x16xf32>,
        %get3A_924 = arith.constant 144 : i32
        %get3A_925 = arith.index_cast %get3A_924 : i32 to index
        %get3A_926 = arith.constant 80 : index
        %get3A_927 = tpu.vector_load %arg7[%get3A_925, %get3A_926] {strides = array<i32>} : memref<160x128xf32, #tpu.memory_space<vmem>>, vector<1x16xf32>,
        %get3A_928 = vector.shape_cast %get3A_927 : vector<1x16xf32> to vector<16xf32>
        %swap3A_929 = arith.constant 9 : i32
        %swap3A_930 = arith.index_cast %swap3A_929 : i32 to index
        %swap3A_931 = arith.constant 80 : index
        %swap3A_932 = tpu.vector_load %arg9[%swap3A_930, %swap3A_931] {strides = array<i32>} : memref<10x128xf32, #tpu.memory_space<vmem>>, vector<1x16xf32>,
        %swap3A_933 = vector.shape_cast %swap3A_932 : vector<1x16xf32> to vector<16xf32>
        %swap3A_934 = vector.shape_cast %get3A_928 : vector<16xf32> to vector<1x16xf32>
        tpu.vector_store %arg9[%swap3A_930, %swap3A_931], %swap3A_934 {strides = array<i32>} : memref<10x128xf32, #tpu.memory_space<vmem>>, vector<1x16xf32>,
        %get3A_935 = arith.constant 144 : i32
        %get3A_936 = arith.index_cast %get3A_935 : i32 to index
        %get3A_937 = arith.constant 96 : index
        %get3A_938 = tpu.vector_load %arg7[%get3A_936, %get3A_937] {strides = array<i32>} : memref<160x128xf32, #tpu.memory_space<vmem>>, vector<1x16xf32>,
        %get3A_939 = vector.shape_cast %get3A_938 : vector<1x16xf32> to vector<16xf32>
        %swap3A_940 = arith.constant 9 : i32
        %swap3A_941 = arith.index_cast %swap3A_940 : i32 to index
        %swap3A_942 = arith.constant 96 : index
        %swap3A_943 = tpu.vector_load %arg9[%swap3A_941, %swap3A_942] {strides = array<i32>} : memref<10x128xf32, #tpu.memory_space<vmem>>, vector<1x16xf32>,
        %swap3A_944 = vector.shape_cast %swap3A_943 : vector<1x16xf32> to vector<16xf32>
        %swap3A_945 = vector.shape_cast %get3A_939 : vector<16xf32> to vector<1x16xf32>
        tpu.vector_store %arg9[%swap3A_941, %swap3A_942], %swap3A_945 {strides = array<i32>} : memref<10x128xf32, #tpu.memory_space<vmem>>, vector<1x16xf32>,
        %get3A_946 = arith.constant 144 : i32
        %get3A_947 = arith.index_cast %get3A_946 : i32 to index
        %get3A_948 = arith.constant 112 : index
        %get3A_949 = tpu.vector_load %arg7[%get3A_947, %get3A_948] {strides = array<i32>} : memref<160x128xf32, #tpu.memory_space<vmem>>, vector<1x16xf32>,
        %get3A_950 = vector.shape_cast %get3A_949 : vector<1x16xf32> to vector<16xf32>
        %swap3A_951 = arith.constant 9 : i32
        %swap3A_952 = arith.index_cast %swap3A_951 : i32 to index
        %swap3A_953 = arith.constant 112 : index
        %swap3A_954 = tpu.vector_load %arg9[%swap3A_952, %swap3A_953] {strides = array<i32>} : memref<10x128xf32, #tpu.memory_space<vmem>>, vector<1x16xf32>,
        %swap3A_955 = vector.shape_cast %swap3A_954 : vector<1x16xf32> to vector<16xf32>
        %swap3A_956 = vector.shape_cast %get3A_950 : vector<16xf32> to vector<1x16xf32>
        tpu.vector_store %arg9[%swap3A_952, %swap3A_953], %swap3A_956 {strides = array<i32>} : memref<10x128xf32, #tpu.memory_space<vmem>>, vector<1x16xf32>,
        %mul3A_957 = arith.constant 10 : i32
        %mul3A_958 = arith.muli %add3A_46, %mul3A_957 : i32
        %add3A_959 = arith.addi %mul3A_2, %mul3A_958 : i32
        %dma_start3A_960 = arith.constant 0 : i32
        %dma_start3A_961 = tpu.memref_slice %arg4[%add3A_959, %dma_start3A_960] : memref<40000x128xf32, #tpu.memory_space<hbm>> -> memref<10x128xf32, #tpu.memory_space<hbm>>
        %dma_start3A_962 = arith.constant 0 : i32
        %dma_start3A_963 = tpu.memref_slice %arg4[%add3A_959, %dma_start3A_962] : memref<40000x128xf32, #tpu.memory_space<hbm>> -> memref<10x128xf32, #tpu.memory_space<hbm>>
        tpu.enqueue_dma source(%arg9 : memref<10x128xf32, #tpu.memory_space<vmem>>) target(%dma_start3A_963 : memref<10x128xf32, #tpu.memory_space<hbm>>) target_semaphore(%arg11 : memref<!tpu.dma_semaphore, #tpu.memory_space<semaphore_mem>>)
      } else {
      }
    }
    %scan3A_24 = arith.constant 63 : i32
    %dma_wait3A = arith.constant 0 : i32
    %dma_wait3A_25 = arith.constant 0 : i32
    %dma_wait3A_26 = tpu.memref_slice %arg4[%dma_wait3A, %dma_wait3A_25] : memref<40000x128xf32, #tpu.memory_space<hbm>> -> memref<10x128xf32, #tpu.memory_space<hbm>>
    %dma_wait3A_27 = arith.constant 0 : i32
    %dma_wait3A_28 = arith.constant 0 : i32
    %dma_wait3A_29 = tpu.memref_slice %arg4[%dma_wait3A_27, %dma_wait3A_28] : memref<40000x128xf32, #tpu.memory_space<hbm>> -> memref<10x128xf32, #tpu.memory_space<hbm>>
    tpu.wait_dma2 semaphore(%arg11 : memref<!tpu.dma_semaphore, #tpu.memory_space<semaphore_mem>>) src(%arg9 : memref<10x128xf32, #tpu.memory_space<vmem>>) dst(%dma_wait3A_29 : memref<10x128xf32, #tpu.memory_space<hbm>>)
    %dma_wait3A_30 = arith.constant 0 : i32
    %dma_wait3A_31 = arith.constant 0 : i32
    %dma_wait3A_32 = tpu.memref_slice %arg4[%dma_wait3A_30, %dma_wait3A_31] : memref<40000x128xf32, #tpu.memory_space<hbm>> -> memref<10x128xf32, #tpu.memory_space<hbm>>
    %dma_wait3A_33 = arith.constant 0 : i32
    %dma_wait3A_34 = arith.constant 0 : i32
    %dma_wait3A_35 = tpu.memref_slice %arg4[%dma_wait3A_33, %dma_wait3A_34] : memref<40000x128xf32, #tpu.memory_space<hbm>> -> memref<10x128xf32, #tpu.memory_space<hbm>>
    tpu.wait_dma2 semaphore(%arg11 : memref<!tpu.dma_semaphore, #tpu.memory_space<semaphore_mem>>) src(%arg8 : memref<10x128xf32, #tpu.memory_space<vmem>>) dst(%dma_wait3A_35 : memref<10x128xf32, #tpu.memory_space<hbm>>)
    return
  }
}

module attributes {stable_mosaic.version = 14 : i64} {
  func.func @_tc_mlp_body(%arg0: i32, %arg1: memref<1x10000x128xf32, #tpu.memory_space<vmem>>, %arg2: memref<128x128xf32, #tpu.memory_space<vmem>>, %arg3: memref<128x1xf32, #tpu.memory_space<vmem>>, %arg4: memref<128x128xf32, #tpu.memory_space<vmem>>, %arg5: memref<128x1xf32, #tpu.memory_space<vmem>>, %arg6: memref<1x128x10000xf32, #tpu.memory_space<vmem>>) attributes {dimension_semantics = [#tpu.dimension_semantics<arbitrary>], iteration_bounds = array<i64: 4>, scalar_prefetch = 0 : i64, scratch_operands = 0 : i64, tpu.core_type = #tpu.core_type<tc>, window_params = [{transform_indices = @transform_0, window_bounds = array<i64: 1, 10000, 128>}, {pipeline_mode = #tpu.pipeline_mode<synchronous>, transform_indices = @transform_1, window_bounds = array<i64: 128, 128>}, {pipeline_mode = #tpu.pipeline_mode<synchronous>, transform_indices = @transform_2, window_bounds = array<i64: 128, 1>}, {pipeline_mode = #tpu.pipeline_mode<synchronous>, transform_indices = @transform_3, window_bounds = array<i64: 128, 128>}, {pipeline_mode = #tpu.pipeline_mode<synchronous>, transform_indices = @transform_4, window_bounds = array<i64: 128, 1>}, {transform_indices = @transform_5, window_bounds = array<i64: 1, 128, 10000>}]} {
    %get3A = arith.constant 0 : index
    %get3A_0 = arith.constant 0 : index
    %get3A_1 = arith.constant 0 : index
    %get3A_2 = vector.load %arg1[%get3A, %get3A_0, %get3A_1] : memref<1x10000x128xf32, #tpu.memory_space<vmem>>, vector<1x10000x128xf32>
    %get3A_3 = vector.shape_cast %get3A_2 : vector<1x10000x128xf32> to vector<10000x128xf32>
    %get3A_4 = arith.constant 0 : index
    %get3A_5 = arith.constant 0 : index
    %get3A_6 = vector.load %arg2[%get3A_4, %get3A_5] : memref<128x128xf32, #tpu.memory_space<vmem>>, vector<128x128xf32>
    %dot_general3A = arith.constant dense<0.000000e+00> : vector<128x10000xf32>
    %dot_general3A_7 = tpu.matmul %get3A_6, %get3A_3, %dot_general3A {dimension_numbers = #tpu.dot_dimension_numbers<[1], [1], [0], [0], [0, 0, 1, 0], [], []>, precision = #tpu.contract_precision<fp32>, transpose_lhs_hint = false} : vector<128x128xf32>, vector<10000x128xf32>, vector<128x10000xf32> -> vector<128x10000xf32>
    %get3A_8 = arith.constant 0 : index
    %get3A_9 = arith.constant 0 : index
    %get3A_10 = vector.load %arg3[%get3A_8, %get3A_9] : memref<128x1xf32, #tpu.memory_space<vmem>>, vector<128x1xf32>
    %add3A = vector.broadcast %get3A_10 : vector<128x1xf32> to vector<128x10000xf32>
    %add3A_11 = arith.addf %dot_general3A_7, %add3A : vector<128x10000xf32>
    %max3A = arith.constant 0.000000e+00 : f32
    %max3A_12 = vector.broadcast %max3A : f32 to vector<128x10000xf32>
    %max3A_13 = arith.maximumf %add3A_11, %max3A_12 : vector<128x10000xf32>
    %get3A_14 = arith.constant 0 : index
    %get3A_15 = arith.constant 0 : index
    %get3A_16 = vector.load %arg4[%get3A_14, %get3A_15] : memref<128x128xf32, #tpu.memory_space<vmem>>, vector<128x128xf32>
    %dot_general3A_17 = arith.constant dense<0.000000e+00> : vector<128x10000xf32>
    %dot_general3A_18 = tpu.matmul %get3A_16, %max3A_13, %dot_general3A_17 {dimension_numbers = #tpu.dot_dimension_numbers<[1], [0], [0], [1], [0, 0, 1, 1], [], []>, precision = #tpu.contract_precision<fp32>, transpose_lhs_hint = false} : vector<128x128xf32>, vector<128x10000xf32>, vector<128x10000xf32> -> vector<128x10000xf32>
    %get3A_19 = arith.constant 0 : index
    %get3A_20 = arith.constant 0 : index
    %get3A_21 = vector.load %arg5[%get3A_19, %get3A_20] : memref<128x1xf32, #tpu.memory_space<vmem>>, vector<128x1xf32>
    %add3A_22 = vector.broadcast %get3A_21 : vector<128x1xf32> to vector<128x10000xf32>
    %add3A_23 = arith.addf %dot_general3A_18, %add3A_22 : vector<128x10000xf32>
    %swap3A = arith.constant 0 : index
    %swap3A_24 = arith.constant 0 : index
    %swap3A_25 = arith.constant 0 : index
    %swap3A_26 = vector.load %arg6[%swap3A, %swap3A_24, %swap3A_25] : memref<1x128x10000xf32, #tpu.memory_space<vmem>>, vector<1x128x10000xf32>
    %swap3A_27 = vector.shape_cast %swap3A_26 : vector<1x128x10000xf32> to vector<128x10000xf32>
    %swap3A_28 = vector.shape_cast %add3A_23 : vector<128x10000xf32> to vector<1x128x10000xf32>
    tpu.vector_store %arg6[%swap3A, %swap3A_24, %swap3A_25], %swap3A_28 {strides = array<i32>} : memref<1x128x10000xf32, #tpu.memory_space<vmem>>, vector<1x128x10000xf32>,
    return
  }
  func.func @transform_0(%arg0: i32) -> (i32, i32, i32) {
    %c0_i32 = arith.constant 0 : i32
    %c0_i32_0 = arith.constant 0 : i32
    %c0_i32_1 = arith.constant 0 : i32
    return %arg0, %c0_i32, %c0_i32_0 : i32, i32, i32
  }
  func.func @transform_1(%arg0: i32) -> (i32, i32) {
    %c0_i32 = arith.constant 0 : i32
    %c0_i32_0 = arith.constant 0 : i32
    %c0_i32_1 = arith.constant 0 : i32
    return %c0_i32, %c0_i32_0 : i32, i32
  }
  func.func @transform_2(%arg0: i32) -> (i32, i32) {
    %c0_i32 = arith.constant 0 : i32
    %c0_i32_0 = arith.constant 0 : i32
    %c0_i32_1 = arith.constant 0 : i32
    return %c0_i32, %c0_i32_0 : i32, i32
  }
  func.func @transform_3(%arg0: i32) -> (i32, i32) {
    %c0_i32 = arith.constant 0 : i32
    %c0_i32_0 = arith.constant 0 : i32
    %c0_i32_1 = arith.constant 0 : i32
    return %c0_i32, %c0_i32_0 : i32, i32
  }
  func.func @transform_4(%arg0: i32) -> (i32, i32) {
    %c0_i32 = arith.constant 0 : i32
    %c0_i32_0 = arith.constant 0 : i32
    %c0_i32_1 = arith.constant 0 : i32
    return %c0_i32, %c0_i32_0 : i32, i32
  }
  func.func @transform_5(%arg0: i32) -> (i32, i32, i32) {
    %c0_i32 = arith.constant 0 : i32
    %c0_i32_0 = arith.constant 0 : i32
    %c0_i32_1 = arith.constant 0 : i32
    return %arg0, %c0_i32, %c0_i32_0 : i32, i32, i32
  }
}

</mosaic_0001>

<sc_bundles>
// kernel: kernel.4.cloned.1.call-start
scs
__scs_entry_jumppad:
0x0: {  	(pc) =	sbr.rel $0x88, $3  }
0x1: {  	(tag) =	ssettag $0x0;
	lr =	simm.s32 $0x1  }
0x2: {  	[smem:$0x3F9B] =	sst lr;
	_ =	strace $0xD0000000  }
0x3: {  	_ = 	snop  }
0x4: {  	_ = 	snop  }
0x5: {  	_ = 	snop  }
0x6: {  	_ = 	snop  }
0x7: {  	_ = 	snop  }
__scs_overlays_trampoline_lowered:
0x8: {  	[smem:$0x3FAA] =	sst s0  }
0x9: {  	[smem:$0x3FAB] =	sst s1  }
0xa: {  	[smem:$0x3FAC] =	sst s2  }
0xb: {  	[smem:$0x3FAD] =	sst s3  }
0xc: {  	[smem:$0x3FAE] =	sst s4  }
0xd: {  	[smem:$0x3FAF] =	sst s5  }
0xe: {  	[smem:$0x3FB0] =	sst s6  }
0xf: {  	[smem:$0x3FB1] =	sst s7  }
0x10: {  	[smem:$0x3FB2] =	sst s8  }
0x11: {  	[smem:$0x3FB3] =	sst s9;
	s0 =	simm.s32 @!p0 $0x0  }
0x12: {  	s1 =	sld [smem:$0x3F99];
	s0 =	simm.s32 @p0 $0x1  }
0x13: {  	[smem:$0x3FB4] =	sst s0;
	s0 =	simm.s32 @!p1 $0x0  }
0x14: {  	s2 =	sld [smem:$0x3F98];
	s0 =	simm.s32 @p1 $0x1  }
0x15: {  	[smem:$0x3FB5] =	sst s0;
	s0 =	simm.s32 @!p2 $0x0  }
0x16: {  	s3 =	sld [smem:$0x3FDB];
	s0 =	simm.s32 @p2 $0x1  }
0x17: {  	s4 =	simm.s32 $0x1BF5;
	[smem:$0x3FB7] =	sst s0  }
0x18: {  	s0 =	sld [smem:$0x3F9A];
	_ =	swait.ge [sflag:s4], $0x0  }
0x19: {  	s7 =	sld [smem:$0x3F9B]  }
0x1a: {  	s8 =	sadd.s32 $0xFFFFE003, lr  }
0x1b: {  	s9 =	sadd.s32 $0xFFFFFEF7, lr;
	s5 =	simm.s32 $0xFFFFFFFF;
	p2 =	slt.u32 s8, $0xFFFFF086  }
0x1c: {  	p1 =	slt.u32 s9, $0xF7A;
	s5 =	simm.s32 @!p2 $0x0  }
0x1d: {  	s5 =	simm.s32 @p1 $0x1;
	p0 =	seq.s32 s7, s2  }
0x1e: {  	s7 =	smul.u32 @!p0 $0xF7A, s2;
	p2 =	seq.s32 @!p0 s5, $0x0  }
0x1f: {  	s9 =	smul.u32 $0xF7A, s1;
	s8 =	simm.s32 @!p0 $0x1BF5;
	p2 =	por !p2, p0  }
0x20: {  	[sflag:s8] =	ssyncset.s32 @!p0 $0xFFFFF086;
	s6 =	sadd.s32 @!p0 s3, s7;
	s7 =	simm.s32 @!p0 $0x108  }
0x21: {  	s3 =	sadd.s32 s3, s9;
	s6 =	sadd.s32 @!p0 $0x88, s6;
	s7 =	simm.s32 @p2 $0x1082  }
0x22: {  	[simem:s7], [sflag:s8] =	dma.local @!p0 [hbm:s6], $0xF7A  }
0x23: {  	s9 =	sor.u32 $0xD0000000, s2;
	s6 =	simm.s32 $0x108;
	_ =	swait.ge @!p0 [sflag:s8], $0x0  }
0x24: {  	s3 =	sadd.s32 $0x88, s3;
	s6 =	simm.s32 @!p1 $0x1082;
	[sflag:s4] =	ssyncset.s32 $0xFFFFF086  }
0x25: {  	[simem:s6], [sflag:s4] =	dma.local [hbm:s3], $0xF7A  }
0x26: {  	[smem:$0x3F9B] =	sst s1;
	(tag) =	ssettag s2;
	_ =	strace s9  }
0x27: {  	s1 =	sld [smem:$0x3FAB]  }
0x28: {  	s2 =	sld [smem:$0x3FAC]  }
0x29: {  	s4 =	sld [smem:$0x3FAE]  }
0x2a: {  	p0 =	seq.s32 s5, $0x0;
	s5 =	sld [smem:$0x3FAF]  }
0x2b: {  	s6 =	sld [smem:$0x3FB0]  }
0x2c: {  	s7 =	sld [smem:$0x3FB1]  }
0x2d: {  	s3 =	simm.s32 $0x108;
	s8 =	sld [smem:$0x3FB2]  }
0x2e: {  	s3 =	simm.s32 @!p0 $0x1082;
	s9 =	sld [smem:$0x3FB3]  }
0x2f: {  	lr =	sadd.s32 s0, s3;
	s0 =	sld [smem:$0x3FAA]  }
0x30: {  	s3 =	sld [smem:$0x3FAD]  }
0x31: {  	[smem:$0x3FB6] =	sst s10  }
0x32: {  	s10 =	sld [smem:$0x3FB4];
	_ =	sdelay $0x3  }
0x33: {  	p0 =	seq.s32 s10, $0x1;
	s10 =	sld [smem:$0x3FB6];
	_ =	sdelay $0x3  }
0x34: {  	[smem:$0x3FB6] =	sst s10  }
0x35: {  	s10 =	sld [smem:$0x3FB5];
	_ =	sdelay $0x3  }
0x36: {  	p1 =	seq.s32 s10, $0x1;
	s10 =	sld [smem:$0x3FB6];
	_ =	sdelay $0x3  }
0x37: {  	[smem:$0x3FB6] =	sst s10  }
0x38: {  	s10 =	sld [smem:$0x3FB7]  }
0x39: {  	_ = 	snop;
	(pc) =	sbr.ind lr, $3  }
0x3a: {  	_ = 	snop  }
0x3b: {  	_ = 	snop  }
0x3c: {  	p2 =	seq.s32 s10, $0x1;
	s10 =	sld [smem:$0x3FB6]  }
0x3d: {  	_ =	shalt  }
0x3e: {  	_ =	shalt  }
0x3f: {  	_ =	shalt  }
0x40: {  	_ =	shalt  }
0x41: {  	_ =	shalt  }
0x42: {  	_ =	shalt  }
0x43: {  	_ =	shalt  }
0x44: {  	_ =	shalt  }
0x45: {  	_ =	shalt  }
0x46: {  	_ =	shalt  }
0x47: {  	_ =	shalt  }
0x48: {  	_ =	shalt  }
0x49: {  	_ =	shalt  }
0x4a: {  	_ =	shalt  }
0x4b: {  	_ =	shalt  }
0x4c: {  	_ =	shalt  }
0x4d: {  	_ =	shalt  }
0x4e: {  	_ =	shalt  }
0x4f: {  	_ =	shalt  }
0x50: {  	_ =	shalt  }
0x51: {  	_ =	shalt  }
0x52: {  	_ =	shalt  }
0x53: {  	_ =	shalt  }
0x54: {  	_ =	shalt  }
0x55: {  	_ =	shalt  }
0x56: {  	_ =	shalt  }
0x57: {  	_ =	shalt  }
0x58: {  	_ =	shalt  }
0x59: {  	_ =	shalt  }
0x5a: {  	_ =	shalt  }
0x5b: {  	_ =	shalt  }
0x5c: {  	_ =	shalt  }
0x5d: {  	_ =	shalt  }
0x5e: {  	_ =	shalt  }
0x5f: {  	_ =	shalt  }
0x60: {  	_ =	shalt  }
0x61: {  	_ =	shalt  }
0x62: {  	_ =	shalt  }
0x63: {  	_ =	shalt  }
0x64: {  	_ =	shalt  }
0x65: {  	_ =	shalt  }
0x66: {  	_ =	shalt  }
0x67: {  	_ =	shalt  }
0x68: {  	_ =	shalt  }
0x69: {  	_ =	shalt  }
0x6a: {  	_ =	shalt  }
0x6b: {  	_ =	shalt  }
0x6c: {  	_ =	shalt  }
0x6d: {  	_ =	shalt  }
0x6e: {  	_ =	shalt  }
0x6f: {  	_ =	shalt  }
0x70: {  	_ =	shalt  }
0x71: {  	_ =	shalt  }
0x72: {  	_ =	shalt  }
0x73: {  	_ =	shalt  }
0x74: {  	_ =	shalt  }
0x75: {  	_ =	shalt  }
0x76: {  	_ =	shalt  }
0x77: {  	_ =	shalt  }
0x78: {  	_ =	shalt  }
0x79: {  	_ =	shalt  }
0x7a: {  	_ =	shalt  }
0x7b: {  	_ =	shalt  }
0x7c: {  	_ =	shalt  }
0x7d: {  	_ =	shalt  }
0x7e: {  	_ =	shalt  }
0x7f: {  	_ =	shalt  }
0x80: {  	_ =	shalt  }
0x81: {  	_ =	shalt  }
0x82: {  	_ =	shalt  }
0x83: {  	_ =	shalt  }
0x84: {  	_ =	shalt  }
0x85: {  	_ =	shalt  }
0x86: {  	_ =	shalt  }
0x87: {  	_ =	shalt  }
.Lfunc_end0:
.L_simem_size_0:
called_computation_lowered:
.L_overlay_start_0:
0x88: {  	s2 =	sld [smem:$0x3FD9]  }
0x89: {  	s3 =	sld [smem:$0x3FFE];
	_ =	sdelay $0x1  }
0x8a: {  	s1 =	srdreg.scid  }
0x8b: {  	s0 =	sand.u32 $0x1, s1  }
0x8c: {  	s17 =	sshll.u32 s0, $0xA;
	s2 =	sadd.s32 s3, s2  }
0x8d: {  	s2 =	sadd.s32 s2, s17  }
0x8e: {  	[smem:$0x3FC2] =	sst s2  }
0x8f: {  	_ = 	snop  }
0x90: {  	s2 =	sld [smem:$0x3FC9]  }
0x91: {  	s18 =	sld [smem:$0x3FD0];
	(tm) =	ssettm $0x1  }
0x92: {  	s4 =	sld [smem:$0x3FFB];
	_ =	sdelay $0x3  }
0x93: {  	_ =	strace s4  }
0x94: {  	s4 =	sld [smem:$0x3FFC];
	_ =	sdelay $0x3  }
0x95: {  	_ =	strace s4  }
0x96: {  	s4 =	sld [smem:$0x3FFD];
	_ =	sdelay $0x3  }
0x97: {  	_ =	strace s4  }
0x98: {  	_ =	strace $0x8FFFFFFF  }
0x99: {  	s19 =	sld [smem:$0x3FDB];
	_ =	sdelay $0x1  }
0x9a: {  	s5 =	simm.s32 $_scs_section_size  }
0x9b: {  	s6 =	simm.s32 $_size__tile_overlayer_lowered;
	s7 =	simm.s32 $_tile_overlayer_lowered  }
0x9c: {  	s22 =	simm.s32 $0x1BFF;
	s21 =	sshll.u32 s7, $0x1;
	s4 =	sadd.s32 s5, s19  }
0x9d: {  	s8 =	simm.s32 $0x0;
	s20 =	sshll.u32 s6, $0x1;
	s6 =	sadd.s32 s21, s4  }
0x9e: {  	[timem:s8], [sflag:s22] =	dma.local [hbm:s6], s20  }
0x9f: {  	_ =	swait.ge [sflag:s22], s20  }
0xa0: {  	s5 =	ssub.s32 $0x0, s20;
	[sflag:s22] =	ssyncset.done $0x0  }
0xa1: {  	[sflag:s22] =	ssyncadd.s32 s5;
	_ =	sdelay $0x1  }
0xa2: {  	s23 =	simm.s32 $0x1B8B  }
0xa3: {  	_ =	swait.ge [sflag:s23], $0x1  }
0xa4: {  	[sflag:s23] =	ssyncset.done $0x0  }
0xa5: {  	s25 =	simm.s32 $0x1B8E;
	s24 =	sld [smem:$0x3FFE];
	[sflag:s23] =	ssyncadd.s32 $0xFFFFFFFF  }
0xa6: {  	s26 =	simm.s32 $execute0_lowered;
	[smem:$0x3FD2] =	sst s25  }
0xa7: {  	s6 =	sshll.u32 s26, $0x1;
	_ =	strace $0x80000046;
	[dreg:$0x1] =	wrdreg $0xFFFFFFFF  }
0xa8: {  	s28 =	simm.s32 $_size_execute0_lowered;
	s4 =	sadd.s32 s4, s6;
	[dreg:$0x0] =	wrdreg $0x0  }
0xa9: {  	s6 =	sshll.u32 s28, $0x1;
	[dreg:$0x2] =	wrdreg s4  }
0xaa: {  	[dreg:$0x3] =	wrdreg s6  }
0xab: {  	[dreg:$0x4] =	wrdreg $0xC0  }
0xac: {  	_ =	task [dreg:s8], $0x5FFFF  }
0xad: {  	[dreg:$0x1] =	wrdreg $0xFFFFFFFF  }
0xae: {  	[dreg:$0x0] =	wrdreg $0x60  }
0xaf: {  	[dreg:$0x2] =	wrdreg s2  }
0xb0: {  	[dreg:$0x3] =	wrdreg s24  }
0xb1: {  	[dreg:$0x4] =	wrdreg s18  }
0xb2: {  	[dreg:$0x5] =	wrdreg $0x9  }
0xb3: {  	_ =	task.clear_ibuf [dreg:s8], $0x6FFFF;
	_ =	strace $0x90000046  }
0xb4: {  	s29 =	simm.s32 $0x9;
	_ =	strace $0x80000048  }
0xb5: {  	_ =	swait.ge [sflag:s29], $0x1  }
0xb6: {  	[sflag:s29] =	ssyncadd.s32 $0xFFFFFFFF  }
0xb7: {  	_ =	strace $0x90000048  }
0xb8: {  	_ =	sfence  }
0xb9: {  	s30 =	sld [smem:$0x0];
	_ =	sdelay $0x2  }
0xba: {  	s31 =	sshll.u32 s1, $0xD;
	s1 =	sshrl.u32 s1, $0x2  }
0xbb: {  	s3 =	sand.u32 $0x4000, s31;
	s1 =	sadd.s32 s1, s30  }
0xbc: {  	s0 =	sor.u32 s3, s0;
	s1 =	sshll.u32 s1, $0x11  }
0xbd: {  	s0 =	sor.u32 s1, s0  }
0xbe: {  	s0 =	sadd.s32 $0x8F2B, s0  }
0xbf: {  	[sflag:s0] =	ssyncadd.remote.s32 $0x1  }
0xc0: {  	_ =	sfence.sel $0xFFFF  }
0xc1: {  	[dreg:$0x0] =	wrdreg $0xFFFFFFFF;
	(pc) =	sbr.abs _section_cstart, $3  }
0xc2: {  	[dreg:$0x1] =	wrdreg $0xFFFFFFFF  }
0xc3: {  	_ =	task.clear_ibuf [dreg:s8], $0x2FFFF;
	_ =	strace $0x9FFFFFFF  }
0xc4: {  	(tm) =	ssettm $0x7FFFFFFF  }
0xc5: {  	_ =	shalt  }
tec
execute0_lowered:
.L_overlay_start_1:
0x0: {  	(tag) =	ssettag $0x1  }
0x1: {  	s1 =	rddreg [dreg:$0x0]  }
0x2: {  	s2 =	srdreg.scid;
	s5 =	rddreg [dreg:$0x1]  }
0x3: {  	s0 =	stileid.u32;
	s6 =	rddreg [dreg:$0x2];
	s3 =	simm.s32 $0x0  }
0x4: {  	s12 =	simm.s32 $0x1;
	s13 =	simm.s32 $0xEE20;
	s8 =	smul.u32 $0x9C4, s0  }
0x5: {  	s14 =	simm.s32 $0xF320;
	s4 =	sand.u32 $0x1, s2;
	s11 =	smul.u32 $0x9C40, s0  }
0x6: {  	s15 =	simm.s32 $0x2;
	s28 =	sshll.u32 s0, $0x1;
	s9 =	smul.u32 $0x4E2, s4  }
0x7: {  	s16 =	simm.s32 $0x0;
	s2 =	sor.u32 s4, s28;
	s30 =	smul.u32 $0x4E20, s4  }
0x8: {  	[smem:$0x7FF] =	sst s3;
	s29 =	ssub.s32 $0x2, s4;
	s7 =	smul.u32 $0x9C4, s2  }
0x9: {  	s2 =	rddreg [dreg:$0x3];
	_ =	strace $0x80000047;
	s10 =	sshrl.u32 s29, $0x1  }
.Ltmp0:
0xa: {  	s31 =	sadd.s32 s11, s6;
	s11 =	simm.s32 $0x7620;
	(pc) =	sbr.rel .LBB2_1-.Ltmp0, $4  }
0xb: {  	s8 =	sadd.s32 s9, s8;
	s9 =	simm.s32 $0x50;
	s5 =	sadd.s32 s7, s5  }
0xc: {  	s7 =	ssub.s32 s29, s10;
	s8 =	sshll.u32 s8, $0x4;
	s10 =	simm.s32 $0x4E20  }
0xd: {  	s4 =	sadd.s32 $0xE00, s5;
	s8 =	sadd.s32 s6, s8;
	s5 =	smax.u32 s7, $0x1  }
0xe: {  	s6 =	sadd.s32 s30, s31;
	s7 =	sadd.s32 $0xA0, s8;
	s8 =	simm.s32 $0x3  }
.LBB2_5:
0xf: {  	s16 =	sadd.s32 $0x1, s16  }
0x10: {  	_ =	swait.ge [sflag:s15], $0x500;
	p0 =	sne.s32 s16, s5  }
.Ltmp1:
0x11: {  	[sflag:s15] =	ssyncset.done $0x0;
	(pc) =	sbr.rel @!p0 .LBB2_6-.Ltmp1, $4  }
0x12: {  	[sflag:s15] =	ssyncadd.s32 $0xFFFFFB00  }
0x13: {  	_ =	swait.ge [sflag:s15], $0x500  }
0x14: {  	[sflag:s15] =	ssyncset.done $0x0  }
0x15: {  	[sflag:s15] =	ssyncadd.s32 $0xFFFFFB00  }
.LBB2_1:
0x16: {  	[tilespmem:s3], [sflag:$0x3] =	stream.linear.gather [hbm4b:s4+s3], $0x4E20, $0x38;
	[tilespmem:$0xF820] =	vst v63  }
0x17: {  	_ =	swait.ge [sflag:s8], $0x4E20  }
.Ltmp2:
0x18: {  	[sflag:s8] =	ssyncset.done $0x0;
	(pc) =	sbr.rel .LBB2_2-.Ltmp2, $4  }
0x19: {  	s17 =	simm.s32 $0x1;
	[sflag:s8] =	ssyncadd.s32 $0xFFFFB1E0  }
0x1a: {  	[tilespmem:s10], [sflag:$0x1] =	stream.indirect.gather [hbm4b:s1+s9], $0x80, s3, s9, $0xb8;
	[tilespmem:$0xF820] =	vst v63  }
0x1b: {  	s18 =	smov.u32 s7;
	s19 =	smov.u32 s6;
	s20 =	simm.s32 $0x0  }
0x1c: {  	[tilespmem:s11], [sflag:$0x1] =	stream.indirect.gather [hbm4b:s1+s9], $0x80, s9, s9, $0xb8;
	[tilespmem:$0xF820] =	vst v63  }
.LBB2_4:
0x1d: {  	s20 =	sadd.s32 $0x500, s20  }
0x1e: {  	p0 =	sne.s32 s20, $0x13B00  }
.Ltmp3:
0x1f: {  	_ = 	snop;
	(pc) =	sbr.rel @!p0 .LBB2_5-.Ltmp3, $2  }
0x20: {  	_ =	sdelay $0x2  }
0x21: {  	s19 =	sadd.s32 $0x140, s19;
	s18 =	sadd.s32 $0x140, s18;
	s17 =	sadd.s32 $0x2, s17  }
.LBB2_2:
0x22: {  	p1 =	sgt.u32 s17, $0x7C  }
0x23: {  	s21 =	sshra.s32 @!p1 s20, $0x2  }
0x24: {  	s23 =	simm.s32 @!p1 $0x50;
	s24 =	simm.s32 @!p1 $0x9E20;
	s22 =	sadd.s32 @!p1 $0xA0, s21  }
0x25: {  	[tilespmem:s24], [sflag:$0x1] =	stream.indirect.gather @!p1 [hbm4b:s1+s23], $0x80, s22, s23, $0xb8;
	[tilespmem:$0xF820] =	vst v63  }
0x26: {  	s21 =	sadd.s32 @!p1 $0xF0, s21;
	s22 =	simm.s32 @!p1 $0xC620  }
0x27: {  	[tilespmem:s22], [sflag:$0x1] =	stream.indirect.gather @!p1 [hbm4b:s1+s23], $0x80, s21, s23, $0xb8;
	[tilespmem:$0xF820] =	vst v63  }
0x28: {  	_ =	swait.ge [sflag:s12], $0x2800  }
0x29: {  	[sflag:s12] =	ssyncset.done $0x0  }
0x2a: {  	[sflag:s12] =	ssyncadd.s32 $0xFFFFD800  }
0x2b: {  	_ =	swait.ge [sflag:s12], $0x2800  }
0x2c: {  	p0 =	seq.s32 s20, $0x0;
	[sflag:s12] =	ssyncset.done $0x0  }
0x2d: {  	s21 =	simm.s32 @!p0 $0x2;
	[sflag:s12] =	ssyncadd.s32 $0xFFFFD800  }
0x2e: {  	_ =	swait.ge @!p0 [sflag:s21], $0x500  }
0x2f: {  	[sflag:s21] =	ssyncset.done @!p0 $0x0  }
0x30: {  	[sflag:s21] =	ssyncadd.s32 @!p0 $0xFFFFFB00  }
0x31: {  	v0 =	vld [tilespmem:$0x4E20]  }
0x32: {  	v1 =	vld [tilespmem:$0x4E30]  }
0x33: {  	v2 =	vld [tilespmem:$0x4E40]  }
0x34: {  	v3 =	vld [tilespmem:$0x4E50]  }
0x35: {  	v4 =	vld [tilespmem:$0x4E60]  }
0x36: {  	v45 =	vld [tilespmem:$0x4E70];
	[tilespmem:$0xEE20] =	vst v0  }
0x37: {  	v46 =	vld [tilespmem:$0x4E80];
	[tilespmem:$0xEE30] =	vst v1  }
0x38: {  	v47 =	vld [tilespmem:$0x4E90];
	[tilespmem:$0xEE40] =	vst v2  }
0x39: {  	v48 =	vld [tilespmem:$0x5620];
	[tilespmem:$0xEE50] =	vst v3  }
0x3a: {  	v49 =	vld [tilespmem:$0x5630];
	[tilespmem:$0xEE60] =	vst v4  }
0x3b: {  	v50 =	vld [tilespmem:$0x5640];
	[tilespmem:$0xEE70] =	vst v45  }
0x3c: {  	v51 =	vld [tilespmem:$0x5650];
	[tilespmem:$0xEE80] =	vst v46  }
0x3d: {  	v52 =	vld [tilespmem:$0x5660];
	[tilespmem:$0xEE90] =	vst v47  }
0x3e: {  	v53 =	vld [tilespmem:$0x5670];
	[tilespmem:$0xEEA0] =	vst v48  }
0x3f: {  	v54 =	vld [tilespmem:$0x5680];
	[tilespmem:$0xEEB0] =	vst v49  }
0x40: {  	v55 =	vld [tilespmem:$0x5690];
	[tilespmem:$0xEEC0] =	vst v50  }
0x41: {  	v56 =	vld [tilespmem:$0x5E20];
	[tilespmem:$0xEED0] =	vst v51  }
0x42: {  	v57 =	vld [tilespmem:$0x5E30];
	[tilespmem:$0xEEE0] =	vst v52  }
0x43: {  	v58 =	vld [tilespmem:$0x5E40];
	[tilespmem:$0xEEF0] =	vst v53  }
0x44: {  	v59 =	vld [tilespmem:$0x5E50];
	[tilespmem:$0xEF00] =	vst v54  }
0x45: {  	v60 =	vld [tilespmem:$0x5E60];
	[tilespmem:$0xEF10] =	vst v55  }
0x46: {  	v61 =	vld [tilespmem:$0x5E70];
	[tilespmem:$0xEF20] =	vst v56  }
0x47: {  	v62 =	vld [tilespmem:$0x5E80];
	[tilespmem:$0xEF30] =	vst v57  }
0x48: {  	v63 =	vld [tilespmem:$0x5E90];
	[tilespmem:$0xEF40] =	vst v58  }
0x49: {  	v8 =	vld [tilespmem:$0x6620];
	[tilespmem:$0xEF50] =	vst v59  }
0x4a: {  	v9 =	vld [tilespmem:$0x6630];
	[tilespmem:$0xEF60] =	vst v60  }
0x4b: {  	v10 =	vld [tilespmem:$0x6640];
	[tilespmem:$0xEF70] =	vst v61  }
0x4c: {  	v11 =	vld [tilespmem:$0x6650];
	[tilespmem:$0xEF80] =	vst v62  }
0x4d: {  	v12 =	vld [tilespmem:$0x6660];
	[tilespmem:$0xEF90] =	vst v63  }
0x4e: {  	v13 =	vld [tilespmem:$0x6670];
	[tilespmem:$0xEFA0] =	vst v8  }
0x4f: {  	v14 =	vld [tilespmem:$0x6680];
	[tilespmem:$0xEFB0] =	vst v9  }
0x50: {  	v15 =	vld [tilespmem:$0x6690];
	[tilespmem:$0xEFC0] =	vst v10  }
0x51: {  	v16 =	vld [tilespmem:$0x6E20];
	[tilespmem:$0xEFD0] =	vst v11  }
0x52: {  	v17 =	vld [tilespmem:$0x6E30];
	[tilespmem:$0xEFE0] =	vst v12  }
0x53: {  	v18 =	vld [tilespmem:$0x6E40];
	[tilespmem:$0xEFF0] =	vst v13  }
0x54: {  	v19 =	vld [tilespmem:$0x6E50];
	[tilespmem:$0xF000] =	vst v14  }
0x55: {  	v20 =	vld [tilespmem:$0x6E60];
	[tilespmem:$0xF010] =	vst v15  }
0x56: {  	v21 =	vld [tilespmem:$0x6E70];
	[tilespmem:$0xF020] =	vst v16  }
0x57: {  	v22 =	vld [tilespmem:$0x6E80];
	[tilespmem:$0xF030] =	vst v17  }
0x58: {  	v23 =	vld [tilespmem:$0x6E90];
	[tilespmem:$0xF040] =	vst v18  }
0x59: {  	v24 =	vld [tilespmem:$0x7620];
	[tilespmem:$0xF050] =	vst v19  }
0x5a: {  	v25 =	vld [tilespmem:$0x7630];
	[tilespmem:$0xF060] =	vst v20  }
0x5b: {  	v26 =	vld [tilespmem:$0x7640];
	[tilespmem:$0xF070] =	vst v21  }
0x5c: {  	v27 =	vld [tilespmem:$0x7650];
	[tilespmem:$0xF080] =	vst v22  }
0x5d: {  	v28 =	vld [tilespmem:$0x7660];
	[tilespmem:$0xF090] =	vst v23  }
0x5e: {  	v29 =	vld [tilespmem:$0x7670];
	[tilespmem:$0xF0A0] =	vst v24  }
0x5f: {  	v30 =	vld [tilespmem:$0x7680];
	[tilespmem:$0xF0B0] =	vst v25  }
0x60: {  	v31 =	vld [tilespmem:$0x7690];
	[tilespmem:$0xF0C0] =	vst v26  }
0x61: {  	v32 =	vld [tilespmem:$0x7E20];
	[tilespmem:$0xF0D0] =	vst v27  }
0x62: {  	v33 =	vld [tilespmem:$0x7E30];
	[tilespmem:$0xF0E0] =	vst v28  }
0x63: {  	v34 =	vld [tilespmem:$0x7E40];
	[tilespmem:$0xF0F0] =	vst v29  }
0x64: {  	v35 =	vld [tilespmem:$0x7E50];
	[tilespmem:$0xF100] =	vst v30  }
0x65: {  	v36 =	vld [tilespmem:$0x7E60];
	[tilespmem:$0xF110] =	vst v31  }
0x66: {  	v37 =	vld [tilespmem:$0x7E70];
	[tilespmem:$0xF120] =	vst v32  }
0x67: {  	v38 =	vld [tilespmem:$0x7E80];
	[tilespmem:$0xF130] =	vst v33  }
0x68: {  	v39 =	vld [tilespmem:$0x7E90];
	[tilespmem:$0xF140] =	vst v34  }
0x69: {  	v40 =	vld [tilespmem:$0x8620];
	[tilespmem:$0xF150] =	vst v35  }
0x6a: {  	v41 =	vld [tilespmem:$0x8630];
	[tilespmem:$0xF160] =	vst v36  }
0x6b: {  	v42 =	vld [tilespmem:$0x8640];
	[tilespmem:$0xF170] =	vst v37  }
0x6c: {  	v43 =	vld [tilespmem:$0x8650];
	[tilespmem:$0xF180] =	vst v38  }
0x6d: {  	v44 =	vld [tilespmem:$0x8660];
	[tilespmem:$0xF190] =	vst v39  }
0x6e: {  	[tilespmem:$0xF1A0] =	vst v40;
	v45 =	vld [tilespmem:$0x8670]  }
0x6f: {  	[tilespmem:$0xF1B0] =	vst v41;
	v46 =	vld [tilespmem:$0x8680]  }
0x70: {  	[tilespmem:$0xF1C0] =	vst v42;
	v47 =	vld [tilespmem:$0x8690]  }
0x71: {  	[tilespmem:$0xF1D0] =	vst v43;
	v48 =	vld [tilespmem:$0x8E20]  }
0x72: {  	[tilespmem:$0xF1E0] =	vst v44;
	v49 =	vld [tilespmem:$0x8E30]  }
0x73: {  	v50 =	vld [tilespmem:$0x8E40];
	[tilespmem:$0xF1F0] =	vst v45  }
0x74: {  	v51 =	vld [tilespmem:$0x8E50];
	[tilespmem:$0xF200] =	vst v46  }
0x75: {  	v52 =	vld [tilespmem:$0x8E60];
	[tilespmem:$0xF210] =	vst v47  }
0x76: {  	v53 =	vld [tilespmem:$0x8E70];
	[tilespmem:$0xF220] =	vst v48  }
0x77: {  	v54 =	vld [tilespmem:$0x8E80];
	[tilespmem:$0xF230] =	vst v49  }
0x78: {  	v55 =	vld [tilespmem:$0x8E90];
	[tilespmem:$0xF240] =	vst v50  }
0x79: {  	v56 =	vld [tilespmem:$0x9620];
	[tilespmem:$0xF250] =	vst v51  }
0x7a: {  	v57 =	vld [tilespmem:$0x9630];
	[tilespmem:$0xF260] =	vst v52  }
0x7b: {  	v58 =	vld [tilespmem:$0x9640];
	[tilespmem:$0xF270] =	vst v53  }
0x7c: {  	v59 =	vld [tilespmem:$0x9650];
	[tilespmem:$0xF280] =	vst v54  }
0x7d: {  	v60 =	vld [tilespmem:$0x9660];
	[tilespmem:$0xF290] =	vst v55  }
0x7e: {  	v61 =	vld [tilespmem:$0x9670];
	[tilespmem:$0xF2A0] =	vst v56  }
0x7f: {  	v62 =	vld [tilespmem:$0x9680];
	[tilespmem:$0xF2B0] =	vst v57  }
0x80: {  	v63 =	vld [tilespmem:$0x9690];
	[tilespmem:$0xF2C0] =	vst v58  }
0x81: {  	[tilespmem:$0xF2D0] =	vst v59  }
.Ltmp4:
0x82: {  	[tilespmem:$0xF2E0] =	vst v60;
	(pc) =	sbr.rel @p1 .LBB2_4-.Ltmp4, $4  }
0x83: {  	[tilespmem:$0xF2F0] =	vst v61  }
0x84: {  	[tilespmem:$0xF300] =	vst v62  }
0x85: {  	[tilespmem:$0xF310] =	vst v63  }
0x86: {  	[hbm4b:s19+s3] =	stream.linear.scatter [tilespmem:s13], [sflag:$0x2], $0x500, $0x38;
	[tilespmem:$0xF820] =	vst v63  }
0x87: {  	s22 =	sshra.s32 s20, $0x2  }
0x88: {  	s23 =	sadd.s32 $0x140, s22  }
0x89: {  	[tilespmem:s10], [sflag:$0x1] =	stream.indirect.gather [hbm4b:s1+s9], $0x80, s23, s9, $0xb8;
	[tilespmem:$0xF820] =	vst v63  }
0x8a: {  	s22 =	sadd.s32 $0x190, s22  }
0x8b: {  	[tilespmem:s11], [sflag:$0x1] =	stream.indirect.gather [hbm4b:s1+s9], $0x80, s22, s9, $0xb8;
	[tilespmem:$0xF820] =	vst v63  }
0x8c: {  	_ =	swait.ge [sflag:s12], $0x2800  }
0x8d: {  	[sflag:s12] =	ssyncset.done $0x0  }
0x8e: {  	[sflag:s12] =	ssyncadd.s32 $0xFFFFD800  }
0x8f: {  	_ =	swait.ge [sflag:s12], $0x2800  }
0x90: {  	[sflag:s12] =	ssyncset.done $0x0  }
0x91: {  	[sflag:s12] =	ssyncadd.s32 $0xFFFFD800  }
0x92: {  	_ =	swait.ge @!p0 [sflag:s21], $0x500  }
0x93: {  	[sflag:s21] =	ssyncset.done @!p0 $0x0  }
0x94: {  	[sflag:s21] =	ssyncadd.s32 @!p0 $0xFFFFFB00  }
0x95: {  	v0 =	vld [tilespmem:$0x9E20]  }
0x96: {  	v1 =	vld [tilespmem:$0x9E30]  }
0x97: {  	v2 =	vld [tilespmem:$0x9E40]  }
0x98: {  	v3 =	vld [tilespmem:$0x9E50]  }
0x99: {  	v4 =	vld [tilespmem:$0x9E60]  }
0x9a: {  	v45 =	vld [tilespmem:$0x9E70];
	[tilespmem:$0xF320] =	vst v0  }
0x9b: {  	v46 =	vld [tilespmem:$0x9E80];
	[tilespmem:$0xF330] =	vst v1  }
0x9c: {  	v47 =	vld [tilespmem:$0x9E90];
	[tilespmem:$0xF340] =	vst v2  }
0x9d: {  	v48 =	vld [tilespmem:$0xA620];
	[tilespmem:$0xF350] =	vst v3  }
0x9e: {  	v49 =	vld [tilespmem:$0xA630];
	[tilespmem:$0xF360] =	vst v4  }
0x9f: {  	v50 =	vld [tilespmem:$0xA640];
	[tilespmem:$0xF370] =	vst v45  }
0xa0: {  	v51 =	vld [tilespmem:$0xA650];
	[tilespmem:$0xF380] =	vst v46  }
0xa1: {  	v52 =	vld [tilespmem:$0xA660];
	[tilespmem:$0xF390] =	vst v47  }
0xa2: {  	v53 =	vld [tilespmem:$0xA670];
	[tilespmem:$0xF3A0] =	vst v48  }
0xa3: {  	v54 =	vld [tilespmem:$0xA680];
	[tilespmem:$0xF3B0] =	vst v49  }
0xa4: {  	v55 =	vld [tilespmem:$0xA690];
	[tilespmem:$0xF3C0] =	vst v50  }
0xa5: {  	v56 =	vld [tilespmem:$0xAE20];
	[tilespmem:$0xF3D0] =	vst v51  }
0xa6: {  	v57 =	vld [tilespmem:$0xAE30];
	[tilespmem:$0xF3E0] =	vst v52  }
0xa7: {  	v58 =	vld [tilespmem:$0xAE40];
	[tilespmem:$0xF3F0] =	vst v53  }
0xa8: {  	v59 =	vld [tilespmem:$0xAE50];
	[tilespmem:$0xF400] =	vst v54  }
0xa9: {  	v60 =	vld [tilespmem:$0xAE60];
	[tilespmem:$0xF410] =	vst v55  }
0xaa: {  	v61 =	vld [tilespmem:$0xAE70];
	[tilespmem:$0xF420] =	vst v56  }
0xab: {  	v62 =	vld [tilespmem:$0xAE80];
	[tilespmem:$0xF430] =	vst v57  }
0xac: {  	v63 =	vld [tilespmem:$0xAE90];
	[tilespmem:$0xF440] =	vst v58  }
0xad: {  	v8 =	vld [tilespmem:$0xB620];
	[tilespmem:$0xF450] =	vst v59  }
0xae: {  	v9 =	vld [tilespmem:$0xB630];
	[tilespmem:$0xF460] =	vst v60  }
0xaf: {  	v10 =	vld [tilespmem:$0xB640];
	[tilespmem:$0xF470] =	vst v61  }
0xb0: {  	v11 =	vld [tilespmem:$0xB650];
	[tilespmem:$0xF480] =	vst v62  }
0xb1: {  	v12 =	vld [tilespmem:$0xB660];
	[tilespmem:$0xF490] =	vst v63  }
0xb2: {  	v13 =	vld [tilespmem:$0xB670];
	[tilespmem:$0xF4A0] =	vst v8  }
0xb3: {  	v14 =	vld [tilespmem:$0xB680];
	[tilespmem:$0xF4B0] =	vst v9  }
0xb4: {  	v15 =	vld [tilespmem:$0xB690];
	[tilespmem:$0xF4C0] =	vst v10  }
0xb5: {  	v16 =	vld [tilespmem:$0xBE20];
	[tilespmem:$0xF4D0] =	vst v11  }
0xb6: {  	v17 =	vld [tilespmem:$0xBE30];
	[tilespmem:$0xF4E0] =	vst v12  }
0xb7: {  	v18 =	vld [tilespmem:$0xBE40];
	[tilespmem:$0xF4F0] =	vst v13  }
0xb8: {  	v19 =	vld [tilespmem:$0xBE50];
	[tilespmem:$0xF500] =	vst v14  }
0xb9: {  	v20 =	vld [tilespmem:$0xBE60];
	[tilespmem:$0xF510] =	vst v15  }
0xba: {  	v21 =	vld [tilespmem:$0xBE70];
	[tilespmem:$0xF520] =	vst v16  }
0xbb: {  	v22 =	vld [tilespmem:$0xBE80];
	[tilespmem:$0xF530] =	vst v17  }
0xbc: {  	v23 =	vld [tilespmem:$0xBE90];
	[tilespmem:$0xF540] =	vst v18  }
0xbd: {  	v24 =	vld [tilespmem:$0xC620];
	[tilespmem:$0xF550] =	vst v19  }
0xbe: {  	v25 =	vld [tilespmem:$0xC630];
	[tilespmem:$0xF560] =	vst v20  }
0xbf: {  	v26 =	vld [tilespmem:$0xC640];
	[tilespmem:$0xF570] =	vst v21  }
0xc0: {  	v27 =	vld [tilespmem:$0xC650];
	[tilespmem:$0xF580] =	vst v22  }
0xc1: {  	v28 =	vld [tilespmem:$0xC660];
	[tilespmem:$0xF590] =	vst v23  }
0xc2: {  	v29 =	vld [tilespmem:$0xC670];
	[tilespmem:$0xF5A0] =	vst v24  }
0xc3: {  	v30 =	vld [tilespmem:$0xC680];
	[tilespmem:$0xF5B0] =	vst v25  }
0xc4: {  	v31 =	vld [tilespmem:$0xC690];
	[tilespmem:$0xF5C0] =	vst v26  }
0xc5: {  	v32 =	vld [tilespmem:$0xCE20];
	[tilespmem:$0xF5D0] =	vst v27  }
0xc6: {  	v33 =	vld [tilespmem:$0xCE30];
	[tilespmem:$0xF5E0] =	vst v28  }
0xc7: {  	v34 =	vld [tilespmem:$0xCE40];
	[tilespmem:$0xF5F0] =	vst v29  }
0xc8: {  	v35 =	vld [tilespmem:$0xCE50];
	[tilespmem:$0xF600] =	vst v30  }
0xc9: {  	v36 =	vld [tilespmem:$0xCE60];
	[tilespmem:$0xF610] =	vst v31  }
0xca: {  	v37 =	vld [tilespmem:$0xCE70];
	[tilespmem:$0xF620] =	vst v32  }
0xcb: {  	v38 =	vld [tilespmem:$0xCE80];
	[tilespmem:$0xF630] =	vst v33  }
0xcc: {  	v39 =	vld [tilespmem:$0xCE90];
	[tilespmem:$0xF640] =	vst v34  }
0xcd: {  	v40 =	vld [tilespmem:$0xD620];
	[tilespmem:$0xF650] =	vst v35  }
0xce: {  	v41 =	vld [tilespmem:$0xD630];
	[tilespmem:$0xF660] =	vst v36  }
0xcf: {  	v42 =	vld [tilespmem:$0xD640];
	[tilespmem:$0xF670] =	vst v37  }
0xd0: {  	v43 =	vld [tilespmem:$0xD650];
	[tilespmem:$0xF680] =	vst v38  }
0xd1: {  	v44 =	vld [tilespmem:$0xD660];
	[tilespmem:$0xF690] =	vst v39  }
0xd2: {  	[tilespmem:$0xF6A0] =	vst v40;
	v45 =	vld [tilespmem:$0xD670]  }
0xd3: {  	[tilespmem:$0xF6B0] =	vst v41;
	v46 =	vld [tilespmem:$0xD680]  }
0xd4: {  	[tilespmem:$0xF6C0] =	vst v42;
	v47 =	vld [tilespmem:$0xD690]  }
0xd5: {  	[tilespmem:$0xF6D0] =	vst v43;
	v48 =	vld [tilespmem:$0xDE20]  }
0xd6: {  	[tilespmem:$0xF6E0] =	vst v44;
	v49 =	vld [tilespmem:$0xDE30]  }
0xd7: {  	v50 =	vld [tilespmem:$0xDE40];
	[tilespmem:$0xF6F0] =	vst v45  }
0xd8: {  	v51 =	vld [tilespmem:$0xDE50];
	[tilespmem:$0xF700] =	vst v46  }
0xd9: {  	v52 =	vld [tilespmem:$0xDE60];
	[tilespmem:$0xF710] =	vst v47  }
0xda: {  	v53 =	vld [tilespmem:$0xDE70];
	[tilespmem:$0xF720] =	vst v48  }
0xdb: {  	v54 =	vld [tilespmem:$0xDE80];
	[tilespmem:$0xF730] =	vst v49  }
0xdc: {  	v55 =	vld [tilespmem:$0xDE90];
	[tilespmem:$0xF740] =	vst v50  }
0xdd: {  	v56 =	vld [tilespmem:$0xE620];
	[tilespmem:$0xF750] =	vst v51  }
0xde: {  	v57 =	vld [tilespmem:$0xE630];
	[tilespmem:$0xF760] =	vst v52  }
0xdf: {  	v58 =	vld [tilespmem:$0xE640];
	[tilespmem:$0xF770] =	vst v53  }
0xe0: {  	v59 =	vld [tilespmem:$0xE650];
	[tilespmem:$0xF780] =	vst v54  }
0xe1: {  	v60 =	vld [tilespmem:$0xE660];
	[tilespmem:$0xF790] =	vst v55  }
0xe2: {  	v61 =	vld [tilespmem:$0xE670];
	[tilespmem:$0xF7A0] =	vst v56  }
0xe3: {  	v62 =	vld [tilespmem:$0xE680];
	[tilespmem:$0xF7B0] =	vst v57  }
0xe4: {  	v63 =	vld [tilespmem:$0xE690];
	[tilespmem:$0xF7C0] =	vst v58  }
0xe5: {  	[tilespmem:$0xF7D0] =	vst v59  }
.Ltmp5:
0xe6: {  	[tilespmem:$0xF7E0] =	vst v60;
	(pc) =	sbr.rel .LBB2_4-.Ltmp5, $4  }
0xe7: {  	[tilespmem:$0xF7F0] =	vst v61  }
0xe8: {  	[tilespmem:$0xF800] =	vst v62  }
0xe9: {  	[tilespmem:$0xF810] =	vst v63  }
0xea: {  	[hbm4b:s18+s3] =	stream.linear.scatter [tilespmem:s14], [sflag:$0x2], $0x500, $0x38;
	[tilespmem:$0xF820] =	vst v63  }
.LBB2_6:
0xeb: {  	_ =	sfence.sel $0x180000  }
0xec: {  	[bflag:$0x0] =	sbarrier.arrive $0xFFFF  }
0xed: {  	p0 =	sne.s32 s0, $0x0;
	_ =	strace $0x90000047  }
0xee: {  	s0 =	sadd.s32 @!p0 $0x100000, s2;
	[bflag:$0x2] =	sbarrier.arrive $0xFFFF  }
0xef: {  	[sflag:s0] =	ssyncadd.tile.s32 @!p0 $0x1;
	_ =	shalt  }
.Lfunc_end2:
_tile_overlayer_lowered:
.L_overlay_start_2:
0xf0: {  	(tag) =	ssettag $0x2  }
0xf1: {  	s0 =	rddreg [dreg:$0x0];
	s2 =	stileid.u32  }
0xf2: {  	s1 =	rddreg [dreg:$0x1];
	p0 =	sne.s32 s2, $0x0  }
0xf3: {  	s3 =	rddreg [dreg:$0x2];
	[bflag:$0x3] =	sbarrier.arrive $0xFFFF;
	s2 =	simm.s32 @!p0 $0x1C03  }
0xf4: {  	[timem:s3], [sflag:s2] =	dma.local @!p0 [hbm:s0], s1  }
0xf5: {  	s0 =	simm.s32 @!p0 $0x3  }
0xf6: {  	_ =	swait.ge @!p0 [sflag:s0], s1  }
0xf7: {  	s1 =	ssub.s32 @!p0 $0x0, s1;
	[sflag:s0] =	ssyncset.done @!p0 $0x0  }
0xf8: {  	[sflag:s0] =	ssyncadd.s32 @!p0 s1  }
0xf9: {  	[bflag:$0x3] =	sbarrier.arrive $0xFFFF  }
0xfa: {  	_ =	shalt  }

</sc_bundles>
